<compile_context>
chip_gen: v7x
topology: tpu7x:2x2x1
jax: 0.10.2.dev20260603
libtpu: 0.0.44.dev20260713+nightly
codegen_flags: <defaults>
</compile_context>

<pallas_src>
import functools

import jax
import jax.numpy as jnp
from jax import lax
from jax.experimental import pallas as pl
from jax.experimental.pallas import tpu as pltpu
from jax.experimental.pallas import tpu_sc as plsc

_KWS_LIST = (5, 12, 23, 37, 41, 58, 66, 74, 89, 97, 103, 118, 127, 134, 149, 155)
_NODE_NONE = 3002

_NC, _NS, _L = 2, 16, 16
_NW = _NC * _NS


_CHUNK = 39
_NBUF = 16


def _kws_groups(chunk):
    groups = {}
    for kc in _KWS_LIST:
        groups.setdefault(kc // chunk, []).append(kc % chunk)
    return sorted(groups.items())


def _dense_body(lb_ref, x_any, v_ref, lse_ref, pp_ref, l2s_ref,
                xbuf, m_sc, s_sc, ks_sc, vv_sc, sem):
    chunk = xbuf.shape[1]
    nchunks = x_any.shape[0] // chunk

    m_sc[...] = jnp.full(m_sc.shape, -jnp.inf, m_sc.dtype)
    s_sc[...] = jnp.zeros(s_sc.shape, s_sc.dtype)
    ks_sc[...] = jnp.zeros(ks_sc.shape, ks_sc.dtype)
    vv_sc[...] = jnp.zeros(vv_sc.shape, vv_sc.dtype)

    for b in range(min(_NBUF, nchunks)):
        pltpu.make_async_copy(
            x_any.at[pl.ds(b * chunk, chunk)], xbuf.at[b], sem.at[b]).start()

    lb = lb_ref[...]

    def _step(c, carry):
        slot = lax.rem(c, _NBUF)
        pltpu.make_async_copy(
            x_any.at[pl.ds(c * chunk, chunk)], xbuf.at[slot], sem.at[slot]
        ).wait()
        xb = xbuf[slot]
        cls = lax.broadcasted_iota(jnp.int32, (chunk, 1, 1), 0) + c * chunk

        hit = cls == lb
        bmax = jnp.max(xb, axis=0)
        vvb = jnp.sum(jnp.where(hit, xb, jnp.zeros_like(xb)), axis=0)
        m_old = m_sc[...]
        m_new = jnp.maximum(m_old, bmax)
        scale = jnp.exp(m_old - m_new)
        s_sc[...] = s_sc[...] * scale + jnp.sum(jnp.exp(xb - m_new[None]), axis=0)
        vv_sc[...] += vvb
        m_sc[...] = m_new

        @pl.when(c != 0)
        def _ks_scale():
            ks_sc[...] = ks_sc[...] * scale

        for cidx, offs in _kws_groups(chunk):
            @pl.when(c == cidx)
            def _ks_add(offs=offs):
                add = jnp.exp(xb[offs[0]] - m_new)
                for off in offs[1:]:
                    add += jnp.exp(xb[off] - m_new)
                ks_sc[...] += add

        @pl.when(c + _NBUF < nchunks)
        def _prefetch():
            pltpu.make_async_copy(
                x_any.at[pl.ds((c + _NBUF) * chunk, chunk)],
                xbuf.at[slot], sem.at[slot]).start()

        return carry

    lax.fori_loop(0, nchunks, _step, 0)

    m = m_sc[...]
    s = s_sc[...]
    ks = ks_sc[...]
    v_ref[...] = vv_sc[...]
    lse_ref[...] = m + jnp.log(s)
    pp = ks / s
    pn = (s - ks) / s
    pp_ref[...] = pp
    lse2 = jnp.log(jnp.exp(pp) + jnp.exp(pn))
    l2s_ref[...] = jnp.reshape(jnp.sum(lse2), (1, 1))


def _sparse_body(lb_hbm, v_hbm, lse_hbm, pp_hbm, out_hbm,
                 lb_v, v_v, lse_v, pp_v, acc_v):
    bw = lb_v.shape[0]
    wid = lax.axis_index("s") * _NC + lax.axis_index("c")
    base = wid * bw

    pltpu.sync_copy(lb_hbm.at[pl.ds(base, bw)], lb_v)
    pltpu.sync_copy(v_hbm.at[pl.ds(base, bw)], v_v)
    pltpu.sync_copy(lse_hbm.at[pl.ds(base, bw)], lse_v)
    pltpu.sync_copy(pp_hbm.at[pl.ds(base, bw)], pp_v)

    zero = jnp.zeros((_L,), jnp.float32)
    onei = jnp.ones((_L,), jnp.int32)
    a_pos_lse = zero; a_pos_v = zero; a_npos = zero
    a_neg_lse = zero; a_neg_v = zero; a_nneg = zero
    a_kws_pp = zero; a_non_pn = zero
    for j in range(bw // _L):
        sl = pl.ds(j * _L, _L)
        lbc = lb_v[sl]
        vc = v_v[sl]
        lsec = lse_v[sl]
        ppc = pp_v[sl]
        d = jnp.abs(lbc - _KWS_LIST[0])
        for kc in _KWS_LIST[1:]:
            d = jnp.minimum(d, jnp.abs(lbc - kc))
        mpos = (onei - jnp.minimum(d, onei)).astype(jnp.float32)
        mneg = jnp.minimum(d * jnp.abs(lbc - _NODE_NONE), onei).astype(jnp.float32)
        a_pos_lse += lsec * mpos
        a_pos_v += vc * mpos
        a_npos += mpos
        a_neg_lse += lsec * mneg
        a_neg_v += vc * mneg
        a_nneg += mneg
        a_kws_pp += ppc * mpos
        a_non_pn += (1.0 - ppc) * (1.0 - mpos)
    acc_v[0] = a_pos_lse
    acc_v[1] = a_pos_v
    acc_v[2] = a_npos
    acc_v[3] = a_neg_lse
    acc_v[4] = a_neg_v
    acc_v[5] = a_nneg
    acc_v[6] = a_kws_pp
    acc_v[7] = a_non_pn
    pltpu.sync_copy(acc_v, out_hbm.at[wid])


@functools.partial(jax.jit, static_argnums=())
def kernel(x, frames_label, num_classes, nmod):
    B, T, C = x.shape
    N = B * T
    xt = lax.transpose(x, (2, 0, 1))
    nmod_static = frames_label.size // N
    lb = frames_label.reshape(N, nmod_static)[:, 0].astype(jnp.int32)
    lb3 = lb.reshape(1, B, T)

    row_shape = jax.ShapeDtypeStruct((B, T), x.dtype)
    v, lse, pp, l2s = pl.pallas_call(
        _dense_body,
        in_specs=[
            pl.BlockSpec(memory_space=pltpu.MemorySpace.VMEM),
            pl.BlockSpec(memory_space=pl.ANY),
        ],
        out_shape=[row_shape, row_shape, row_shape,
                   jax.ShapeDtypeStruct((1, 1), x.dtype)],
        scratch_shapes=[
            pltpu.VMEM((_NBUF, _CHUNK, B, T), jnp.float32),
            pltpu.VMEM((B, T), jnp.float32),
            pltpu.VMEM((B, T), jnp.float32),
            pltpu.VMEM((B, T), jnp.float32),
            pltpu.VMEM((B, T), jnp.float32),
            pltpu.SemaphoreType.DMA((_NBUF,)),
        ],
    )(lb3, xt)

    bw = N // _NW
    mesh = plsc.VectorSubcoreMesh(core_axis_name="c", subcore_axis_name="s")
    sc = pl.kernel(
        _sparse_body,
        mesh=mesh,
        out_type=jax.ShapeDtypeStruct((_NW, 8, _L), jnp.float32),
        scratch_types=[
            pltpu.VMEM((bw,), jnp.int32),
            pltpu.VMEM((bw,), jnp.float32),
            pltpu.VMEM((bw,), jnp.float32),
            pltpu.VMEM((bw,), jnp.float32),
            pltpu.VMEM((8, _L), jnp.float32),
        ],
    )
    parts = sc(lb, v.reshape(-1), lse.reshape(-1), pp.reshape(-1))

    sums = jnp.sum(parts, axis=(0, 2))
    pos_lse, pos_v, npos = sums[0], sums[1], sums[2]
    neg_lse, neg_v, nneg = sums[3], sums[4], sums[5]
    kws_pp, non_pn = sums[6], sums[7]
    loss = ((pos_lse - pos_v) / jnp.maximum(npos, 1.0)
            + (neg_lse - neg_v) / jnp.maximum(nneg, 1.0)
            + (l2s[0, 0] - kws_pp - non_pn) / jnp.float32(N))
    return loss.astype(x.dtype)

# --- scband reference (transcript-rebuilt; emitter-appended) ---
"""Pipeline reference for scband-kwsiflytek-loss3-54168127537383 (READ-ONLY COPY).

The authoritative reference and input builder live on the scoring server;
editing this copy changes nothing except your own understanding.
"""

import jax, jax.numpy as jnp
import numpy as np

KWS_STATES = jnp.array([5, 12, 23, 37, 41, 58, 66, 74, 89, 97, 103, 118, 127, 134, 149, 155], dtype=jnp.int32)
NODE_NONE = 3002


def ce_ignore(logits, target):
    # CrossEntropyLoss(ignore_index=-1, reduction='mean', label_smoothing=0.0)
    valid = target != -1
    safe_t = jnp.where(valid, target, 0)
    logp = jax.nn.log_softmax(logits, axis=1)
    nll = -jnp.take_along_axis(logp, safe_t[:, None], axis=1)[:, 0]
    nll = jnp.where(valid, nll, 0.0)
    denom = jnp.maximum(jnp.sum(valid), 1)
    return jnp.sum(nll) / denom.astype(logits.dtype)


def setup_inputs(seed: int = 0):
    key = jax.random.key(seed)
    k1, k2 = jax.random.split(key)
    x = jax.random.normal(k1, (16, 512, 3003), dtype=jnp.float32)
    frames_label = jax.random.randint(k2, (16, 2048), 0, 3003, dtype=jnp.int32)
    return {"x": x, "frames_label": frames_label, "num_classes": 3003, "nmod": 4}


def reference(x, frames_label, num_classes, nmod):
    C = x.shape[-1]
    x2 = x.reshape(-1, C)
    fl = frames_label.reshape(-1).astype(jnp.int32)
    nmod_static = fl.shape[0] // x2.shape[0]
    nmod_dep = (jnp.asarray(nmod, dtype=jnp.int32) - nmod_static)
    num_classes_static = C
    num_classes_dep = (jnp.asarray(num_classes, dtype=jnp.int32) - num_classes_static)
    target = jnp.where(fl < 0, -1, fl)
    target = jnp.where(target == NODE_NONE, -1, target)
    target = target.reshape(-1, nmod_static)[:, 0] + nmod_dep

    probs = jax.nn.softmax(x2, axis=1)
    gather_idx = jnp.where(target < 0, 0, target)
    class_prob = jnp.take_along_axis(probs, gather_idx[:, None], axis=1)[:, 0]  # computed as in torch (unused for default scores)

    max_class = max(NODE_NONE, num_classes_static) + 1
    target_tmp = fl.reshape(-1, nmod_static)[:, 0] + num_classes_dep
    target_tmp = jnp.where(target_tmp < 0, max_class, target_tmp)
    mask_class = jnp.arange(max_class + 1, dtype=jnp.int32)
    mask_class = mask_class.at[KWS_STATES].set(-6)
    target_bce = mask_class[target_tmp]
    target_bce = jnp.where(target_bce == max_class, -1, target_bce)
    target_bce = jnp.where(target_bce >= 0, 1, target_bce)
    target_bce = jnp.where(target_bce == -6, 0, target_bce)

    target_pos = jnp.where(target_bce == 0, target, -1)
    n_pos = jnp.sum(target_pos >= 0)
    target_neg = jnp.where(target_bce == 1, target, -1)
    n_neg = jnp.sum(target_neg >= 0)

    pos_vec = jnp.zeros((C,), dtype=x2.dtype).at[KWS_STATES].set(1.0)
    probs_pos = jnp.sum(probs * pos_vec[None, :], axis=1)
    probs_neg = jnp.sum(probs * (1.0 - pos_vec)[None, :], axis=1)
    probs_bce = jnp.concatenate([probs_pos[:, None], probs_neg[:, None]], axis=1)
    n_bce = jnp.sum(target_bce >= 0)

    out_loss = jnp.asarray(0.0, dtype=x2.dtype)
    out_loss = out_loss + jnp.where(n_pos > 0, ce_ignore(x2, target_pos), 0.0)
    out_loss = out_loss + jnp.where(n_neg > 0, ce_ignore(x2, target_neg), 0.0)
    out_loss = out_loss + jnp.where(n_bce > 0, ce_ignore(probs_bce, target_bce), 0.0)
    return out_loss

if __name__ == "__main__":
    import jax
    _d = setup_inputs()
    print(jax.jit(kernel)(*tuple(_d.values())))

</pallas_src>

<mosaic_0001>
#map = affine_map<(d0, d1) -> (0)>
#map1 = affine_map<(d0, d1) -> (0, 0, 0)>
module attributes {stable_mosaic.version = 14 : i64} {
  func.func @_sparse_body(%arg0: i32, %arg1: i32, %arg2: memref<8192xi32, #tpu.memory_space<hbm>>, %arg3: memref<8192xf32, #tpu.memory_space<hbm>>, %arg4: memref<8192xf32, #tpu.memory_space<hbm>>, %arg5: memref<8192xf32, #tpu.memory_space<hbm>>, %arg6: memref<32x8x16xf32, #tpu.memory_space<hbm>>, %arg7: memref<256xi32, #tpu.memory_space<vmem>>, %arg8: memref<256xf32, #tpu.memory_space<vmem>>, %arg9: memref<256xf32, #tpu.memory_space<vmem>>, %arg10: memref<256xf32, #tpu.memory_space<vmem>>, %arg11: memref<8x16xf32, #tpu.memory_space<vmem>>) attributes {dimension_semantics = [#tpu.dimension_semantics<core_parallel>, #tpu.dimension_semantics<subcore_parallel>], iteration_bounds = array<i64: 2, 16>, scalar_prefetch = 0 : i64, scratch_operands = 5 : i64, tpu.core_type = #tpu.core_type<sc_vector_subcore>, window_params = [{transform_indices = #map}, {transform_indices = #map}, {transform_indices = #map}, {transform_indices = #map}, {transform_indices = #map1}]} {
    %mul3A = arith.constant 2 : i32
    %mul3A_0 = arith.muli %arg1, %mul3A : i32
    %add3A = arith.addi %mul3A_0, %arg0 : i32
    %mul3A_1 = arith.constant 256 : i32
    %mul3A_2 = arith.muli %add3A, %mul3A_1 : i32
    "tpu.region"() ({
      %run_scoped3A = tpu.sem_alloc : memref<!tpu.dma_semaphore, #tpu.memory_space<semaphore_mem>>
      %dma_start3A = tpu.memref_slice %arg2[%mul3A_2] : memref<8192xi32, #tpu.memory_space<hbm>> -> memref<256xi32, #tpu.memory_space<hbm>>
      %dma_start3A_1984 = tpu.memref_slice %arg2[%mul3A_2] : memref<8192xi32, #tpu.memory_space<hbm>> -> memref<256xi32, #tpu.memory_space<hbm>>
      tpu.enqueue_dma source(%dma_start3A_1984 : memref<256xi32, #tpu.memory_space<hbm>>) target(%arg7 : memref<256xi32, #tpu.memory_space<vmem>>) target_semaphore(%run_scoped3A : memref<!tpu.dma_semaphore, #tpu.memory_space<semaphore_mem>>)
      %dma_wait3A = tpu.memref_slice %arg2[%mul3A_2] : memref<8192xi32, #tpu.memory_space<hbm>> -> memref<256xi32, #tpu.memory_space<hbm>>
      %dma_wait3A_1985 = tpu.memref_slice %arg2[%mul3A_2] : memref<8192xi32, #tpu.memory_space<hbm>> -> memref<256xi32, #tpu.memory_space<hbm>>
      tpu.wait_dma2 semaphore(%run_scoped3A : memref<!tpu.dma_semaphore, #tpu.memory_space<semaphore_mem>>) src(%dma_wait3A_1985 : memref<256xi32, #tpu.memory_space<hbm>>) dst(%arg7 : memref<256xi32, #tpu.memory_space<vmem>>)
      tpu.yield
    }) : () -> ()
    "tpu.region"() ({
      %run_scoped3A = tpu.sem_alloc : memref<!tpu.dma_semaphore, #tpu.memory_space<semaphore_mem>>
      %dma_start3A = tpu.memref_slice %arg3[%mul3A_2] : memref<8192xf32, #tpu.memory_space<hbm>> -> memref<256xf32, #tpu.memory_space<hbm>>
      %dma_start3A_1984 = tpu.memref_slice %arg3[%mul3A_2] : memref<8192xf32, #tpu.memory_space<hbm>> -> memref<256xf32, #tpu.memory_space<hbm>>
      tpu.enqueue_dma source(%dma_start3A_1984 : memref<256xf32, #tpu.memory_space<hbm>>) target(%arg8 : memref<256xf32, #tpu.memory_space<vmem>>) target_semaphore(%run_scoped3A : memref<!tpu.dma_semaphore, #tpu.memory_space<semaphore_mem>>)
      %dma_wait3A = tpu.memref_slice %arg3[%mul3A_2] : memref<8192xf32, #tpu.memory_space<hbm>> -> memref<256xf32, #tpu.memory_space<hbm>>
      %dma_wait3A_1985 = tpu.memref_slice %arg3[%mul3A_2] : memref<8192xf32, #tpu.memory_space<hbm>> -> memref<256xf32, #tpu.memory_space<hbm>>
      tpu.wait_dma2 semaphore(%run_scoped3A : memref<!tpu.dma_semaphore, #tpu.memory_space<semaphore_mem>>) src(%dma_wait3A_1985 : memref<256xf32, #tpu.memory_space<hbm>>) dst(%arg8 : memref<256xf32, #tpu.memory_space<vmem>>)
      tpu.yield
    }) : () -> ()
    "tpu.region"() ({
      %run_scoped3A = tpu.sem_alloc : memref<!tpu.dma_semaphore, #tpu.memory_space<semaphore_mem>>
      %dma_start3A = tpu.memref_slice %arg4[%mul3A_2] : memref<8192xf32, #tpu.memory_space<hbm>> -> memref<256xf32, #tpu.memory_space<hbm>>
      %dma_start3A_1984 = tpu.memref_slice %arg4[%mul3A_2] : memref<8192xf32, #tpu.memory_space<hbm>> -> memref<256xf32, #tpu.memory_space<hbm>>
      tpu.enqueue_dma source(%dma_start3A_1984 : memref<256xf32, #tpu.memory_space<hbm>>) target(%arg9 : memref<256xf32, #tpu.memory_space<vmem>>) target_semaphore(%run_scoped3A : memref<!tpu.dma_semaphore, #tpu.memory_space<semaphore_mem>>)
      %dma_wait3A = tpu.memref_slice %arg4[%mul3A_2] : memref<8192xf32, #tpu.memory_space<hbm>> -> memref<256xf32, #tpu.memory_space<hbm>>
      %dma_wait3A_1985 = tpu.memref_slice %arg4[%mul3A_2] : memref<8192xf32, #tpu.memory_space<hbm>> -> memref<256xf32, #tpu.memory_space<hbm>>
      tpu.wait_dma2 semaphore(%run_scoped3A : memref<!tpu.dma_semaphore, #tpu.memory_space<semaphore_mem>>) src(%dma_wait3A_1985 : memref<256xf32, #tpu.memory_space<hbm>>) dst(%arg9 : memref<256xf32, #tpu.memory_space<vmem>>)
      tpu.yield
    }) : () -> ()
    "tpu.region"() ({
      %run_scoped3A = tpu.sem_alloc : memref<!tpu.dma_semaphore, #tpu.memory_space<semaphore_mem>>
      %dma_start3A = tpu.memref_slice %arg5[%mul3A_2] : memref<8192xf32, #tpu.memory_space<hbm>> -> memref<256xf32, #tpu.memory_space<hbm>>
      %dma_start3A_1984 = tpu.memref_slice %arg5[%mul3A_2] : memref<8192xf32, #tpu.memory_space<hbm>> -> memref<256xf32, #tpu.memory_space<hbm>>
      tpu.enqueue_dma source(%dma_start3A_1984 : memref<256xf32, #tpu.memory_space<hbm>>) target(%arg10 : memref<256xf32, #tpu.memory_space<vmem>>) target_semaphore(%run_scoped3A : memref<!tpu.dma_semaphore, #tpu.memory_space<semaphore_mem>>)
      %dma_wait3A = tpu.memref_slice %arg5[%mul3A_2] : memref<8192xf32, #tpu.memory_space<hbm>> -> memref<256xf32, #tpu.memory_space<hbm>>
      %dma_wait3A_1985 = tpu.memref_slice %arg5[%mul3A_2] : memref<8192xf32, #tpu.memory_space<hbm>> -> memref<256xf32, #tpu.memory_space<hbm>>
      tpu.wait_dma2 semaphore(%run_scoped3A : memref<!tpu.dma_semaphore, #tpu.memory_space<semaphore_mem>>) src(%dma_wait3A_1985 : memref<256xf32, #tpu.memory_space<hbm>>) dst(%arg10 : memref<256xf32, #tpu.memory_space<vmem>>)
      tpu.yield
    }) : () -> ()
    %broadcast_in_dim3A = arith.constant 0.000000e+00 : f32
    %broadcast_in_dim3A_3 = vector.broadcast %broadcast_in_dim3A : f32 to vector<16xf32>
    %broadcast_in_dim3A_4 = arith.constant 1 : i32
    %broadcast_in_dim3A_5 = vector.broadcast %broadcast_in_dim3A_4 : i32 to vector<16xi32>
    %get3A = arith.constant 0 : index
    %get3A_6 = tpu.vector_load %arg7[%get3A] {strides = array<i32>} : memref<256xi32, #tpu.memory_space<vmem>>, vector<16xi32>,
    %get3A_7 = vector.shape_cast %get3A_6 : vector<16xi32> to vector<16xi32>
    %get3A_8 = arith.constant 0 : index
    %get3A_9 = tpu.vector_load %arg8[%get3A_8] {strides = array<i32>} : memref<256xf32, #tpu.memory_space<vmem>>, vector<16xf32>,
    %get3A_10 = vector.shape_cast %get3A_9 : vector<16xf32> to vector<16xf32>
    %get3A_11 = arith.constant 0 : index
    %get3A_12 = tpu.vector_load %arg9[%get3A_11] {strides = array<i32>} : memref<256xf32, #tpu.memory_space<vmem>>, vector<16xf32>,
    %get3A_13 = vector.shape_cast %get3A_12 : vector<16xf32> to vector<16xf32>
    %get3A_14 = arith.constant 0 : index
    %get3A_15 = tpu.vector_load %arg10[%get3A_14] {strides = array<i32>} : memref<256xf32, #tpu.memory_space<vmem>>, vector<16xf32>,
    %get3A_16 = vector.shape_cast %get3A_15 : vector<16xf32> to vector<16xf32>
    %sub3A = arith.constant 5 : i32
    %sub3A_17 = vector.broadcast %sub3A : i32 to vector<16xi32>
    %sub3A_18 = arith.subi %get3A_7, %sub3A_17 : vector<16xi32>
    %abs3A = math.absi %sub3A_18 : vector<16xi32>
    %sub3A_19 = arith.constant 12 : i32
    %sub3A_20 = vector.broadcast %sub3A_19 : i32 to vector<16xi32>
    %sub3A_21 = arith.subi %get3A_7, %sub3A_20 : vector<16xi32>
    %abs3A_22 = math.absi %sub3A_21 : vector<16xi32>
    %min3A = arith.minsi %abs3A, %abs3A_22 : vector<16xi32>
    %sub3A_23 = arith.constant 23 : i32
    %sub3A_24 = vector.broadcast %sub3A_23 : i32 to vector<16xi32>
    %sub3A_25 = arith.subi %get3A_7, %sub3A_24 : vector<16xi32>
    %abs3A_26 = math.absi %sub3A_25 : vector<16xi32>
    %min3A_27 = arith.minsi %min3A, %abs3A_26 : vector<16xi32>
    %sub3A_28 = arith.constant 37 : i32
    %sub3A_29 = vector.broadcast %sub3A_28 : i32 to vector<16xi32>
    %sub3A_30 = arith.subi %get3A_7, %sub3A_29 : vector<16xi32>
    %abs3A_31 = math.absi %sub3A_30 : vector<16xi32>
    %min3A_32 = arith.minsi %min3A_27, %abs3A_31 : vector<16xi32>
    %sub3A_33 = arith.constant 41 : i32
    %sub3A_34 = vector.broadcast %sub3A_33 : i32 to vector<16xi32>
    %sub3A_35 = arith.subi %get3A_7, %sub3A_34 : vector<16xi32>
    %abs3A_36 = math.absi %sub3A_35 : vector<16xi32>
    %min3A_37 = arith.minsi %min3A_32, %abs3A_36 : vector<16xi32>
    %sub3A_38 = arith.constant 58 : i32
    %sub3A_39 = vector.broadcast %sub3A_38 : i32 to vector<16xi32>
    %sub3A_40 = arith.subi %get3A_7, %sub3A_39 : vector<16xi32>
    %abs3A_41 = math.absi %sub3A_40 : vector<16xi32>
    %min3A_42 = arith.minsi %min3A_37, %abs3A_41 : vector<16xi32>
    %sub3A_43 = arith.constant 66 : i32
    %sub3A_44 = vector.broadcast %sub3A_43 : i32 to vector<16xi32>
    %sub3A_45 = arith.subi %get3A_7, %sub3A_44 : vector<16xi32>
    %abs3A_46 = math.absi %sub3A_45 : vector<16xi32>
    %min3A_47 = arith.minsi %min3A_42, %abs3A_46 : vector<16xi32>
    %sub3A_48 = arith.constant 74 : i32
    %sub3A_49 = vector.broadcast %sub3A_48 : i32 to vector<16xi32>
    %sub3A_50 = arith.subi %get3A_7, %sub3A_49 : vector<16xi32>
    %abs3A_51 = math.absi %sub3A_50 : vector<16xi32>
    %min3A_52 = arith.minsi %min3A_47, %abs3A_51 : vector<16xi32>
    %sub3A_53 = arith.constant 89 : i32
    %sub3A_54 = vector.broadcast %sub3A_53 : i32 to vector<16xi32>
    %sub3A_55 = arith.subi %get3A_7, %sub3A_54 : vector<16xi32>
    %abs3A_56 = math.absi %sub3A_55 : vector<16xi32>
    %min3A_57 = arith.minsi %min3A_52, %abs3A_56 : vector<16xi32>
    %sub3A_58 = arith.constant 97 : i32
    %sub3A_59 = vector.broadcast %sub3A_58 : i32 to vector<16xi32>
    %sub3A_60 = arith.subi %get3A_7, %sub3A_59 : vector<16xi32>
    %abs3A_61 = math.absi %sub3A_60 : vector<16xi32>
    %min3A_62 = arith.minsi %min3A_57, %abs3A_61 : vector<16xi32>
    %sub3A_63 = arith.constant 103 : i32
    %sub3A_64 = vector.broadcast %sub3A_63 : i32 to vector<16xi32>
    %sub3A_65 = arith.subi %get3A_7, %sub3A_64 : vector<16xi32>
    %abs3A_66 = math.absi %sub3A_65 : vector<16xi32>
    %min3A_67 = arith.minsi %min3A_62, %abs3A_66 : vector<16xi32>
    %sub3A_68 = arith.constant 118 : i32
    %sub3A_69 = vector.broadcast %sub3A_68 : i32 to vector<16xi32>
    %sub3A_70 = arith.subi %get3A_7, %sub3A_69 : vector<16xi32>
    %abs3A_71 = math.absi %sub3A_70 : vector<16xi32>
    %min3A_72 = arith.minsi %min3A_67, %abs3A_71 : vector<16xi32>
    %sub3A_73 = arith.constant 127 : i32
    %sub3A_74 = vector.broadcast %sub3A_73 : i32 to vector<16xi32>
    %sub3A_75 = arith.subi %get3A_7, %sub3A_74 : vector<16xi32>
    %abs3A_76 = math.absi %sub3A_75 : vector<16xi32>
    %min3A_77 = arith.minsi %min3A_72, %abs3A_76 : vector<16xi32>
    %sub3A_78 = arith.constant 134 : i32
    %sub3A_79 = vector.broadcast %sub3A_78 : i32 to vector<16xi32>
    %sub3A_80 = arith.subi %get3A_7, %sub3A_79 : vector<16xi32>
    %abs3A_81 = math.absi %sub3A_80 : vector<16xi32>
    %min3A_82 = arith.minsi %min3A_77, %abs3A_81 : vector<16xi32>
    %sub3A_83 = arith.constant 149 : i32
    %sub3A_84 = vector.broadcast %sub3A_83 : i32 to vector<16xi32>
    %sub3A_85 = arith.subi %get3A_7, %sub3A_84 : vector<16xi32>
    %abs3A_86 = math.absi %sub3A_85 : vector<16xi32>
    %min3A_87 = arith.minsi %min3A_82, %abs3A_86 : vector<16xi32>
    %sub3A_88 = arith.constant 155 : i32
    %sub3A_89 = vector.broadcast %sub3A_88 : i32 to vector<16xi32>
    %sub3A_90 = arith.subi %get3A_7, %sub3A_89 : vector<16xi32>
    %abs3A_91 = math.absi %sub3A_90 : vector<16xi32>
    %min3A_92 = arith.minsi %min3A_87, %abs3A_91 : vector<16xi32>
    %min3A_93 = arith.minsi %min3A_92, %broadcast_in_dim3A_5 : vector<16xi32>
    %sub3A_94 = arith.subi %broadcast_in_dim3A_5, %min3A_93 : vector<16xi32>
    %convert_element_type3A = arith.sitofp %sub3A_94 : vector<16xi32> to vector<16xf32>
    %sub3A_95 = arith.constant 3002 : i32
    %sub3A_96 = vector.broadcast %sub3A_95 : i32 to vector<16xi32>
    %sub3A_97 = arith.subi %get3A_7, %sub3A_96 : vector<16xi32>
    %abs3A_98 = math.absi %sub3A_97 : vector<16xi32>
    %mul3A_99 = arith.muli %min3A_92, %abs3A_98 : vector<16xi32>
    %min3A_100 = arith.minsi %mul3A_99, %broadcast_in_dim3A_5 : vector<16xi32>
    %convert_element_type3A_101 = arith.sitofp %min3A_100 : vector<16xi32> to vector<16xf32>
    %mul3A_102 = arith.mulf %get3A_13, %convert_element_type3A : vector<16xf32>
    %add3A_103 = arith.addf %broadcast_in_dim3A_3, %mul3A_102 : vector<16xf32>
    %mul3A_104 = arith.mulf %get3A_10, %convert_element_type3A : vector<16xf32>
    %add3A_105 = arith.addf %broadcast_in_dim3A_3, %mul3A_104 : vector<16xf32>
    %add3A_106 = arith.addf %broadcast_in_dim3A_3, %convert_element_type3A : vector<16xf32>
    %mul3A_107 = arith.mulf %get3A_13, %convert_element_type3A_101 : vector<16xf32>
    %add3A_108 = arith.addf %broadcast_in_dim3A_3, %mul3A_107 : vector<16xf32>
    %mul3A_109 = arith.mulf %get3A_10, %convert_element_type3A_101 : vector<16xf32>
    %add3A_110 = arith.addf %broadcast_in_dim3A_3, %mul3A_109 : vector<16xf32>
    %add3A_111 = arith.addf %broadcast_in_dim3A_3, %convert_element_type3A_101 : vector<16xf32>
    %mul3A_112 = arith.mulf %get3A_16, %convert_element_type3A : vector<16xf32>
    %add3A_113 = arith.addf %broadcast_in_dim3A_3, %mul3A_112 : vector<16xf32>
    %sub3A_114 = arith.constant 1.000000e+00 : f32
    %sub3A_115 = vector.broadcast %sub3A_114 : f32 to vector<16xf32>
    %sub3A_116 = arith.subf %sub3A_115, %get3A_16 : vector<16xf32>
    %sub3A_117 = arith.constant 1.000000e+00 : f32
    %sub3A_118 = vector.broadcast %sub3A_117 : f32 to vector<16xf32>
    %sub3A_119 = arith.subf %sub3A_118, %convert_element_type3A : vector<16xf32>
    %mul3A_120 = arith.mulf %sub3A_116, %sub3A_119 : vector<16xf32>
    %add3A_121 = arith.addf %broadcast_in_dim3A_3, %mul3A_120 : vector<16xf32>
    %get3A_122 = arith.constant 16 : index
    %get3A_123 = tpu.vector_load %arg7[%get3A_122] {strides = array<i32>} : memref<256xi32, #tpu.memory_space<vmem>>, vector<16xi32>,
    %get3A_124 = vector.shape_cast %get3A_123 : vector<16xi32> to vector<16xi32>
    %get3A_125 = arith.constant 16 : index
    %get3A_126 = tpu.vector_load %arg8[%get3A_125] {strides = array<i32>} : memref<256xf32, #tpu.memory_space<vmem>>, vector<16xf32>,
    %get3A_127 = vector.shape_cast %get3A_126 : vector<16xf32> to vector<16xf32>
    %get3A_128 = arith.constant 16 : index
    %get3A_129 = tpu.vector_load %arg9[%get3A_128] {strides = array<i32>} : memref<256xf32, #tpu.memory_space<vmem>>, vector<16xf32>,
    %get3A_130 = vector.shape_cast %get3A_129 : vector<16xf32> to vector<16xf32>
    %get3A_131 = arith.constant 16 : index
    %get3A_132 = tpu.vector_load %arg10[%get3A_131] {strides = array<i32>} : memref<256xf32, #tpu.memory_space<vmem>>, vector<16xf32>,
    %get3A_133 = vector.shape_cast %get3A_132 : vector<16xf32> to vector<16xf32>
    %sub3A_134 = arith.constant 5 : i32
    %sub3A_135 = vector.broadcast %sub3A_134 : i32 to vector<16xi32>
    %sub3A_136 = arith.subi %get3A_124, %sub3A_135 : vector<16xi32>
    %abs3A_137 = math.absi %sub3A_136 : vector<16xi32>
    %sub3A_138 = arith.constant 12 : i32
    %sub3A_139 = vector.broadcast %sub3A_138 : i32 to vector<16xi32>
    %sub3A_140 = arith.subi %get3A_124, %sub3A_139 : vector<16xi32>
    %abs3A_141 = math.absi %sub3A_140 : vector<16xi32>
    %min3A_142 = arith.minsi %abs3A_137, %abs3A_141 : vector<16xi32>
    %sub3A_143 = arith.constant 23 : i32
    %sub3A_144 = vector.broadcast %sub3A_143 : i32 to vector<16xi32>
    %sub3A_145 = arith.subi %get3A_124, %sub3A_144 : vector<16xi32>
    %abs3A_146 = math.absi %sub3A_145 : vector<16xi32>
    %min3A_147 = arith.minsi %min3A_142, %abs3A_146 : vector<16xi32>
    %sub3A_148 = arith.constant 37 : i32
    %sub3A_149 = vector.broadcast %sub3A_148 : i32 to vector<16xi32>
    %sub3A_150 = arith.subi %get3A_124, %sub3A_149 : vector<16xi32>
    %abs3A_151 = math.absi %sub3A_150 : vector<16xi32>
    %min3A_152 = arith.minsi %min3A_147, %abs3A_151 : vector<16xi32>
    %sub3A_153 = arith.constant 41 : i32
    %sub3A_154 = vector.broadcast %sub3A_153 : i32 to vector<16xi32>
    %sub3A_155 = arith.subi %get3A_124, %sub3A_154 : vector<16xi32>
    %abs3A_156 = math.absi %sub3A_155 : vector<16xi32>
    %min3A_157 = arith.minsi %min3A_152, %abs3A_156 : vector<16xi32>
    %sub3A_158 = arith.constant 58 : i32
    %sub3A_159 = vector.broadcast %sub3A_158 : i32 to vector<16xi32>
    %sub3A_160 = arith.subi %get3A_124, %sub3A_159 : vector<16xi32>
    %abs3A_161 = math.absi %sub3A_160 : vector<16xi32>
    %min3A_162 = arith.minsi %min3A_157, %abs3A_161 : vector<16xi32>
    %sub3A_163 = arith.constant 66 : i32
    %sub3A_164 = vector.broadcast %sub3A_163 : i32 to vector<16xi32>
    %sub3A_165 = arith.subi %get3A_124, %sub3A_164 : vector<16xi32>
    %abs3A_166 = math.absi %sub3A_165 : vector<16xi32>
    %min3A_167 = arith.minsi %min3A_162, %abs3A_166 : vector<16xi32>
    %sub3A_168 = arith.constant 74 : i32
    %sub3A_169 = vector.broadcast %sub3A_168 : i32 to vector<16xi32>
    %sub3A_170 = arith.subi %get3A_124, %sub3A_169 : vector<16xi32>
    %abs3A_171 = math.absi %sub3A_170 : vector<16xi32>
    %min3A_172 = arith.minsi %min3A_167, %abs3A_171 : vector<16xi32>
    %sub3A_173 = arith.constant 89 : i32
    %sub3A_174 = vector.broadcast %sub3A_173 : i32 to vector<16xi32>
    %sub3A_175 = arith.subi %get3A_124, %sub3A_174 : vector<16xi32>
    %abs3A_176 = math.absi %sub3A_175 : vector<16xi32>
    %min3A_177 = arith.minsi %min3A_172, %abs3A_176 : vector<16xi32>
    %sub3A_178 = arith.constant 97 : i32
    %sub3A_179 = vector.broadcast %sub3A_178 : i32 to vector<16xi32>
    %sub3A_180 = arith.subi %get3A_124, %sub3A_179 : vector<16xi32>
    %abs3A_181 = math.absi %sub3A_180 : vector<16xi32>
    %min3A_182 = arith.minsi %min3A_177, %abs3A_181 : vector<16xi32>
    %sub3A_183 = arith.constant 103 : i32
    %sub3A_184 = vector.broadcast %sub3A_183 : i32 to vector<16xi32>
    %sub3A_185 = arith.subi %get3A_124, %sub3A_184 : vector<16xi32>
    %abs3A_186 = math.absi %sub3A_185 : vector<16xi32>
    %min3A_187 = arith.minsi %min3A_182, %abs3A_186 : vector<16xi32>
    %sub3A_188 = arith.constant 118 : i32
    %sub3A_189 = vector.broadcast %sub3A_188 : i32 to vector<16xi32>
    %sub3A_190 = arith.subi %get3A_124, %sub3A_189 : vector<16xi32>
    %abs3A_191 = math.absi %sub3A_190 : vector<16xi32>
    %min3A_192 = arith.minsi %min3A_187, %abs3A_191 : vector<16xi32>
    %sub3A_193 = arith.constant 127 : i32
    %sub3A_194 = vector.broadcast %sub3A_193 : i32 to vector<16xi32>
    %sub3A_195 = arith.subi %get3A_124, %sub3A_194 : vector<16xi32>
    %abs3A_196 = math.absi %sub3A_195 : vector<16xi32>
    %min3A_197 = arith.minsi %min3A_192, %abs3A_196 : vector<16xi32>
    %sub3A_198 = arith.constant 134 : i32
    %sub3A_199 = vector.broadcast %sub3A_198 : i32 to vector<16xi32>
    %sub3A_200 = arith.subi %get3A_124, %sub3A_199 : vector<16xi32>
    %abs3A_201 = math.absi %sub3A_200 : vector<16xi32>
    %min3A_202 = arith.minsi %min3A_197, %abs3A_201 : vector<16xi32>
    %sub3A_203 = arith.constant 149 : i32
    %sub3A_204 = vector.broadcast %sub3A_203 : i32 to vector<16xi32>
    %sub3A_205 = arith.subi %get3A_124, %sub3A_204 : vector<16xi32>
    %abs3A_206 = math.absi %sub3A_205 : vector<16xi32>
    %min3A_207 = arith.minsi %min3A_202, %abs3A_206 : vector<16xi32>
    %sub3A_208 = arith.constant 155 : i32
    %sub3A_209 = vector.broadcast %sub3A_208 : i32 to vector<16xi32>
    %sub3A_210 = arith.subi %get3A_124, %sub3A_209 : vector<16xi32>
    %abs3A_211 = math.absi %sub3A_210 : vector<16xi32>
    %min3A_212 = arith.minsi %min3A_207, %abs3A_211 : vector<16xi32>
    %min3A_213 = arith.minsi %min3A_212, %broadcast_in_dim3A_5 : vector<16xi32>
    %sub3A_214 = arith.subi %broadcast_in_dim3A_5, %min3A_213 : vector<16xi32>
    %convert_element_type3A_215 = arith.sitofp %sub3A_214 : vector<16xi32> to vector<16xf32>
    %sub3A_216 = arith.constant 3002 : i32
    %sub3A_217 = vector.broadcast %sub3A_216 : i32 to vector<16xi32>
    %sub3A_218 = arith.subi %get3A_124, %sub3A_217 : vector<16xi32>
    %abs3A_219 = math.absi %sub3A_218 : vector<16xi32>
    %mul3A_220 = arith.muli %min3A_212, %abs3A_219 : vector<16xi32>
    %min3A_221 = arith.minsi %mul3A_220, %broadcast_in_dim3A_5 : vector<16xi32>
    %convert_element_type3A_222 = arith.sitofp %min3A_221 : vector<16xi32> to vector<16xf32>
    %mul3A_223 = arith.mulf %get3A_130, %convert_element_type3A_215 : vector<16xf32>
    %add3A_224 = arith.addf %add3A_103, %mul3A_223 : vector<16xf32>
    %mul3A_225 = arith.mulf %get3A_127, %convert_element_type3A_215 : vector<16xf32>
    %add3A_226 = arith.addf %add3A_105, %mul3A_225 : vector<16xf32>
    %add3A_227 = arith.addf %add3A_106, %convert_element_type3A_215 : vector<16xf32>
    %mul3A_228 = arith.mulf %get3A_130, %convert_element_type3A_222 : vector<16xf32>
    %add3A_229 = arith.addf %add3A_108, %mul3A_228 : vector<16xf32>
    %mul3A_230 = arith.mulf %get3A_127, %convert_element_type3A_222 : vector<16xf32>
    %add3A_231 = arith.addf %add3A_110, %mul3A_230 : vector<16xf32>
    %add3A_232 = arith.addf %add3A_111, %convert_element_type3A_222 : vector<16xf32>
    %mul3A_233 = arith.mulf %get3A_133, %convert_element_type3A_215 : vector<16xf32>
    %add3A_234 = arith.addf %add3A_113, %mul3A_233 : vector<16xf32>
    %sub3A_235 = arith.constant 1.000000e+00 : f32
    %sub3A_236 = vector.broadcast %sub3A_235 : f32 to vector<16xf32>
    %sub3A_237 = arith.subf %sub3A_236, %get3A_133 : vector<16xf32>
    %sub3A_238 = arith.constant 1.000000e+00 : f32
    %sub3A_239 = vector.broadcast %sub3A_238 : f32 to vector<16xf32>
    %sub3A_240 = arith.subf %sub3A_239, %convert_element_type3A_215 : vector<16xf32>
    %mul3A_241 = arith.mulf %sub3A_237, %sub3A_240 : vector<16xf32>
    %add3A_242 = arith.addf %add3A_121, %mul3A_241 : vector<16xf32>
    %get3A_243 = arith.constant 32 : index
    %get3A_244 = tpu.vector_load %arg7[%get3A_243] {strides = array<i32>} : memref<256xi32, #tpu.memory_space<vmem>>, vector<16xi32>,
    %get3A_245 = vector.shape_cast %get3A_244 : vector<16xi32> to vector<16xi32>
    %get3A_246 = arith.constant 32 : index
    %get3A_247 = tpu.vector_load %arg8[%get3A_246] {strides = array<i32>} : memref<256xf32, #tpu.memory_space<vmem>>, vector<16xf32>,
    %get3A_248 = vector.shape_cast %get3A_247 : vector<16xf32> to vector<16xf32>
    %get3A_249 = arith.constant 32 : index
    %get3A_250 = tpu.vector_load %arg9[%get3A_249] {strides = array<i32>} : memref<256xf32, #tpu.memory_space<vmem>>, vector<16xf32>,
    %get3A_251 = vector.shape_cast %get3A_250 : vector<16xf32> to vector<16xf32>
    %get3A_252 = arith.constant 32 : index
    %get3A_253 = tpu.vector_load %arg10[%get3A_252] {strides = array<i32>} : memref<256xf32, #tpu.memory_space<vmem>>, vector<16xf32>,
    %get3A_254 = vector.shape_cast %get3A_253 : vector<16xf32> to vector<16xf32>
    %sub3A_255 = arith.constant 5 : i32
    %sub3A_256 = vector.broadcast %sub3A_255 : i32 to vector<16xi32>
    %sub3A_257 = arith.subi %get3A_245, %sub3A_256 : vector<16xi32>
    %abs3A_258 = math.absi %sub3A_257 : vector<16xi32>
    %sub3A_259 = arith.constant 12 : i32
    %sub3A_260 = vector.broadcast %sub3A_259 : i32 to vector<16xi32>
    %sub3A_261 = arith.subi %get3A_245, %sub3A_260 : vector<16xi32>
    %abs3A_262 = math.absi %sub3A_261 : vector<16xi32>
    %min3A_263 = arith.minsi %abs3A_258, %abs3A_262 : vector<16xi32>
    %sub3A_264 = arith.constant 23 : i32
    %sub3A_265 = vector.broadcast %sub3A_264 : i32 to vector<16xi32>
    %sub3A_266 = arith.subi %get3A_245, %sub3A_265 : vector<16xi32>
    %abs3A_267 = math.absi %sub3A_266 : vector<16xi32>
    %min3A_268 = arith.minsi %min3A_263, %abs3A_267 : vector<16xi32>
    %sub3A_269 = arith.constant 37 : i32
    %sub3A_270 = vector.broadcast %sub3A_269 : i32 to vector<16xi32>
    %sub3A_271 = arith.subi %get3A_245, %sub3A_270 : vector<16xi32>
    %abs3A_272 = math.absi %sub3A_271 : vector<16xi32>
    %min3A_273 = arith.minsi %min3A_268, %abs3A_272 : vector<16xi32>
    %sub3A_274 = arith.constant 41 : i32
    %sub3A_275 = vector.broadcast %sub3A_274 : i32 to vector<16xi32>
    %sub3A_276 = arith.subi %get3A_245, %sub3A_275 : vector<16xi32>
    %abs3A_277 = math.absi %sub3A_276 : vector<16xi32>
    %min3A_278 = arith.minsi %min3A_273, %abs3A_277 : vector<16xi32>
    %sub3A_279 = arith.constant 58 : i32
    %sub3A_280 = vector.broadcast %sub3A_279 : i32 to vector<16xi32>
    %sub3A_281 = arith.subi %get3A_245, %sub3A_280 : vector<16xi32>
    %abs3A_282 = math.absi %sub3A_281 : vector<16xi32>
    %min3A_283 = arith.minsi %min3A_278, %abs3A_282 : vector<16xi32>
    %sub3A_284 = arith.constant 66 : i32
    %sub3A_285 = vector.broadcast %sub3A_284 : i32 to vector<16xi32>
    %sub3A_286 = arith.subi %get3A_245, %sub3A_285 : vector<16xi32>
    %abs3A_287 = math.absi %sub3A_286 : vector<16xi32>
    %min3A_288 = arith.minsi %min3A_283, %abs3A_287 : vector<16xi32>
    %sub3A_289 = arith.constant 74 : i32
    %sub3A_290 = vector.broadcast %sub3A_289 : i32 to vector<16xi32>
    %sub3A_291 = arith.subi %get3A_245, %sub3A_290 : vector<16xi32>
    %abs3A_292 = math.absi %sub3A_291 : vector<16xi32>
    %min3A_293 = arith.minsi %min3A_288, %abs3A_292 : vector<16xi32>
    %sub3A_294 = arith.constant 89 : i32
    %sub3A_295 = vector.broadcast %sub3A_294 : i32 to vector<16xi32>
    %sub3A_296 = arith.subi %get3A_245, %sub3A_295 : vector<16xi32>
    %abs3A_297 = math.absi %sub3A_296 : vector<16xi32>
    %min3A_298 = arith.minsi %min3A_293, %abs3A_297 : vector<16xi32>
    %sub3A_299 = arith.constant 97 : i32
    %sub3A_300 = vector.broadcast %sub3A_299 : i32 to vector<16xi32>
    %sub3A_301 = arith.subi %get3A_245, %sub3A_300 : vector<16xi32>
    %abs3A_302 = math.absi %sub3A_301 : vector<16xi32>
    %min3A_303 = arith.minsi %min3A_298, %abs3A_302 : vector<16xi32>
    %sub3A_304 = arith.constant 103 : i32
    %sub3A_305 = vector.broadcast %sub3A_304 : i32 to vector<16xi32>
    %sub3A_306 = arith.subi %get3A_245, %sub3A_305 : vector<16xi32>
    %abs3A_307 = math.absi %sub3A_306 : vector<16xi32>
    %min3A_308 = arith.minsi %min3A_303, %abs3A_307 : vector<16xi32>
    %sub3A_309 = arith.constant 118 : i32
    %sub3A_310 = vector.broadcast %sub3A_309 : i32 to vector<16xi32>
    %sub3A_311 = arith.subi %get3A_245, %sub3A_310 : vector<16xi32>
    %abs3A_312 = math.absi %sub3A_311 : vector<16xi32>
    %min3A_313 = arith.minsi %min3A_308, %abs3A_312 : vector<16xi32>
    %sub3A_314 = arith.constant 127 : i32
    %sub3A_315 = vector.broadcast %sub3A_314 : i32 to vector<16xi32>
    %sub3A_316 = arith.subi %get3A_245, %sub3A_315 : vector<16xi32>
    %abs3A_317 = math.absi %sub3A_316 : vector<16xi32>
    %min3A_318 = arith.minsi %min3A_313, %abs3A_317 : vector<16xi32>
    %sub3A_319 = arith.constant 134 : i32
    %sub3A_320 = vector.broadcast %sub3A_319 : i32 to vector<16xi32>
    %sub3A_321 = arith.subi %get3A_245, %sub3A_320 : vector<16xi32>
    %abs3A_322 = math.absi %sub3A_321 : vector<16xi32>
    %min3A_323 = arith.minsi %min3A_318, %abs3A_322 : vector<16xi32>
    %sub3A_324 = arith.constant 149 : i32
    %sub3A_325 = vector.broadcast %sub3A_324 : i32 to vector<16xi32>
    %sub3A_326 = arith.subi %get3A_245, %sub3A_325 : vector<16xi32>
    %abs3A_327 = math.absi %sub3A_326 : vector<16xi32>
    %min3A_328 = arith.minsi %min3A_323, %abs3A_327 : vector<16xi32>
    %sub3A_329 = arith.constant 155 : i32
    %sub3A_330 = vector.broadcast %sub3A_329 : i32 to vector<16xi32>
    %sub3A_331 = arith.subi %get3A_245, %sub3A_330 : vector<16xi32>
    %abs3A_332 = math.absi %sub3A_331 : vector<16xi32>
    %min3A_333 = arith.minsi %min3A_328, %abs3A_332 : vector<16xi32>
    %min3A_334 = arith.minsi %min3A_333, %broadcast_in_dim3A_5 : vector<16xi32>
    %sub3A_335 = arith.subi %broadcast_in_dim3A_5, %min3A_334 : vector<16xi32>
    %convert_element_type3A_336 = arith.sitofp %sub3A_335 : vector<16xi32> to vector<16xf32>
    %sub3A_337 = arith.constant 3002 : i32
    %sub3A_338 = vector.broadcast %sub3A_337 : i32 to vector<16xi32>
    %sub3A_339 = arith.subi %get3A_245, %sub3A_338 : vector<16xi32>
    %abs3A_340 = math.absi %sub3A_339 : vector<16xi32>
    %mul3A_341 = arith.muli %min3A_333, %abs3A_340 : vector<16xi32>
    %min3A_342 = arith.minsi %mul3A_341, %broadcast_in_dim3A_5 : vector<16xi32>
    %convert_element_type3A_343 = arith.sitofp %min3A_342 : vector<16xi32> to vector<16xf32>
    %mul3A_344 = arith.mulf %get3A_251, %convert_element_type3A_336 : vector<16xf32>
    %add3A_345 = arith.addf %add3A_224, %mul3A_344 : vector<16xf32>
    %mul3A_346 = arith.mulf %get3A_248, %convert_element_type3A_336 : vector<16xf32>
    %add3A_347 = arith.addf %add3A_226, %mul3A_346 : vector<16xf32>
    %add3A_348 = arith.addf %add3A_227, %convert_element_type3A_336 : vector<16xf32>
    %mul3A_349 = arith.mulf %get3A_251, %convert_element_type3A_343 : vector<16xf32>
    %add3A_350 = arith.addf %add3A_229, %mul3A_349 : vector<16xf32>
    %mul3A_351 = arith.mulf %get3A_248, %convert_element_type3A_343 : vector<16xf32>
    %add3A_352 = arith.addf %add3A_231, %mul3A_351 : vector<16xf32>
    %add3A_353 = arith.addf %add3A_232, %convert_element_type3A_343 : vector<16xf32>
    %mul3A_354 = arith.mulf %get3A_254, %convert_element_type3A_336 : vector<16xf32>
    %add3A_355 = arith.addf %add3A_234, %mul3A_354 : vector<16xf32>
    %sub3A_356 = arith.constant 1.000000e+00 : f32
    %sub3A_357 = vector.broadcast %sub3A_356 : f32 to vector<16xf32>
    %sub3A_358 = arith.subf %sub3A_357, %get3A_254 : vector<16xf32>
    %sub3A_359 = arith.constant 1.000000e+00 : f32
    %sub3A_360 = vector.broadcast %sub3A_359 : f32 to vector<16xf32>
    %sub3A_361 = arith.subf %sub3A_360, %convert_element_type3A_336 : vector<16xf32>
    %mul3A_362 = arith.mulf %sub3A_358, %sub3A_361 : vector<16xf32>
    %add3A_363 = arith.addf %add3A_242, %mul3A_362 : vector<16xf32>
    %get3A_364 = arith.constant 48 : index
    %get3A_365 = tpu.vector_load %arg7[%get3A_364] {strides = array<i32>} : memref<256xi32, #tpu.memory_space<vmem>>, vector<16xi32>,
    %get3A_366 = vector.shape_cast %get3A_365 : vector<16xi32> to vector<16xi32>
    %get3A_367 = arith.constant 48 : index
    %get3A_368 = tpu.vector_load %arg8[%get3A_367] {strides = array<i32>} : memref<256xf32, #tpu.memory_space<vmem>>, vector<16xf32>,
    %get3A_369 = vector.shape_cast %get3A_368 : vector<16xf32> to vector<16xf32>
    %get3A_370 = arith.constant 48 : index
    %get3A_371 = tpu.vector_load %arg9[%get3A_370] {strides = array<i32>} : memref<256xf32, #tpu.memory_space<vmem>>, vector<16xf32>,
    %get3A_372 = vector.shape_cast %get3A_371 : vector<16xf32> to vector<16xf32>
    %get3A_373 = arith.constant 48 : index
    %get3A_374 = tpu.vector_load %arg10[%get3A_373] {strides = array<i32>} : memref<256xf32, #tpu.memory_space<vmem>>, vector<16xf32>,
    %get3A_375 = vector.shape_cast %get3A_374 : vector<16xf32> to vector<16xf32>
    %sub3A_376 = arith.constant 5 : i32
    %sub3A_377 = vector.broadcast %sub3A_376 : i32 to vector<16xi32>
    %sub3A_378 = arith.subi %get3A_366, %sub3A_377 : vector<16xi32>
    %abs3A_379 = math.absi %sub3A_378 : vector<16xi32>
    %sub3A_380 = arith.constant 12 : i32
    %sub3A_381 = vector.broadcast %sub3A_380 : i32 to vector<16xi32>
    %sub3A_382 = arith.subi %get3A_366, %sub3A_381 : vector<16xi32>
    %abs3A_383 = math.absi %sub3A_382 : vector<16xi32>
    %min3A_384 = arith.minsi %abs3A_379, %abs3A_383 : vector<16xi32>
    %sub3A_385 = arith.constant 23 : i32
    %sub3A_386 = vector.broadcast %sub3A_385 : i32 to vector<16xi32>
    %sub3A_387 = arith.subi %get3A_366, %sub3A_386 : vector<16xi32>
    %abs3A_388 = math.absi %sub3A_387 : vector<16xi32>
    %min3A_389 = arith.minsi %min3A_384, %abs3A_388 : vector<16xi32>
    %sub3A_390 = arith.constant 37 : i32
    %sub3A_391 = vector.broadcast %sub3A_390 : i32 to vector<16xi32>
    %sub3A_392 = arith.subi %get3A_366, %sub3A_391 : vector<16xi32>
    %abs3A_393 = math.absi %sub3A_392 : vector<16xi32>
    %min3A_394 = arith.minsi %min3A_389, %abs3A_393 : vector<16xi32>
    %sub3A_395 = arith.constant 41 : i32
    %sub3A_396 = vector.broadcast %sub3A_395 : i32 to vector<16xi32>
    %sub3A_397 = arith.subi %get3A_366, %sub3A_396 : vector<16xi32>
    %abs3A_398 = math.absi %sub3A_397 : vector<16xi32>
    %min3A_399 = arith.minsi %min3A_394, %abs3A_398 : vector<16xi32>
    %sub3A_400 = arith.constant 58 : i32
    %sub3A_401 = vector.broadcast %sub3A_400 : i32 to vector<16xi32>
    %sub3A_402 = arith.subi %get3A_366, %sub3A_401 : vector<16xi32>
    %abs3A_403 = math.absi %sub3A_402 : vector<16xi32>
    %min3A_404 = arith.minsi %min3A_399, %abs3A_403 : vector<16xi32>
    %sub3A_405 = arith.constant 66 : i32
    %sub3A_406 = vector.broadcast %sub3A_405 : i32 to vector<16xi32>
    %sub3A_407 = arith.subi %get3A_366, %sub3A_406 : vector<16xi32>
    %abs3A_408 = math.absi %sub3A_407 : vector<16xi32>
    %min3A_409 = arith.minsi %min3A_404, %abs3A_408 : vector<16xi32>
    %sub3A_410 = arith.constant 74 : i32
    %sub3A_411 = vector.broadcast %sub3A_410 : i32 to vector<16xi32>
    %sub3A_412 = arith.subi %get3A_366, %sub3A_411 : vector<16xi32>
    %abs3A_413 = math.absi %sub3A_412 : vector<16xi32>
    %min3A_414 = arith.minsi %min3A_409, %abs3A_413 : vector<16xi32>
    %sub3A_415 = arith.constant 89 : i32
    %sub3A_416 = vector.broadcast %sub3A_415 : i32 to vector<16xi32>
    %sub3A_417 = arith.subi %get3A_366, %sub3A_416 : vector<16xi32>
    %abs3A_418 = math.absi %sub3A_417 : vector<16xi32>
    %min3A_419 = arith.minsi %min3A_414, %abs3A_418 : vector<16xi32>
    %sub3A_420 = arith.constant 97 : i32
    %sub3A_421 = vector.broadcast %sub3A_420 : i32 to vector<16xi32>
    %sub3A_422 = arith.subi %get3A_366, %sub3A_421 : vector<16xi32>
    %abs3A_423 = math.absi %sub3A_422 : vector<16xi32>
    %min3A_424 = arith.minsi %min3A_419, %abs3A_423 : vector<16xi32>
    %sub3A_425 = arith.constant 103 : i32
    %sub3A_426 = vector.broadcast %sub3A_425 : i32 to vector<16xi32>
    %sub3A_427 = arith.subi %get3A_366, %sub3A_426 : vector<16xi32>
    %abs3A_428 = math.absi %sub3A_427 : vector<16xi32>
    %min3A_429 = arith.minsi %min3A_424, %abs3A_428 : vector<16xi32>
    %sub3A_430 = arith.constant 118 : i32
    %sub3A_431 = vector.broadcast %sub3A_430 : i32 to vector<16xi32>
    %sub3A_432 = arith.subi %get3A_366, %sub3A_431 : vector<16xi32>
    %abs3A_433 = math.absi %sub3A_432 : vector<16xi32>
    %min3A_434 = arith.minsi %min3A_429, %abs3A_433 : vector<16xi32>
    %sub3A_435 = arith.constant 127 : i32
    %sub3A_436 = vector.broadcast %sub3A_435 : i32 to vector<16xi32>
    %sub3A_437 = arith.subi %get3A_366, %sub3A_436 : vector<16xi32>
    %abs3A_438 = math.absi %sub3A_437 : vector<16xi32>
    %min3A_439 = arith.minsi %min3A_434, %abs3A_438 : vector<16xi32>
    %sub3A_440 = arith.constant 134 : i32
    %sub3A_441 = vector.broadcast %sub3A_440 : i32 to vector<16xi32>
    %sub3A_442 = arith.subi %get3A_366, %sub3A_441 : vector<16xi32>
    %abs3A_443 = math.absi %sub3A_442 : vector<16xi32>
    %min3A_444 = arith.minsi %min3A_439, %abs3A_443 : vector<16xi32>
    %sub3A_445 = arith.constant 149 : i32
    %sub3A_446 = vector.broadcast %sub3A_445 : i32 to vector<16xi32>
    %sub3A_447 = arith.subi %get3A_366, %sub3A_446 : vector<16xi32>
    %abs3A_448 = math.absi %sub3A_447 : vector<16xi32>
    %min3A_449 = arith.minsi %min3A_444, %abs3A_448 : vector<16xi32>
    %sub3A_450 = arith.constant 155 : i32
    %sub3A_451 = vector.broadcast %sub3A_450 : i32 to vector<16xi32>
    %sub3A_452 = arith.subi %get3A_366, %sub3A_451 : vector<16xi32>
    %abs3A_453 = math.absi %sub3A_452 : vector<16xi32>
    %min3A_454 = arith.minsi %min3A_449, %abs3A_453 : vector<16xi32>
    %min3A_455 = arith.minsi %min3A_454, %broadcast_in_dim3A_5 : vector<16xi32>
    %sub3A_456 = arith.subi %broadcast_in_dim3A_5, %min3A_455 : vector<16xi32>
    %convert_element_type3A_457 = arith.sitofp %sub3A_456 : vector<16xi32> to vector<16xf32>
    %sub3A_458 = arith.constant 3002 : i32
    %sub3A_459 = vector.broadcast %sub3A_458 : i32 to vector<16xi32>
    %sub3A_460 = arith.subi %get3A_366, %sub3A_459 : vector<16xi32>
    %abs3A_461 = math.absi %sub3A_460 : vector<16xi32>
    %mul3A_462 = arith.muli %min3A_454, %abs3A_461 : vector<16xi32>
    %min3A_463 = arith.minsi %mul3A_462, %broadcast_in_dim3A_5 : vector<16xi32>
    %convert_element_type3A_464 = arith.sitofp %min3A_463 : vector<16xi32> to vector<16xf32>
    %mul3A_465 = arith.mulf %get3A_372, %convert_element_type3A_457 : vector<16xf32>
    %add3A_466 = arith.addf %add3A_345, %mul3A_465 : vector<16xf32>
    %mul3A_467 = arith.mulf %get3A_369, %convert_element_type3A_457 : vector<16xf32>
    %add3A_468 = arith.addf %add3A_347, %mul3A_467 : vector<16xf32>
    %add3A_469 = arith.addf %add3A_348, %convert_element_type3A_457 : vector<16xf32>
    %mul3A_470 = arith.mulf %get3A_372, %convert_element_type3A_464 : vector<16xf32>
    %add3A_471 = arith.addf %add3A_350, %mul3A_470 : vector<16xf32>
    %mul3A_472 = arith.mulf %get3A_369, %convert_element_type3A_464 : vector<16xf32>
    %add3A_473 = arith.addf %add3A_352, %mul3A_472 : vector<16xf32>
    %add3A_474 = arith.addf %add3A_353, %convert_element_type3A_464 : vector<16xf32>
    %mul3A_475 = arith.mulf %get3A_375, %convert_element_type3A_457 : vector<16xf32>
    %add3A_476 = arith.addf %add3A_355, %mul3A_475 : vector<16xf32>
    %sub3A_477 = arith.constant 1.000000e+00 : f32
    %sub3A_478 = vector.broadcast %sub3A_477 : f32 to vector<16xf32>
    %sub3A_479 = arith.subf %sub3A_478, %get3A_375 : vector<16xf32>
    %sub3A_480 = arith.constant 1.000000e+00 : f32
    %sub3A_481 = vector.broadcast %sub3A_480 : f32 to vector<16xf32>
    %sub3A_482 = arith.subf %sub3A_481, %convert_element_type3A_457 : vector<16xf32>
    %mul3A_483 = arith.mulf %sub3A_479, %sub3A_482 : vector<16xf32>
    %add3A_484 = arith.addf %add3A_363, %mul3A_483 : vector<16xf32>
    %get3A_485 = arith.constant 64 : index
    %get3A_486 = tpu.vector_load %arg7[%get3A_485] {strides = array<i32>} : memref<256xi32, #tpu.memory_space<vmem>>, vector<16xi32>,
    %get3A_487 = vector.shape_cast %get3A_486 : vector<16xi32> to vector<16xi32>
    %get3A_488 = arith.constant 64 : index
    %get3A_489 = tpu.vector_load %arg8[%get3A_488] {strides = array<i32>} : memref<256xf32, #tpu.memory_space<vmem>>, vector<16xf32>,
    %get3A_490 = vector.shape_cast %get3A_489 : vector<16xf32> to vector<16xf32>
    %get3A_491 = arith.constant 64 : index
    %get3A_492 = tpu.vector_load %arg9[%get3A_491] {strides = array<i32>} : memref<256xf32, #tpu.memory_space<vmem>>, vector<16xf32>,
    %get3A_493 = vector.shape_cast %get3A_492 : vector<16xf32> to vector<16xf32>
    %get3A_494 = arith.constant 64 : index
    %get3A_495 = tpu.vector_load %arg10[%get3A_494] {strides = array<i32>} : memref<256xf32, #tpu.memory_space<vmem>>, vector<16xf32>,
    %get3A_496 = vector.shape_cast %get3A_495 : vector<16xf32> to vector<16xf32>
    %sub3A_497 = arith.constant 5 : i32
    %sub3A_498 = vector.broadcast %sub3A_497 : i32 to vector<16xi32>
    %sub3A_499 = arith.subi %get3A_487, %sub3A_498 : vector<16xi32>
    %abs3A_500 = math.absi %sub3A_499 : vector<16xi32>
    %sub3A_501 = arith.constant 12 : i32
    %sub3A_502 = vector.broadcast %sub3A_501 : i32 to vector<16xi32>
    %sub3A_503 = arith.subi %get3A_487, %sub3A_502 : vector<16xi32>
    %abs3A_504 = math.absi %sub3A_503 : vector<16xi32>
    %min3A_505 = arith.minsi %abs3A_500, %abs3A_504 : vector<16xi32>
    %sub3A_506 = arith.constant 23 : i32
    %sub3A_507 = vector.broadcast %sub3A_506 : i32 to vector<16xi32>
    %sub3A_508 = arith.subi %get3A_487, %sub3A_507 : vector<16xi32>
    %abs3A_509 = math.absi %sub3A_508 : vector<16xi32>
    %min3A_510 = arith.minsi %min3A_505, %abs3A_509 : vector<16xi32>
    %sub3A_511 = arith.constant 37 : i32
    %sub3A_512 = vector.broadcast %sub3A_511 : i32 to vector<16xi32>
    %sub3A_513 = arith.subi %get3A_487, %sub3A_512 : vector<16xi32>
    %abs3A_514 = math.absi %sub3A_513 : vector<16xi32>
    %min3A_515 = arith.minsi %min3A_510, %abs3A_514 : vector<16xi32>
    %sub3A_516 = arith.constant 41 : i32
    %sub3A_517 = vector.broadcast %sub3A_516 : i32 to vector<16xi32>
    %sub3A_518 = arith.subi %get3A_487, %sub3A_517 : vector<16xi32>
    %abs3A_519 = math.absi %sub3A_518 : vector<16xi32>
    %min3A_520 = arith.minsi %min3A_515, %abs3A_519 : vector<16xi32>
    %sub3A_521 = arith.constant 58 : i32
    %sub3A_522 = vector.broadcast %sub3A_521 : i32 to vector<16xi32>
    %sub3A_523 = arith.subi %get3A_487, %sub3A_522 : vector<16xi32>
    %abs3A_524 = math.absi %sub3A_523 : vector<16xi32>
    %min3A_525 = arith.minsi %min3A_520, %abs3A_524 : vector<16xi32>
    %sub3A_526 = arith.constant 66 : i32
    %sub3A_527 = vector.broadcast %sub3A_526 : i32 to vector<16xi32>
    %sub3A_528 = arith.subi %get3A_487, %sub3A_527 : vector<16xi32>
    %abs3A_529 = math.absi %sub3A_528 : vector<16xi32>
    %min3A_530 = arith.minsi %min3A_525, %abs3A_529 : vector<16xi32>
    %sub3A_531 = arith.constant 74 : i32
    %sub3A_532 = vector.broadcast %sub3A_531 : i32 to vector<16xi32>
    %sub3A_533 = arith.subi %get3A_487, %sub3A_532 : vector<16xi32>
    %abs3A_534 = math.absi %sub3A_533 : vector<16xi32>
    %min3A_535 = arith.minsi %min3A_530, %abs3A_534 : vector<16xi32>
    %sub3A_536 = arith.constant 89 : i32
    %sub3A_537 = vector.broadcast %sub3A_536 : i32 to vector<16xi32>
    %sub3A_538 = arith.subi %get3A_487, %sub3A_537 : vector<16xi32>
    %abs3A_539 = math.absi %sub3A_538 : vector<16xi32>
    %min3A_540 = arith.minsi %min3A_535, %abs3A_539 : vector<16xi32>
    %sub3A_541 = arith.constant 97 : i32
    %sub3A_542 = vector.broadcast %sub3A_541 : i32 to vector<16xi32>
    %sub3A_543 = arith.subi %get3A_487, %sub3A_542 : vector<16xi32>
    %abs3A_544 = math.absi %sub3A_543 : vector<16xi32>
    %min3A_545 = arith.minsi %min3A_540, %abs3A_544 : vector<16xi32>
    %sub3A_546 = arith.constant 103 : i32
    %sub3A_547 = vector.broadcast %sub3A_546 : i32 to vector<16xi32>
    %sub3A_548 = arith.subi %get3A_487, %sub3A_547 : vector<16xi32>
    %abs3A_549 = math.absi %sub3A_548 : vector<16xi32>
    %min3A_550 = arith.minsi %min3A_545, %abs3A_549 : vector<16xi32>
    %sub3A_551 = arith.constant 118 : i32
    %sub3A_552 = vector.broadcast %sub3A_551 : i32 to vector<16xi32>
    %sub3A_553 = arith.subi %get3A_487, %sub3A_552 : vector<16xi32>
    %abs3A_554 = math.absi %sub3A_553 : vector<16xi32>
    %min3A_555 = arith.minsi %min3A_550, %abs3A_554 : vector<16xi32>
    %sub3A_556 = arith.constant 127 : i32
    %sub3A_557 = vector.broadcast %sub3A_556 : i32 to vector<16xi32>
    %sub3A_558 = arith.subi %get3A_487, %sub3A_557 : vector<16xi32>
    %abs3A_559 = math.absi %sub3A_558 : vector<16xi32>
    %min3A_560 = arith.minsi %min3A_555, %abs3A_559 : vector<16xi32>
    %sub3A_561 = arith.constant 134 : i32
    %sub3A_562 = vector.broadcast %sub3A_561 : i32 to vector<16xi32>
    %sub3A_563 = arith.subi %get3A_487, %sub3A_562 : vector<16xi32>
    %abs3A_564 = math.absi %sub3A_563 : vector<16xi32>
    %min3A_565 = arith.minsi %min3A_560, %abs3A_564 : vector<16xi32>
    %sub3A_566 = arith.constant 149 : i32
    %sub3A_567 = vector.broadcast %sub3A_566 : i32 to vector<16xi32>
    %sub3A_568 = arith.subi %get3A_487, %sub3A_567 : vector<16xi32>
    %abs3A_569 = math.absi %sub3A_568 : vector<16xi32>
    %min3A_570 = arith.minsi %min3A_565, %abs3A_569 : vector<16xi32>
    %sub3A_571 = arith.constant 155 : i32
    %sub3A_572 = vector.broadcast %sub3A_571 : i32 to vector<16xi32>
    %sub3A_573 = arith.subi %get3A_487, %sub3A_572 : vector<16xi32>
    %abs3A_574 = math.absi %sub3A_573 : vector<16xi32>
    %min3A_575 = arith.minsi %min3A_570, %abs3A_574 : vector<16xi32>
    %min3A_576 = arith.minsi %min3A_575, %broadcast_in_dim3A_5 : vector<16xi32>
    %sub3A_577 = arith.subi %broadcast_in_dim3A_5, %min3A_576 : vector<16xi32>
    %convert_element_type3A_578 = arith.sitofp %sub3A_577 : vector<16xi32> to vector<16xf32>
    %sub3A_579 = arith.constant 3002 : i32
    %sub3A_580 = vector.broadcast %sub3A_579 : i32 to vector<16xi32>
    %sub3A_581 = arith.subi %get3A_487, %sub3A_580 : vector<16xi32>
    %abs3A_582 = math.absi %sub3A_581 : vector<16xi32>
    %mul3A_583 = arith.muli %min3A_575, %abs3A_582 : vector<16xi32>
    %min3A_584 = arith.minsi %mul3A_583, %broadcast_in_dim3A_5 : vector<16xi32>
    %convert_element_type3A_585 = arith.sitofp %min3A_584 : vector<16xi32> to vector<16xf32>
    %mul3A_586 = arith.mulf %get3A_493, %convert_element_type3A_578 : vector<16xf32>
    %add3A_587 = arith.addf %add3A_466, %mul3A_586 : vector<16xf32>
    %mul3A_588 = arith.mulf %get3A_490, %convert_element_type3A_578 : vector<16xf32>
    %add3A_589 = arith.addf %add3A_468, %mul3A_588 : vector<16xf32>
    %add3A_590 = arith.addf %add3A_469, %convert_element_type3A_578 : vector<16xf32>
    %mul3A_591 = arith.mulf %get3A_493, %convert_element_type3A_585 : vector<16xf32>
    %add3A_592 = arith.addf %add3A_471, %mul3A_591 : vector<16xf32>
    %mul3A_593 = arith.mulf %get3A_490, %convert_element_type3A_585 : vector<16xf32>
    %add3A_594 = arith.addf %add3A_473, %mul3A_593 : vector<16xf32>
    %add3A_595 = arith.addf %add3A_474, %convert_element_type3A_585 : vector<16xf32>
    %mul3A_596 = arith.mulf %get3A_496, %convert_element_type3A_578 : vector<16xf32>
    %add3A_597 = arith.addf %add3A_476, %mul3A_596 : vector<16xf32>
    %sub3A_598 = arith.constant 1.000000e+00 : f32
    %sub3A_599 = vector.broadcast %sub3A_598 : f32 to vector<16xf32>
    %sub3A_600 = arith.subf %sub3A_599, %get3A_496 : vector<16xf32>
    %sub3A_601 = arith.constant 1.000000e+00 : f32
    %sub3A_602 = vector.broadcast %sub3A_601 : f32 to vector<16xf32>
    %sub3A_603 = arith.subf %sub3A_602, %convert_element_type3A_578 : vector<16xf32>
    %mul3A_604 = arith.mulf %sub3A_600, %sub3A_603 : vector<16xf32>
    %add3A_605 = arith.addf %add3A_484, %mul3A_604 : vector<16xf32>
    %get3A_606 = arith.constant 80 : index
    %get3A_607 = tpu.vector_load %arg7[%get3A_606] {strides = array<i32>} : memref<256xi32, #tpu.memory_space<vmem>>, vector<16xi32>,
    %get3A_608 = vector.shape_cast %get3A_607 : vector<16xi32> to vector<16xi32>
    %get3A_609 = arith.constant 80 : index
    %get3A_610 = tpu.vector_load %arg8[%get3A_609] {strides = array<i32>} : memref<256xf32, #tpu.memory_space<vmem>>, vector<16xf32>,
    %get3A_611 = vector.shape_cast %get3A_610 : vector<16xf32> to vector<16xf32>
    %get3A_612 = arith.constant 80 : index
    %get3A_613 = tpu.vector_load %arg9[%get3A_612] {strides = array<i32>} : memref<256xf32, #tpu.memory_space<vmem>>, vector<16xf32>,
    %get3A_614 = vector.shape_cast %get3A_613 : vector<16xf32> to vector<16xf32>
    %get3A_615 = arith.constant 80 : index
    %get3A_616 = tpu.vector_load %arg10[%get3A_615] {strides = array<i32>} : memref<256xf32, #tpu.memory_space<vmem>>, vector<16xf32>,
    %get3A_617 = vector.shape_cast %get3A_616 : vector<16xf32> to vector<16xf32>
    %sub3A_618 = arith.constant 5 : i32
    %sub3A_619 = vector.broadcast %sub3A_618 : i32 to vector<16xi32>
    %sub3A_620 = arith.subi %get3A_608, %sub3A_619 : vector<16xi32>
    %abs3A_621 = math.absi %sub3A_620 : vector<16xi32>
    %sub3A_622 = arith.constant 12 : i32
    %sub3A_623 = vector.broadcast %sub3A_622 : i32 to vector<16xi32>
    %sub3A_624 = arith.subi %get3A_608, %sub3A_623 : vector<16xi32>
    %abs3A_625 = math.absi %sub3A_624 : vector<16xi32>
    %min3A_626 = arith.minsi %abs3A_621, %abs3A_625 : vector<16xi32>
    %sub3A_627 = arith.constant 23 : i32
    %sub3A_628 = vector.broadcast %sub3A_627 : i32 to vector<16xi32>
    %sub3A_629 = arith.subi %get3A_608, %sub3A_628 : vector<16xi32>
    %abs3A_630 = math.absi %sub3A_629 : vector<16xi32>
    %min3A_631 = arith.minsi %min3A_626, %abs3A_630 : vector<16xi32>
    %sub3A_632 = arith.constant 37 : i32
    %sub3A_633 = vector.broadcast %sub3A_632 : i32 to vector<16xi32>
    %sub3A_634 = arith.subi %get3A_608, %sub3A_633 : vector<16xi32>
    %abs3A_635 = math.absi %sub3A_634 : vector<16xi32>
    %min3A_636 = arith.minsi %min3A_631, %abs3A_635 : vector<16xi32>
    %sub3A_637 = arith.constant 41 : i32
    %sub3A_638 = vector.broadcast %sub3A_637 : i32 to vector<16xi32>
    %sub3A_639 = arith.subi %get3A_608, %sub3A_638 : vector<16xi32>
    %abs3A_640 = math.absi %sub3A_639 : vector<16xi32>
    %min3A_641 = arith.minsi %min3A_636, %abs3A_640 : vector<16xi32>
    %sub3A_642 = arith.constant 58 : i32
    %sub3A_643 = vector.broadcast %sub3A_642 : i32 to vector<16xi32>
    %sub3A_644 = arith.subi %get3A_608, %sub3A_643 : vector<16xi32>
    %abs3A_645 = math.absi %sub3A_644 : vector<16xi32>
    %min3A_646 = arith.minsi %min3A_641, %abs3A_645 : vector<16xi32>
    %sub3A_647 = arith.constant 66 : i32
    %sub3A_648 = vector.broadcast %sub3A_647 : i32 to vector<16xi32>
    %sub3A_649 = arith.subi %get3A_608, %sub3A_648 : vector<16xi32>
    %abs3A_650 = math.absi %sub3A_649 : vector<16xi32>
    %min3A_651 = arith.minsi %min3A_646, %abs3A_650 : vector<16xi32>
    %sub3A_652 = arith.constant 74 : i32
    %sub3A_653 = vector.broadcast %sub3A_652 : i32 to vector<16xi32>
    %sub3A_654 = arith.subi %get3A_608, %sub3A_653 : vector<16xi32>
    %abs3A_655 = math.absi %sub3A_654 : vector<16xi32>
    %min3A_656 = arith.minsi %min3A_651, %abs3A_655 : vector<16xi32>
    %sub3A_657 = arith.constant 89 : i32
    %sub3A_658 = vector.broadcast %sub3A_657 : i32 to vector<16xi32>
    %sub3A_659 = arith.subi %get3A_608, %sub3A_658 : vector<16xi32>
    %abs3A_660 = math.absi %sub3A_659 : vector<16xi32>
    %min3A_661 = arith.minsi %min3A_656, %abs3A_660 : vector<16xi32>
    %sub3A_662 = arith.constant 97 : i32
    %sub3A_663 = vector.broadcast %sub3A_662 : i32 to vector<16xi32>
    %sub3A_664 = arith.subi %get3A_608, %sub3A_663 : vector<16xi32>
    %abs3A_665 = math.absi %sub3A_664 : vector<16xi32>
    %min3A_666 = arith.minsi %min3A_661, %abs3A_665 : vector<16xi32>
    %sub3A_667 = arith.constant 103 : i32
    %sub3A_668 = vector.broadcast %sub3A_667 : i32 to vector<16xi32>
    %sub3A_669 = arith.subi %get3A_608, %sub3A_668 : vector<16xi32>
    %abs3A_670 = math.absi %sub3A_669 : vector<16xi32>
    %min3A_671 = arith.minsi %min3A_666, %abs3A_670 : vector<16xi32>
    %sub3A_672 = arith.constant 118 : i32
    %sub3A_673 = vector.broadcast %sub3A_672 : i32 to vector<16xi32>
    %sub3A_674 = arith.subi %get3A_608, %sub3A_673 : vector<16xi32>
    %abs3A_675 = math.absi %sub3A_674 : vector<16xi32>
    %min3A_676 = arith.minsi %min3A_671, %abs3A_675 : vector<16xi32>
    %sub3A_677 = arith.constant 127 : i32
    %sub3A_678 = vector.broadcast %sub3A_677 : i32 to vector<16xi32>
    %sub3A_679 = arith.subi %get3A_608, %sub3A_678 : vector<16xi32>
    %abs3A_680 = math.absi %sub3A_679 : vector<16xi32>
    %min3A_681 = arith.minsi %min3A_676, %abs3A_680 : vector<16xi32>
    %sub3A_682 = arith.constant 134 : i32
    %sub3A_683 = vector.broadcast %sub3A_682 : i32 to vector<16xi32>
    %sub3A_684 = arith.subi %get3A_608, %sub3A_683 : vector<16xi32>
    %abs3A_685 = math.absi %sub3A_684 : vector<16xi32>
    %min3A_686 = arith.minsi %min3A_681, %abs3A_685 : vector<16xi32>
    %sub3A_687 = arith.constant 149 : i32
    %sub3A_688 = vector.broadcast %sub3A_687 : i32 to vector<16xi32>
    %sub3A_689 = arith.subi %get3A_608, %sub3A_688 : vector<16xi32>
    %abs3A_690 = math.absi %sub3A_689 : vector<16xi32>
    %min3A_691 = arith.minsi %min3A_686, %abs3A_690 : vector<16xi32>
    %sub3A_692 = arith.constant 155 : i32
    %sub3A_693 = vector.broadcast %sub3A_692 : i32 to vector<16xi32>
    %sub3A_694 = arith.subi %get3A_608, %sub3A_693 : vector<16xi32>
    %abs3A_695 = math.absi %sub3A_694 : vector<16xi32>
    %min3A_696 = arith.minsi %min3A_691, %abs3A_695 : vector<16xi32>
    %min3A_697 = arith.minsi %min3A_696, %broadcast_in_dim3A_5 : vector<16xi32>
    %sub3A_698 = arith.subi %broadcast_in_dim3A_5, %min3A_697 : vector<16xi32>
    %convert_element_type3A_699 = arith.sitofp %sub3A_698 : vector<16xi32> to vector<16xf32>
    %sub3A_700 = arith.constant 3002 : i32
    %sub3A_701 = vector.broadcast %sub3A_700 : i32 to vector<16xi32>
    %sub3A_702 = arith.subi %get3A_608, %sub3A_701 : vector<16xi32>
    %abs3A_703 = math.absi %sub3A_702 : vector<16xi32>
    %mul3A_704 = arith.muli %min3A_696, %abs3A_703 : vector<16xi32>
    %min3A_705 = arith.minsi %mul3A_704, %broadcast_in_dim3A_5 : vector<16xi32>
    %convert_element_type3A_706 = arith.sitofp %min3A_705 : vector<16xi32> to vector<16xf32>
    %mul3A_707 = arith.mulf %get3A_614, %convert_element_type3A_699 : vector<16xf32>
    %add3A_708 = arith.addf %add3A_587, %mul3A_707 : vector<16xf32>
    %mul3A_709 = arith.mulf %get3A_611, %convert_element_type3A_699 : vector<16xf32>
    %add3A_710 = arith.addf %add3A_589, %mul3A_709 : vector<16xf32>
    %add3A_711 = arith.addf %add3A_590, %convert_element_type3A_699 : vector<16xf32>
    %mul3A_712 = arith.mulf %get3A_614, %convert_element_type3A_706 : vector<16xf32>
    %add3A_713 = arith.addf %add3A_592, %mul3A_712 : vector<16xf32>
    %mul3A_714 = arith.mulf %get3A_611, %convert_element_type3A_706 : vector<16xf32>
    %add3A_715 = arith.addf %add3A_594, %mul3A_714 : vector<16xf32>
    %add3A_716 = arith.addf %add3A_595, %convert_element_type3A_706 : vector<16xf32>
    %mul3A_717 = arith.mulf %get3A_617, %convert_element_type3A_699 : vector<16xf32>
    %add3A_718 = arith.addf %add3A_597, %mul3A_717 : vector<16xf32>
    %sub3A_719 = arith.constant 1.000000e+00 : f32
    %sub3A_720 = vector.broadcast %sub3A_719 : f32 to vector<16xf32>
    %sub3A_721 = arith.subf %sub3A_720, %get3A_617 : vector<16xf32>
    %sub3A_722 = arith.constant 1.000000e+00 : f32
    %sub3A_723 = vector.broadcast %sub3A_722 : f32 to vector<16xf32>
    %sub3A_724 = arith.subf %sub3A_723, %convert_element_type3A_699 : vector<16xf32>
    %mul3A_725 = arith.mulf %sub3A_721, %sub3A_724 : vector<16xf32>
    %add3A_726 = arith.addf %add3A_605, %mul3A_725 : vector<16xf32>
    %get3A_727 = arith.constant 96 : index
    %get3A_728 = tpu.vector_load %arg7[%get3A_727] {strides = array<i32>} : memref<256xi32, #tpu.memory_space<vmem>>, vector<16xi32>,
    %get3A_729 = vector.shape_cast %get3A_728 : vector<16xi32> to vector<16xi32>
    %get3A_730 = arith.constant 96 : index
    %get3A_731 = tpu.vector_load %arg8[%get3A_730] {strides = array<i32>} : memref<256xf32, #tpu.memory_space<vmem>>, vector<16xf32>,
    %get3A_732 = vector.shape_cast %get3A_731 : vector<16xf32> to vector<16xf32>
    %get3A_733 = arith.constant 96 : index
    %get3A_734 = tpu.vector_load %arg9[%get3A_733] {strides = array<i32>} : memref<256xf32, #tpu.memory_space<vmem>>, vector<16xf32>,
    %get3A_735 = vector.shape_cast %get3A_734 : vector<16xf32> to vector<16xf32>
    %get3A_736 = arith.constant 96 : index
    %get3A_737 = tpu.vector_load %arg10[%get3A_736] {strides = array<i32>} : memref<256xf32, #tpu.memory_space<vmem>>, vector<16xf32>,
    %get3A_738 = vector.shape_cast %get3A_737 : vector<16xf32> to vector<16xf32>
    %sub3A_739 = arith.constant 5 : i32
    %sub3A_740 = vector.broadcast %sub3A_739 : i32 to vector<16xi32>
    %sub3A_741 = arith.subi %get3A_729, %sub3A_740 : vector<16xi32>
    %abs3A_742 = math.absi %sub3A_741 : vector<16xi32>
    %sub3A_743 = arith.constant 12 : i32
    %sub3A_744 = vector.broadcast %sub3A_743 : i32 to vector<16xi32>
    %sub3A_745 = arith.subi %get3A_729, %sub3A_744 : vector<16xi32>
    %abs3A_746 = math.absi %sub3A_745 : vector<16xi32>
    %min3A_747 = arith.minsi %abs3A_742, %abs3A_746 : vector<16xi32>
    %sub3A_748 = arith.constant 23 : i32
    %sub3A_749 = vector.broadcast %sub3A_748 : i32 to vector<16xi32>
    %sub3A_750 = arith.subi %get3A_729, %sub3A_749 : vector<16xi32>
    %abs3A_751 = math.absi %sub3A_750 : vector<16xi32>
    %min3A_752 = arith.minsi %min3A_747, %abs3A_751 : vector<16xi32>
    %sub3A_753 = arith.constant 37 : i32
    %sub3A_754 = vector.broadcast %sub3A_753 : i32 to vector<16xi32>
    %sub3A_755 = arith.subi %get3A_729, %sub3A_754 : vector<16xi32>
    %abs3A_756 = math.absi %sub3A_755 : vector<16xi32>
    %min3A_757 = arith.minsi %min3A_752, %abs3A_756 : vector<16xi32>
    %sub3A_758 = arith.constant 41 : i32
    %sub3A_759 = vector.broadcast %sub3A_758 : i32 to vector<16xi32>
    %sub3A_760 = arith.subi %get3A_729, %sub3A_759 : vector<16xi32>
    %abs3A_761 = math.absi %sub3A_760 : vector<16xi32>
    %min3A_762 = arith.minsi %min3A_757, %abs3A_761 : vector<16xi32>
    %sub3A_763 = arith.constant 58 : i32
    %sub3A_764 = vector.broadcast %sub3A_763 : i32 to vector<16xi32>
    %sub3A_765 = arith.subi %get3A_729, %sub3A_764 : vector<16xi32>
    %abs3A_766 = math.absi %sub3A_765 : vector<16xi32>
    %min3A_767 = arith.minsi %min3A_762, %abs3A_766 : vector<16xi32>
    %sub3A_768 = arith.constant 66 : i32
    %sub3A_769 = vector.broadcast %sub3A_768 : i32 to vector<16xi32>
    %sub3A_770 = arith.subi %get3A_729, %sub3A_769 : vector<16xi32>
    %abs3A_771 = math.absi %sub3A_770 : vector<16xi32>
    %min3A_772 = arith.minsi %min3A_767, %abs3A_771 : vector<16xi32>
    %sub3A_773 = arith.constant 74 : i32
    %sub3A_774 = vector.broadcast %sub3A_773 : i32 to vector<16xi32>
    %sub3A_775 = arith.subi %get3A_729, %sub3A_774 : vector<16xi32>
    %abs3A_776 = math.absi %sub3A_775 : vector<16xi32>
    %min3A_777 = arith.minsi %min3A_772, %abs3A_776 : vector<16xi32>
    %sub3A_778 = arith.constant 89 : i32
    %sub3A_779 = vector.broadcast %sub3A_778 : i32 to vector<16xi32>
    %sub3A_780 = arith.subi %get3A_729, %sub3A_779 : vector<16xi32>
    %abs3A_781 = math.absi %sub3A_780 : vector<16xi32>
    %min3A_782 = arith.minsi %min3A_777, %abs3A_781 : vector<16xi32>
    %sub3A_783 = arith.constant 97 : i32
    %sub3A_784 = vector.broadcast %sub3A_783 : i32 to vector<16xi32>
    %sub3A_785 = arith.subi %get3A_729, %sub3A_784 : vector<16xi32>
    %abs3A_786 = math.absi %sub3A_785 : vector<16xi32>
    %min3A_787 = arith.minsi %min3A_782, %abs3A_786 : vector<16xi32>
    %sub3A_788 = arith.constant 103 : i32
    %sub3A_789 = vector.broadcast %sub3A_788 : i32 to vector<16xi32>
    %sub3A_790 = arith.subi %get3A_729, %sub3A_789 : vector<16xi32>
    %abs3A_791 = math.absi %sub3A_790 : vector<16xi32>
    %min3A_792 = arith.minsi %min3A_787, %abs3A_791 : vector<16xi32>
    %sub3A_793 = arith.constant 118 : i32
    %sub3A_794 = vector.broadcast %sub3A_793 : i32 to vector<16xi32>
    %sub3A_795 = arith.subi %get3A_729, %sub3A_794 : vector<16xi32>
    %abs3A_796 = math.absi %sub3A_795 : vector<16xi32>
    %min3A_797 = arith.minsi %min3A_792, %abs3A_796 : vector<16xi32>
    %sub3A_798 = arith.constant 127 : i32
    %sub3A_799 = vector.broadcast %sub3A_798 : i32 to vector<16xi32>
    %sub3A_800 = arith.subi %get3A_729, %sub3A_799 : vector<16xi32>
    %abs3A_801 = math.absi %sub3A_800 : vector<16xi32>
    %min3A_802 = arith.minsi %min3A_797, %abs3A_801 : vector<16xi32>
    %sub3A_803 = arith.constant 134 : i32
    %sub3A_804 = vector.broadcast %sub3A_803 : i32 to vector<16xi32>
    %sub3A_805 = arith.subi %get3A_729, %sub3A_804 : vector<16xi32>
    %abs3A_806 = math.absi %sub3A_805 : vector<16xi32>
    %min3A_807 = arith.minsi %min3A_802, %abs3A_806 : vector<16xi32>
    %sub3A_808 = arith.constant 149 : i32
    %sub3A_809 = vector.broadcast %sub3A_808 : i32 to vector<16xi32>
    %sub3A_810 = arith.subi %get3A_729, %sub3A_809 : vector<16xi32>
    %abs3A_811 = math.absi %sub3A_810 : vector<16xi32>
    %min3A_812 = arith.minsi %min3A_807, %abs3A_811 : vector<16xi32>
    %sub3A_813 = arith.constant 155 : i32
    %sub3A_814 = vector.broadcast %sub3A_813 : i32 to vector<16xi32>
    %sub3A_815 = arith.subi %get3A_729, %sub3A_814 : vector<16xi32>
    %abs3A_816 = math.absi %sub3A_815 : vector<16xi32>
    %min3A_817 = arith.minsi %min3A_812, %abs3A_816 : vector<16xi32>
    %min3A_818 = arith.minsi %min3A_817, %broadcast_in_dim3A_5 : vector<16xi32>
    %sub3A_819 = arith.subi %broadcast_in_dim3A_5, %min3A_818 : vector<16xi32>
    %convert_element_type3A_820 = arith.sitofp %sub3A_819 : vector<16xi32> to vector<16xf32>
    %sub3A_821 = arith.constant 3002 : i32
    %sub3A_822 = vector.broadcast %sub3A_821 : i32 to vector<16xi32>
    %sub3A_823 = arith.subi %get3A_729, %sub3A_822 : vector<16xi32>
    %abs3A_824 = math.absi %sub3A_823 : vector<16xi32>
    %mul3A_825 = arith.muli %min3A_817, %abs3A_824 : vector<16xi32>
    %min3A_826 = arith.minsi %mul3A_825, %broadcast_in_dim3A_5 : vector<16xi32>
    %convert_element_type3A_827 = arith.sitofp %min3A_826 : vector<16xi32> to vector<16xf32>
    %mul3A_828 = arith.mulf %get3A_735, %convert_element_type3A_820 : vector<16xf32>
    %add3A_829 = arith.addf %add3A_708, %mul3A_828 : vector<16xf32>
    %mul3A_830 = arith.mulf %get3A_732, %convert_element_type3A_820 : vector<16xf32>
    %add3A_831 = arith.addf %add3A_710, %mul3A_830 : vector<16xf32>
    %add3A_832 = arith.addf %add3A_711, %convert_element_type3A_820 : vector<16xf32>
    %mul3A_833 = arith.mulf %get3A_735, %convert_element_type3A_827 : vector<16xf32>
    %add3A_834 = arith.addf %add3A_713, %mul3A_833 : vector<16xf32>
    %mul3A_835 = arith.mulf %get3A_732, %convert_element_type3A_827 : vector<16xf32>
    %add3A_836 = arith.addf %add3A_715, %mul3A_835 : vector<16xf32>
    %add3A_837 = arith.addf %add3A_716, %convert_element_type3A_827 : vector<16xf32>
    %mul3A_838 = arith.mulf %get3A_738, %convert_element_type3A_820 : vector<16xf32>
    %add3A_839 = arith.addf %add3A_718, %mul3A_838 : vector<16xf32>
    %sub3A_840 = arith.constant 1.000000e+00 : f32
    %sub3A_841 = vector.broadcast %sub3A_840 : f32 to vector<16xf32>
    %sub3A_842 = arith.subf %sub3A_841, %get3A_738 : vector<16xf32>
    %sub3A_843 = arith.constant 1.000000e+00 : f32
    %sub3A_844 = vector.broadcast %sub3A_843 : f32 to vector<16xf32>
    %sub3A_845 = arith.subf %sub3A_844, %convert_element_type3A_820 : vector<16xf32>
    %mul3A_846 = arith.mulf %sub3A_842, %sub3A_845 : vector<16xf32>
    %add3A_847 = arith.addf %add3A_726, %mul3A_846 : vector<16xf32>
    %get3A_848 = arith.constant 112 : index
    %get3A_849 = tpu.vector_load %arg7[%get3A_848] {strides = array<i32>} : memref<256xi32, #tpu.memory_space<vmem>>, vector<16xi32>,
    %get3A_850 = vector.shape_cast %get3A_849 : vector<16xi32> to vector<16xi32>
    %get3A_851 = arith.constant 112 : index
    %get3A_852 = tpu.vector_load %arg8[%get3A_851] {strides = array<i32>} : memref<256xf32, #tpu.memory_space<vmem>>, vector<16xf32>,
    %get3A_853 = vector.shape_cast %get3A_852 : vector<16xf32> to vector<16xf32>
    %get3A_854 = arith.constant 112 : index
    %get3A_855 = tpu.vector_load %arg9[%get3A_854] {strides = array<i32>} : memref<256xf32, #tpu.memory_space<vmem>>, vector<16xf32>,
    %get3A_856 = vector.shape_cast %get3A_855 : vector<16xf32> to vector<16xf32>
    %get3A_857 = arith.constant 112 : index
    %get3A_858 = tpu.vector_load %arg10[%get3A_857] {strides = array<i32>} : memref<256xf32, #tpu.memory_space<vmem>>, vector<16xf32>,
    %get3A_859 = vector.shape_cast %get3A_858 : vector<16xf32> to vector<16xf32>
    %sub3A_860 = arith.constant 5 : i32
    %sub3A_861 = vector.broadcast %sub3A_860 : i32 to vector<16xi32>
    %sub3A_862 = arith.subi %get3A_850, %sub3A_861 : vector<16xi32>
    %abs3A_863 = math.absi %sub3A_862 : vector<16xi32>
    %sub3A_864 = arith.constant 12 : i32
    %sub3A_865 = vector.broadcast %sub3A_864 : i32 to vector<16xi32>
    %sub3A_866 = arith.subi %get3A_850, %sub3A_865 : vector<16xi32>
    %abs3A_867 = math.absi %sub3A_866 : vector<16xi32>
    %min3A_868 = arith.minsi %abs3A_863, %abs3A_867 : vector<16xi32>
    %sub3A_869 = arith.constant 23 : i32
    %sub3A_870 = vector.broadcast %sub3A_869 : i32 to vector<16xi32>
    %sub3A_871 = arith.subi %get3A_850, %sub3A_870 : vector<16xi32>
    %abs3A_872 = math.absi %sub3A_871 : vector<16xi32>
    %min3A_873 = arith.minsi %min3A_868, %abs3A_872 : vector<16xi32>
    %sub3A_874 = arith.constant 37 : i32
    %sub3A_875 = vector.broadcast %sub3A_874 : i32 to vector<16xi32>
    %sub3A_876 = arith.subi %get3A_850, %sub3A_875 : vector<16xi32>
    %abs3A_877 = math.absi %sub3A_876 : vector<16xi32>
    %min3A_878 = arith.minsi %min3A_873, %abs3A_877 : vector<16xi32>
    %sub3A_879 = arith.constant 41 : i32
    %sub3A_880 = vector.broadcast %sub3A_879 : i32 to vector<16xi32>
    %sub3A_881 = arith.subi %get3A_850, %sub3A_880 : vector<16xi32>
    %abs3A_882 = math.absi %sub3A_881 : vector<16xi32>
    %min3A_883 = arith.minsi %min3A_878, %abs3A_882 : vector<16xi32>
    %sub3A_884 = arith.constant 58 : i32
    %sub3A_885 = vector.broadcast %sub3A_884 : i32 to vector<16xi32>
    %sub3A_886 = arith.subi %get3A_850, %sub3A_885 : vector<16xi32>
    %abs3A_887 = math.absi %sub3A_886 : vector<16xi32>
    %min3A_888 = arith.minsi %min3A_883, %abs3A_887 : vector<16xi32>
    %sub3A_889 = arith.constant 66 : i32
    %sub3A_890 = vector.broadcast %sub3A_889 : i32 to vector<16xi32>
    %sub3A_891 = arith.subi %get3A_850, %sub3A_890 : vector<16xi32>
    %abs3A_892 = math.absi %sub3A_891 : vector<16xi32>
    %min3A_893 = arith.minsi %min3A_888, %abs3A_892 : vector<16xi32>
    %sub3A_894 = arith.constant 74 : i32
    %sub3A_895 = vector.broadcast %sub3A_894 : i32 to vector<16xi32>
    %sub3A_896 = arith.subi %get3A_850, %sub3A_895 : vector<16xi32>
    %abs3A_897 = math.absi %sub3A_896 : vector<16xi32>
    %min3A_898 = arith.minsi %min3A_893, %abs3A_897 : vector<16xi32>
    %sub3A_899 = arith.constant 89 : i32
    %sub3A_900 = vector.broadcast %sub3A_899 : i32 to vector<16xi32>
    %sub3A_901 = arith.subi %get3A_850, %sub3A_900 : vector<16xi32>
    %abs3A_902 = math.absi %sub3A_901 : vector<16xi32>
    %min3A_903 = arith.minsi %min3A_898, %abs3A_902 : vector<16xi32>
    %sub3A_904 = arith.constant 97 : i32
    %sub3A_905 = vector.broadcast %sub3A_904 : i32 to vector<16xi32>
    %sub3A_906 = arith.subi %get3A_850, %sub3A_905 : vector<16xi32>
    %abs3A_907 = math.absi %sub3A_906 : vector<16xi32>
    %min3A_908 = arith.minsi %min3A_903, %abs3A_907 : vector<16xi32>
    %sub3A_909 = arith.constant 103 : i32
    %sub3A_910 = vector.broadcast %sub3A_909 : i32 to vector<16xi32>
    %sub3A_911 = arith.subi %get3A_850, %sub3A_910 : vector<16xi32>
    %abs3A_912 = math.absi %sub3A_911 : vector<16xi32>
    %min3A_913 = arith.minsi %min3A_908, %abs3A_912 : vector<16xi32>
    %sub3A_914 = arith.constant 118 : i32
    %sub3A_915 = vector.broadcast %sub3A_914 : i32 to vector<16xi32>
    %sub3A_916 = arith.subi %get3A_850, %sub3A_915 : vector<16xi32>
    %abs3A_917 = math.absi %sub3A_916 : vector<16xi32>
    %min3A_918 = arith.minsi %min3A_913, %abs3A_917 : vector<16xi32>
    %sub3A_919 = arith.constant 127 : i32
    %sub3A_920 = vector.broadcast %sub3A_919 : i32 to vector<16xi32>
    %sub3A_921 = arith.subi %get3A_850, %sub3A_920 : vector<16xi32>
    %abs3A_922 = math.absi %sub3A_921 : vector<16xi32>
    %min3A_923 = arith.minsi %min3A_918, %abs3A_922 : vector<16xi32>
    %sub3A_924 = arith.constant 134 : i32
    %sub3A_925 = vector.broadcast %sub3A_924 : i32 to vector<16xi32>
    %sub3A_926 = arith.subi %get3A_850, %sub3A_925 : vector<16xi32>
    %abs3A_927 = math.absi %sub3A_926 : vector<16xi32>
    %min3A_928 = arith.minsi %min3A_923, %abs3A_927 : vector<16xi32>
    %sub3A_929 = arith.constant 149 : i32
    %sub3A_930 = vector.broadcast %sub3A_929 : i32 to vector<16xi32>
    %sub3A_931 = arith.subi %get3A_850, %sub3A_930 : vector<16xi32>
    %abs3A_932 = math.absi %sub3A_931 : vector<16xi32>
    %min3A_933 = arith.minsi %min3A_928, %abs3A_932 : vector<16xi32>
    %sub3A_934 = arith.constant 155 : i32
    %sub3A_935 = vector.broadcast %sub3A_934 : i32 to vector<16xi32>
    %sub3A_936 = arith.subi %get3A_850, %sub3A_935 : vector<16xi32>
    %abs3A_937 = math.absi %sub3A_936 : vector<16xi32>
    %min3A_938 = arith.minsi %min3A_933, %abs3A_937 : vector<16xi32>
    %min3A_939 = arith.minsi %min3A_938, %broadcast_in_dim3A_5 : vector<16xi32>
    %sub3A_940 = arith.subi %broadcast_in_dim3A_5, %min3A_939 : vector<16xi32>
    %convert_element_type3A_941 = arith.sitofp %sub3A_940 : vector<16xi32> to vector<16xf32>
    %sub3A_942 = arith.constant 3002 : i32
    %sub3A_943 = vector.broadcast %sub3A_942 : i32 to vector<16xi32>
    %sub3A_944 = arith.subi %get3A_850, %sub3A_943 : vector<16xi32>
    %abs3A_945 = math.absi %sub3A_944 : vector<16xi32>
    %mul3A_946 = arith.muli %min3A_938, %abs3A_945 : vector<16xi32>
    %min3A_947 = arith.minsi %mul3A_946, %broadcast_in_dim3A_5 : vector<16xi32>
    %convert_element_type3A_948 = arith.sitofp %min3A_947 : vector<16xi32> to vector<16xf32>
    %mul3A_949 = arith.mulf %get3A_856, %convert_element_type3A_941 : vector<16xf32>
    %add3A_950 = arith.addf %add3A_829, %mul3A_949 : vector<16xf32>
    %mul3A_951 = arith.mulf %get3A_853, %convert_element_type3A_941 : vector<16xf32>
    %add3A_952 = arith.addf %add3A_831, %mul3A_951 : vector<16xf32>
    %add3A_953 = arith.addf %add3A_832, %convert_element_type3A_941 : vector<16xf32>
    %mul3A_954 = arith.mulf %get3A_856, %convert_element_type3A_948 : vector<16xf32>
    %add3A_955 = arith.addf %add3A_834, %mul3A_954 : vector<16xf32>
    %mul3A_956 = arith.mulf %get3A_853, %convert_element_type3A_948 : vector<16xf32>
    %add3A_957 = arith.addf %add3A_836, %mul3A_956 : vector<16xf32>
    %add3A_958 = arith.addf %add3A_837, %convert_element_type3A_948 : vector<16xf32>
    %mul3A_959 = arith.mulf %get3A_859, %convert_element_type3A_941 : vector<16xf32>
    %add3A_960 = arith.addf %add3A_839, %mul3A_959 : vector<16xf32>
    %sub3A_961 = arith.constant 1.000000e+00 : f32
    %sub3A_962 = vector.broadcast %sub3A_961 : f32 to vector<16xf32>
    %sub3A_963 = arith.subf %sub3A_962, %get3A_859 : vector<16xf32>
    %sub3A_964 = arith.constant 1.000000e+00 : f32
    %sub3A_965 = vector.broadcast %sub3A_964 : f32 to vector<16xf32>
    %sub3A_966 = arith.subf %sub3A_965, %convert_element_type3A_941 : vector<16xf32>
    %mul3A_967 = arith.mulf %sub3A_963, %sub3A_966 : vector<16xf32>
    %add3A_968 = arith.addf %add3A_847, %mul3A_967 : vector<16xf32>
    %get3A_969 = arith.constant 128 : index
    %get3A_970 = tpu.vector_load %arg7[%get3A_969] {strides = array<i32>} : memref<256xi32, #tpu.memory_space<vmem>>, vector<16xi32>,
    %get3A_971 = vector.shape_cast %get3A_970 : vector<16xi32> to vector<16xi32>
    %get3A_972 = arith.constant 128 : index
    %get3A_973 = tpu.vector_load %arg8[%get3A_972] {strides = array<i32>} : memref<256xf32, #tpu.memory_space<vmem>>, vector<16xf32>,
    %get3A_974 = vector.shape_cast %get3A_973 : vector<16xf32> to vector<16xf32>
    %get3A_975 = arith.constant 128 : index
    %get3A_976 = tpu.vector_load %arg9[%get3A_975] {strides = array<i32>} : memref<256xf32, #tpu.memory_space<vmem>>, vector<16xf32>,
    %get3A_977 = vector.shape_cast %get3A_976 : vector<16xf32> to vector<16xf32>
    %get3A_978 = arith.constant 128 : index
    %get3A_979 = tpu.vector_load %arg10[%get3A_978] {strides = array<i32>} : memref<256xf32, #tpu.memory_space<vmem>>, vector<16xf32>,
    %get3A_980 = vector.shape_cast %get3A_979 : vector<16xf32> to vector<16xf32>
    %sub3A_981 = arith.constant 5 : i32
    %sub3A_982 = vector.broadcast %sub3A_981 : i32 to vector<16xi32>
    %sub3A_983 = arith.subi %get3A_971, %sub3A_982 : vector<16xi32>
    %abs3A_984 = math.absi %sub3A_983 : vector<16xi32>
    %sub3A_985 = arith.constant 12 : i32
    %sub3A_986 = vector.broadcast %sub3A_985 : i32 to vector<16xi32>
    %sub3A_987 = arith.subi %get3A_971, %sub3A_986 : vector<16xi32>
    %abs3A_988 = math.absi %sub3A_987 : vector<16xi32>
    %min3A_989 = arith.minsi %abs3A_984, %abs3A_988 : vector<16xi32>
    %sub3A_990 = arith.constant 23 : i32
    %sub3A_991 = vector.broadcast %sub3A_990 : i32 to vector<16xi32>
    %sub3A_992 = arith.subi %get3A_971, %sub3A_991 : vector<16xi32>
    %abs3A_993 = math.absi %sub3A_992 : vector<16xi32>
    %min3A_994 = arith.minsi %min3A_989, %abs3A_993 : vector<16xi32>
    %sub3A_995 = arith.constant 37 : i32
    %sub3A_996 = vector.broadcast %sub3A_995 : i32 to vector<16xi32>
    %sub3A_997 = arith.subi %get3A_971, %sub3A_996 : vector<16xi32>
    %abs3A_998 = math.absi %sub3A_997 : vector<16xi32>
    %min3A_999 = arith.minsi %min3A_994, %abs3A_998 : vector<16xi32>
    %sub3A_1000 = arith.constant 41 : i32
    %sub3A_1001 = vector.broadcast %sub3A_1000 : i32 to vector<16xi32>
    %sub3A_1002 = arith.subi %get3A_971, %sub3A_1001 : vector<16xi32>
    %abs3A_1003 = math.absi %sub3A_1002 : vector<16xi32>
    %min3A_1004 = arith.minsi %min3A_999, %abs3A_1003 : vector<16xi32>
    %sub3A_1005 = arith.constant 58 : i32
    %sub3A_1006 = vector.broadcast %sub3A_1005 : i32 to vector<16xi32>
    %sub3A_1007 = arith.subi %get3A_971, %sub3A_1006 : vector<16xi32>
    %abs3A_1008 = math.absi %sub3A_1007 : vector<16xi32>
    %min3A_1009 = arith.minsi %min3A_1004, %abs3A_1008 : vector<16xi32>
    %sub3A_1010 = arith.constant 66 : i32
    %sub3A_1011 = vector.broadcast %sub3A_1010 : i32 to vector<16xi32>
    %sub3A_1012 = arith.subi %get3A_971, %sub3A_1011 : vector<16xi32>
    %abs3A_1013 = math.absi %sub3A_1012 : vector<16xi32>
    %min3A_1014 = arith.minsi %min3A_1009, %abs3A_1013 : vector<16xi32>
    %sub3A_1015 = arith.constant 74 : i32
    %sub3A_1016 = vector.broadcast %sub3A_1015 : i32 to vector<16xi32>
    %sub3A_1017 = arith.subi %get3A_971, %sub3A_1016 : vector<16xi32>
    %abs3A_1018 = math.absi %sub3A_1017 : vector<16xi32>
    %min3A_1019 = arith.minsi %min3A_1014, %abs3A_1018 : vector<16xi32>
    %sub3A_1020 = arith.constant 89 : i32
    %sub3A_1021 = vector.broadcast %sub3A_1020 : i32 to vector<16xi32>
    %sub3A_1022 = arith.subi %get3A_971, %sub3A_1021 : vector<16xi32>
    %abs3A_1023 = math.absi %sub3A_1022 : vector<16xi32>
    %min3A_1024 = arith.minsi %min3A_1019, %abs3A_1023 : vector<16xi32>
    %sub3A_1025 = arith.constant 97 : i32
    %sub3A_1026 = vector.broadcast %sub3A_1025 : i32 to vector<16xi32>
    %sub3A_1027 = arith.subi %get3A_971, %sub3A_1026 : vector<16xi32>
    %abs3A_1028 = math.absi %sub3A_1027 : vector<16xi32>
    %min3A_1029 = arith.minsi %min3A_1024, %abs3A_1028 : vector<16xi32>
    %sub3A_1030 = arith.constant 103 : i32
    %sub3A_1031 = vector.broadcast %sub3A_1030 : i32 to vector<16xi32>
    %sub3A_1032 = arith.subi %get3A_971, %sub3A_1031 : vector<16xi32>
    %abs3A_1033 = math.absi %sub3A_1032 : vector<16xi32>
    %min3A_1034 = arith.minsi %min3A_1029, %abs3A_1033 : vector<16xi32>
    %sub3A_1035 = arith.constant 118 : i32
    %sub3A_1036 = vector.broadcast %sub3A_1035 : i32 to vector<16xi32>
    %sub3A_1037 = arith.subi %get3A_971, %sub3A_1036 : vector<16xi32>
    %abs3A_1038 = math.absi %sub3A_1037 : vector<16xi32>
    %min3A_1039 = arith.minsi %min3A_1034, %abs3A_1038 : vector<16xi32>
    %sub3A_1040 = arith.constant 127 : i32
    %sub3A_1041 = vector.broadcast %sub3A_1040 : i32 to vector<16xi32>
    %sub3A_1042 = arith.subi %get3A_971, %sub3A_1041 : vector<16xi32>
    %abs3A_1043 = math.absi %sub3A_1042 : vector<16xi32>
    %min3A_1044 = arith.minsi %min3A_1039, %abs3A_1043 : vector<16xi32>
    %sub3A_1045 = arith.constant 134 : i32
    %sub3A_1046 = vector.broadcast %sub3A_1045 : i32 to vector<16xi32>
    %sub3A_1047 = arith.subi %get3A_971, %sub3A_1046 : vector<16xi32>
    %abs3A_1048 = math.absi %sub3A_1047 : vector<16xi32>
    %min3A_1049 = arith.minsi %min3A_1044, %abs3A_1048 : vector<16xi32>
    %sub3A_1050 = arith.constant 149 : i32
    %sub3A_1051 = vector.broadcast %sub3A_1050 : i32 to vector<16xi32>
    %sub3A_1052 = arith.subi %get3A_971, %sub3A_1051 : vector<16xi32>
    %abs3A_1053 = math.absi %sub3A_1052 : vector<16xi32>
    %min3A_1054 = arith.minsi %min3A_1049, %abs3A_1053 : vector<16xi32>
    %sub3A_1055 = arith.constant 155 : i32
    %sub3A_1056 = vector.broadcast %sub3A_1055 : i32 to vector<16xi32>
    %sub3A_1057 = arith.subi %get3A_971, %sub3A_1056 : vector<16xi32>
    %abs3A_1058 = math.absi %sub3A_1057 : vector<16xi32>
    %min3A_1059 = arith.minsi %min3A_1054, %abs3A_1058 : vector<16xi32>
    %min3A_1060 = arith.minsi %min3A_1059, %broadcast_in_dim3A_5 : vector<16xi32>
    %sub3A_1061 = arith.subi %broadcast_in_dim3A_5, %min3A_1060 : vector<16xi32>
    %convert_element_type3A_1062 = arith.sitofp %sub3A_1061 : vector<16xi32> to vector<16xf32>
    %sub3A_1063 = arith.constant 3002 : i32
    %sub3A_1064 = vector.broadcast %sub3A_1063 : i32 to vector<16xi32>
    %sub3A_1065 = arith.subi %get3A_971, %sub3A_1064 : vector<16xi32>
    %abs3A_1066 = math.absi %sub3A_1065 : vector<16xi32>
    %mul3A_1067 = arith.muli %min3A_1059, %abs3A_1066 : vector<16xi32>
    %min3A_1068 = arith.minsi %mul3A_1067, %broadcast_in_dim3A_5 : vector<16xi32>
    %convert_element_type3A_1069 = arith.sitofp %min3A_1068 : vector<16xi32> to vector<16xf32>
    %mul3A_1070 = arith.mulf %get3A_977, %convert_element_type3A_1062 : vector<16xf32>
    %add3A_1071 = arith.addf %add3A_950, %mul3A_1070 : vector<16xf32>
    %mul3A_1072 = arith.mulf %get3A_974, %convert_element_type3A_1062 : vector<16xf32>
    %add3A_1073 = arith.addf %add3A_952, %mul3A_1072 : vector<16xf32>
    %add3A_1074 = arith.addf %add3A_953, %convert_element_type3A_1062 : vector<16xf32>
    %mul3A_1075 = arith.mulf %get3A_977, %convert_element_type3A_1069 : vector<16xf32>
    %add3A_1076 = arith.addf %add3A_955, %mul3A_1075 : vector<16xf32>
    %mul3A_1077 = arith.mulf %get3A_974, %convert_element_type3A_1069 : vector<16xf32>
    %add3A_1078 = arith.addf %add3A_957, %mul3A_1077 : vector<16xf32>
    %add3A_1079 = arith.addf %add3A_958, %convert_element_type3A_1069 : vector<16xf32>
    %mul3A_1080 = arith.mulf %get3A_980, %convert_element_type3A_1062 : vector<16xf32>
    %add3A_1081 = arith.addf %add3A_960, %mul3A_1080 : vector<16xf32>
    %sub3A_1082 = arith.constant 1.000000e+00 : f32
    %sub3A_1083 = vector.broadcast %sub3A_1082 : f32 to vector<16xf32>
    %sub3A_1084 = arith.subf %sub3A_1083, %get3A_980 : vector<16xf32>
    %sub3A_1085 = arith.constant 1.000000e+00 : f32
    %sub3A_1086 = vector.broadcast %sub3A_1085 : f32 to vector<16xf32>
    %sub3A_1087 = arith.subf %sub3A_1086, %convert_element_type3A_1062 : vector<16xf32>
    %mul3A_1088 = arith.mulf %sub3A_1084, %sub3A_1087 : vector<16xf32>
    %add3A_1089 = arith.addf %add3A_968, %mul3A_1088 : vector<16xf32>
    %get3A_1090 = arith.constant 144 : index
    %get3A_1091 = tpu.vector_load %arg7[%get3A_1090] {strides = array<i32>} : memref<256xi32, #tpu.memory_space<vmem>>, vector<16xi32>,
    %get3A_1092 = vector.shape_cast %get3A_1091 : vector<16xi32> to vector<16xi32>
    %get3A_1093 = arith.constant 144 : index
    %get3A_1094 = tpu.vector_load %arg8[%get3A_1093] {strides = array<i32>} : memref<256xf32, #tpu.memory_space<vmem>>, vector<16xf32>,
    %get3A_1095 = vector.shape_cast %get3A_1094 : vector<16xf32> to vector<16xf32>
    %get3A_1096 = arith.constant 144 : index
    %get3A_1097 = tpu.vector_load %arg9[%get3A_1096] {strides = array<i32>} : memref<256xf32, #tpu.memory_space<vmem>>, vector<16xf32>,
    %get3A_1098 = vector.shape_cast %get3A_1097 : vector<16xf32> to vector<16xf32>
    %get3A_1099 = arith.constant 144 : index
    %get3A_1100 = tpu.vector_load %arg10[%get3A_1099] {strides = array<i32>} : memref<256xf32, #tpu.memory_space<vmem>>, vector<16xf32>,
    %get3A_1101 = vector.shape_cast %get3A_1100 : vector<16xf32> to vector<16xf32>
    %sub3A_1102 = arith.constant 5 : i32
    %sub3A_1103 = vector.broadcast %sub3A_1102 : i32 to vector<16xi32>
    %sub3A_1104 = arith.subi %get3A_1092, %sub3A_1103 : vector<16xi32>
    %abs3A_1105 = math.absi %sub3A_1104 : vector<16xi32>
    %sub3A_1106 = arith.constant 12 : i32
    %sub3A_1107 = vector.broadcast %sub3A_1106 : i32 to vector<16xi32>
    %sub3A_1108 = arith.subi %get3A_1092, %sub3A_1107 : vector<16xi32>
    %abs3A_1109 = math.absi %sub3A_1108 : vector<16xi32>
    %min3A_1110 = arith.minsi %abs3A_1105, %abs3A_1109 : vector<16xi32>
    %sub3A_1111 = arith.constant 23 : i32
    %sub3A_1112 = vector.broadcast %sub3A_1111 : i32 to vector<16xi32>
    %sub3A_1113 = arith.subi %get3A_1092, %sub3A_1112 : vector<16xi32>
    %abs3A_1114 = math.absi %sub3A_1113 : vector<16xi32>
    %min3A_1115 = arith.minsi %min3A_1110, %abs3A_1114 : vector<16xi32>
    %sub3A_1116 = arith.constant 37 : i32
    %sub3A_1117 = vector.broadcast %sub3A_1116 : i32 to vector<16xi32>
    %sub3A_1118 = arith.subi %get3A_1092, %sub3A_1117 : vector<16xi32>
    %abs3A_1119 = math.absi %sub3A_1118 : vector<16xi32>
    %min3A_1120 = arith.minsi %min3A_1115, %abs3A_1119 : vector<16xi32>
    %sub3A_1121 = arith.constant 41 : i32
    %sub3A_1122 = vector.broadcast %sub3A_1121 : i32 to vector<16xi32>
    %sub3A_1123 = arith.subi %get3A_1092, %sub3A_1122 : vector<16xi32>
    %abs3A_1124 = math.absi %sub3A_1123 : vector<16xi32>
    %min3A_1125 = arith.minsi %min3A_1120, %abs3A_1124 : vector<16xi32>
    %sub3A_1126 = arith.constant 58 : i32
    %sub3A_1127 = vector.broadcast %sub3A_1126 : i32 to vector<16xi32>
    %sub3A_1128 = arith.subi %get3A_1092, %sub3A_1127 : vector<16xi32>
    %abs3A_1129 = math.absi %sub3A_1128 : vector<16xi32>
    %min3A_1130 = arith.minsi %min3A_1125, %abs3A_1129 : vector<16xi32>
    %sub3A_1131 = arith.constant 66 : i32
    %sub3A_1132 = vector.broadcast %sub3A_1131 : i32 to vector<16xi32>
    %sub3A_1133 = arith.subi %get3A_1092, %sub3A_1132 : vector<16xi32>
    %abs3A_1134 = math.absi %sub3A_1133 : vector<16xi32>
    %min3A_1135 = arith.minsi %min3A_1130, %abs3A_1134 : vector<16xi32>
    %sub3A_1136 = arith.constant 74 : i32
    %sub3A_1137 = vector.broadcast %sub3A_1136 : i32 to vector<16xi32>
    %sub3A_1138 = arith.subi %get3A_1092, %sub3A_1137 : vector<16xi32>
    %abs3A_1139 = math.absi %sub3A_1138 : vector<16xi32>
    %min3A_1140 = arith.minsi %min3A_1135, %abs3A_1139 : vector<16xi32>
    %sub3A_1141 = arith.constant 89 : i32
    %sub3A_1142 = vector.broadcast %sub3A_1141 : i32 to vector<16xi32>
    %sub3A_1143 = arith.subi %get3A_1092, %sub3A_1142 : vector<16xi32>
    %abs3A_1144 = math.absi %sub3A_1143 : vector<16xi32>
    %min3A_1145 = arith.minsi %min3A_1140, %abs3A_1144 : vector<16xi32>
    %sub3A_1146 = arith.constant 97 : i32
    %sub3A_1147 = vector.broadcast %sub3A_1146 : i32 to vector<16xi32>
    %sub3A_1148 = arith.subi %get3A_1092, %sub3A_1147 : vector<16xi32>
    %abs3A_1149 = math.absi %sub3A_1148 : vector<16xi32>
    %min3A_1150 = arith.minsi %min3A_1145, %abs3A_1149 : vector<16xi32>
    %sub3A_1151 = arith.constant 103 : i32
    %sub3A_1152 = vector.broadcast %sub3A_1151 : i32 to vector<16xi32>
    %sub3A_1153 = arith.subi %get3A_1092, %sub3A_1152 : vector<16xi32>
    %abs3A_1154 = math.absi %sub3A_1153 : vector<16xi32>
    %min3A_1155 = arith.minsi %min3A_1150, %abs3A_1154 : vector<16xi32>
    %sub3A_1156 = arith.constant 118 : i32
    %sub3A_1157 = vector.broadcast %sub3A_1156 : i32 to vector<16xi32>
    %sub3A_1158 = arith.subi %get3A_1092, %sub3A_1157 : vector<16xi32>
    %abs3A_1159 = math.absi %sub3A_1158 : vector<16xi32>
    %min3A_1160 = arith.minsi %min3A_1155, %abs3A_1159 : vector<16xi32>
    %sub3A_1161 = arith.constant 127 : i32
    %sub3A_1162 = vector.broadcast %sub3A_1161 : i32 to vector<16xi32>
    %sub3A_1163 = arith.subi %get3A_1092, %sub3A_1162 : vector<16xi32>
    %abs3A_1164 = math.absi %sub3A_1163 : vector<16xi32>
    %min3A_1165 = arith.minsi %min3A_1160, %abs3A_1164 : vector<16xi32>
    %sub3A_1166 = arith.constant 134 : i32
    %sub3A_1167 = vector.broadcast %sub3A_1166 : i32 to vector<16xi32>
    %sub3A_1168 = arith.subi %get3A_1092, %sub3A_1167 : vector<16xi32>
    %abs3A_1169 = math.absi %sub3A_1168 : vector<16xi32>
    %min3A_1170 = arith.minsi %min3A_1165, %abs3A_1169 : vector<16xi32>
    %sub3A_1171 = arith.constant 149 : i32
    %sub3A_1172 = vector.broadcast %sub3A_1171 : i32 to vector<16xi32>
    %sub3A_1173 = arith.subi %get3A_1092, %sub3A_1172 : vector<16xi32>
    %abs3A_1174 = math.absi %sub3A_1173 : vector<16xi32>
    %min3A_1175 = arith.minsi %min3A_1170, %abs3A_1174 : vector<16xi32>
    %sub3A_1176 = arith.constant 155 : i32
    %sub3A_1177 = vector.broadcast %sub3A_1176 : i32 to vector<16xi32>
    %sub3A_1178 = arith.subi %get3A_1092, %sub3A_1177 : vector<16xi32>
    %abs3A_1179 = math.absi %sub3A_1178 : vector<16xi32>
    %min3A_1180 = arith.minsi %min3A_1175, %abs3A_1179 : vector<16xi32>
    %min3A_1181 = arith.minsi %min3A_1180, %broadcast_in_dim3A_5 : vector<16xi32>
    %sub3A_1182 = arith.subi %broadcast_in_dim3A_5, %min3A_1181 : vector<16xi32>
    %convert_element_type3A_1183 = arith.sitofp %sub3A_1182 : vector<16xi32> to vector<16xf32>
    %sub3A_1184 = arith.constant 3002 : i32
    %sub3A_1185 = vector.broadcast %sub3A_1184 : i32 to vector<16xi32>
    %sub3A_1186 = arith.subi %get3A_1092, %sub3A_1185 : vector<16xi32>
    %abs3A_1187 = math.absi %sub3A_1186 : vector<16xi32>
    %mul3A_1188 = arith.muli %min3A_1180, %abs3A_1187 : vector<16xi32>
    %min3A_1189 = arith.minsi %mul3A_1188, %broadcast_in_dim3A_5 : vector<16xi32>
    %convert_element_type3A_1190 = arith.sitofp %min3A_1189 : vector<16xi32> to vector<16xf32>
    %mul3A_1191 = arith.mulf %get3A_1098, %convert_element_type3A_1183 : vector<16xf32>
    %add3A_1192 = arith.addf %add3A_1071, %mul3A_1191 : vector<16xf32>
    %mul3A_1193 = arith.mulf %get3A_1095, %convert_element_type3A_1183 : vector<16xf32>
    %add3A_1194 = arith.addf %add3A_1073, %mul3A_1193 : vector<16xf32>
    %add3A_1195 = arith.addf %add3A_1074, %convert_element_type3A_1183 : vector<16xf32>
    %mul3A_1196 = arith.mulf %get3A_1098, %convert_element_type3A_1190 : vector<16xf32>
    %add3A_1197 = arith.addf %add3A_1076, %mul3A_1196 : vector<16xf32>
    %mul3A_1198 = arith.mulf %get3A_1095, %convert_element_type3A_1190 : vector<16xf32>
    %add3A_1199 = arith.addf %add3A_1078, %mul3A_1198 : vector<16xf32>
    %add3A_1200 = arith.addf %add3A_1079, %convert_element_type3A_1190 : vector<16xf32>
    %mul3A_1201 = arith.mulf %get3A_1101, %convert_element_type3A_1183 : vector<16xf32>
    %add3A_1202 = arith.addf %add3A_1081, %mul3A_1201 : vector<16xf32>
    %sub3A_1203 = arith.constant 1.000000e+00 : f32
    %sub3A_1204 = vector.broadcast %sub3A_1203 : f32 to vector<16xf32>
    %sub3A_1205 = arith.subf %sub3A_1204, %get3A_1101 : vector<16xf32>
    %sub3A_1206 = arith.constant 1.000000e+00 : f32
    %sub3A_1207 = vector.broadcast %sub3A_1206 : f32 to vector<16xf32>
    %sub3A_1208 = arith.subf %sub3A_1207, %convert_element_type3A_1183 : vector<16xf32>
    %mul3A_1209 = arith.mulf %sub3A_1205, %sub3A_1208 : vector<16xf32>
    %add3A_1210 = arith.addf %add3A_1089, %mul3A_1209 : vector<16xf32>
    %get3A_1211 = arith.constant 160 : index
    %get3A_1212 = tpu.vector_load %arg7[%get3A_1211] {strides = array<i32>} : memref<256xi32, #tpu.memory_space<vmem>>, vector<16xi32>,
    %get3A_1213 = vector.shape_cast %get3A_1212 : vector<16xi32> to vector<16xi32>
    %get3A_1214 = arith.constant 160 : index
    %get3A_1215 = tpu.vector_load %arg8[%get3A_1214] {strides = array<i32>} : memref<256xf32, #tpu.memory_space<vmem>>, vector<16xf32>,
    %get3A_1216 = vector.shape_cast %get3A_1215 : vector<16xf32> to vector<16xf32>
    %get3A_1217 = arith.constant 160 : index
    %get3A_1218 = tpu.vector_load %arg9[%get3A_1217] {strides = array<i32>} : memref<256xf32, #tpu.memory_space<vmem>>, vector<16xf32>,
    %get3A_1219 = vector.shape_cast %get3A_1218 : vector<16xf32> to vector<16xf32>
    %get3A_1220 = arith.constant 160 : index
    %get3A_1221 = tpu.vector_load %arg10[%get3A_1220] {strides = array<i32>} : memref<256xf32, #tpu.memory_space<vmem>>, vector<16xf32>,
    %get3A_1222 = vector.shape_cast %get3A_1221 : vector<16xf32> to vector<16xf32>
    %sub3A_1223 = arith.constant 5 : i32
    %sub3A_1224 = vector.broadcast %sub3A_1223 : i32 to vector<16xi32>
    %sub3A_1225 = arith.subi %get3A_1213, %sub3A_1224 : vector<16xi32>
    %abs3A_1226 = math.absi %sub3A_1225 : vector<16xi32>
    %sub3A_1227 = arith.constant 12 : i32
    %sub3A_1228 = vector.broadcast %sub3A_1227 : i32 to vector<16xi32>
    %sub3A_1229 = arith.subi %get3A_1213, %sub3A_1228 : vector<16xi32>
    %abs3A_1230 = math.absi %sub3A_1229 : vector<16xi32>
    %min3A_1231 = arith.minsi %abs3A_1226, %abs3A_1230 : vector<16xi32>
    %sub3A_1232 = arith.constant 23 : i32
    %sub3A_1233 = vector.broadcast %sub3A_1232 : i32 to vector<16xi32>
    %sub3A_1234 = arith.subi %get3A_1213, %sub3A_1233 : vector<16xi32>
    %abs3A_1235 = math.absi %sub3A_1234 : vector<16xi32>
    %min3A_1236 = arith.minsi %min3A_1231, %abs3A_1235 : vector<16xi32>
    %sub3A_1237 = arith.constant 37 : i32
    %sub3A_1238 = vector.broadcast %sub3A_1237 : i32 to vector<16xi32>
    %sub3A_1239 = arith.subi %get3A_1213, %sub3A_1238 : vector<16xi32>
    %abs3A_1240 = math.absi %sub3A_1239 : vector<16xi32>
    %min3A_1241 = arith.minsi %min3A_1236, %abs3A_1240 : vector<16xi32>
    %sub3A_1242 = arith.constant 41 : i32
    %sub3A_1243 = vector.broadcast %sub3A_1242 : i32 to vector<16xi32>
    %sub3A_1244 = arith.subi %get3A_1213, %sub3A_1243 : vector<16xi32>
    %abs3A_1245 = math.absi %sub3A_1244 : vector<16xi32>
    %min3A_1246 = arith.minsi %min3A_1241, %abs3A_1245 : vector<16xi32>
    %sub3A_1247 = arith.constant 58 : i32
    %sub3A_1248 = vector.broadcast %sub3A_1247 : i32 to vector<16xi32>
    %sub3A_1249 = arith.subi %get3A_1213, %sub3A_1248 : vector<16xi32>
    %abs3A_1250 = math.absi %sub3A_1249 : vector<16xi32>
    %min3A_1251 = arith.minsi %min3A_1246, %abs3A_1250 : vector<16xi32>
    %sub3A_1252 = arith.constant 66 : i32
    %sub3A_1253 = vector.broadcast %sub3A_1252 : i32 to vector<16xi32>
    %sub3A_1254 = arith.subi %get3A_1213, %sub3A_1253 : vector<16xi32>
    %abs3A_1255 = math.absi %sub3A_1254 : vector<16xi32>
    %min3A_1256 = arith.minsi %min3A_1251, %abs3A_1255 : vector<16xi32>
    %sub3A_1257 = arith.constant 74 : i32
    %sub3A_1258 = vector.broadcast %sub3A_1257 : i32 to vector<16xi32>
    %sub3A_1259 = arith.subi %get3A_1213, %sub3A_1258 : vector<16xi32>
    %abs3A_1260 = math.absi %sub3A_1259 : vector<16xi32>
    %min3A_1261 = arith.minsi %min3A_1256, %abs3A_1260 : vector<16xi32>
    %sub3A_1262 = arith.constant 89 : i32
    %sub3A_1263 = vector.broadcast %sub3A_1262 : i32 to vector<16xi32>
    %sub3A_1264 = arith.subi %get3A_1213, %sub3A_1263 : vector<16xi32>
    %abs3A_1265 = math.absi %sub3A_1264 : vector<16xi32>
    %min3A_1266 = arith.minsi %min3A_1261, %abs3A_1265 : vector<16xi32>
    %sub3A_1267 = arith.constant 97 : i32
    %sub3A_1268 = vector.broadcast %sub3A_1267 : i32 to vector<16xi32>
    %sub3A_1269 = arith.subi %get3A_1213, %sub3A_1268 : vector<16xi32>
    %abs3A_1270 = math.absi %sub3A_1269 : vector<16xi32>
    %min3A_1271 = arith.minsi %min3A_1266, %abs3A_1270 : vector<16xi32>
    %sub3A_1272 = arith.constant 103 : i32
    %sub3A_1273 = vector.broadcast %sub3A_1272 : i32 to vector<16xi32>
    %sub3A_1274 = arith.subi %get3A_1213, %sub3A_1273 : vector<16xi32>
    %abs3A_1275 = math.absi %sub3A_1274 : vector<16xi32>
    %min3A_1276 = arith.minsi %min3A_1271, %abs3A_1275 : vector<16xi32>
    %sub3A_1277 = arith.constant 118 : i32
    %sub3A_1278 = vector.broadcast %sub3A_1277 : i32 to vector<16xi32>
    %sub3A_1279 = arith.subi %get3A_1213, %sub3A_1278 : vector<16xi32>
    %abs3A_1280 = math.absi %sub3A_1279 : vector<16xi32>
    %min3A_1281 = arith.minsi %min3A_1276, %abs3A_1280 : vector<16xi32>
    %sub3A_1282 = arith.constant 127 : i32
    %sub3A_1283 = vector.broadcast %sub3A_1282 : i32 to vector<16xi32>
    %sub3A_1284 = arith.subi %get3A_1213, %sub3A_1283 : vector<16xi32>
    %abs3A_1285 = math.absi %sub3A_1284 : vector<16xi32>
    %min3A_1286 = arith.minsi %min3A_1281, %abs3A_1285 : vector<16xi32>
    %sub3A_1287 = arith.constant 134 : i32
    %sub3A_1288 = vector.broadcast %sub3A_1287 : i32 to vector<16xi32>
    %sub3A_1289 = arith.subi %get3A_1213, %sub3A_1288 : vector<16xi32>
    %abs3A_1290 = math.absi %sub3A_1289 : vector<16xi32>
    %min3A_1291 = arith.minsi %min3A_1286, %abs3A_1290 : vector<16xi32>
    %sub3A_1292 = arith.constant 149 : i32
    %sub3A_1293 = vector.broadcast %sub3A_1292 : i32 to vector<16xi32>
    %sub3A_1294 = arith.subi %get3A_1213, %sub3A_1293 : vector<16xi32>
    %abs3A_1295 = math.absi %sub3A_1294 : vector<16xi32>
    %min3A_1296 = arith.minsi %min3A_1291, %abs3A_1295 : vector<16xi32>
    %sub3A_1297 = arith.constant 155 : i32
    %sub3A_1298 = vector.broadcast %sub3A_1297 : i32 to vector<16xi32>
    %sub3A_1299 = arith.subi %get3A_1213, %sub3A_1298 : vector<16xi32>
    %abs3A_1300 = math.absi %sub3A_1299 : vector<16xi32>
    %min3A_1301 = arith.minsi %min3A_1296, %abs3A_1300 : vector<16xi32>
    %min3A_1302 = arith.minsi %min3A_1301, %broadcast_in_dim3A_5 : vector<16xi32>
    %sub3A_1303 = arith.subi %broadcast_in_dim3A_5, %min3A_1302 : vector<16xi32>
    %convert_element_type3A_1304 = arith.sitofp %sub3A_1303 : vector<16xi32> to vector<16xf32>
    %sub3A_1305 = arith.constant 3002 : i32
    %sub3A_1306 = vector.broadcast %sub3A_1305 : i32 to vector<16xi32>
    %sub3A_1307 = arith.subi %get3A_1213, %sub3A_1306 : vector<16xi32>
    %abs3A_1308 = math.absi %sub3A_1307 : vector<16xi32>
    %mul3A_1309 = arith.muli %min3A_1301, %abs3A_1308 : vector<16xi32>
    %min3A_1310 = arith.minsi %mul3A_1309, %broadcast_in_dim3A_5 : vector<16xi32>
    %convert_element_type3A_1311 = arith.sitofp %min3A_1310 : vector<16xi32> to vector<16xf32>
    %mul3A_1312 = arith.mulf %get3A_1219, %convert_element_type3A_1304 : vector<16xf32>
    %add3A_1313 = arith.addf %add3A_1192, %mul3A_1312 : vector<16xf32>
    %mul3A_1314 = arith.mulf %get3A_1216, %convert_element_type3A_1304 : vector<16xf32>
    %add3A_1315 = arith.addf %add3A_1194, %mul3A_1314 : vector<16xf32>
    %add3A_1316 = arith.addf %add3A_1195, %convert_element_type3A_1304 : vector<16xf32>
    %mul3A_1317 = arith.mulf %get3A_1219, %convert_element_type3A_1311 : vector<16xf32>
    %add3A_1318 = arith.addf %add3A_1197, %mul3A_1317 : vector<16xf32>
    %mul3A_1319 = arith.mulf %get3A_1216, %convert_element_type3A_1311 : vector<16xf32>
    %add3A_1320 = arith.addf %add3A_1199, %mul3A_1319 : vector<16xf32>
    %add3A_1321 = arith.addf %add3A_1200, %convert_element_type3A_1311 : vector<16xf32>
    %mul3A_1322 = arith.mulf %get3A_1222, %convert_element_type3A_1304 : vector<16xf32>
    %add3A_1323 = arith.addf %add3A_1202, %mul3A_1322 : vector<16xf32>
    %sub3A_1324 = arith.constant 1.000000e+00 : f32
    %sub3A_1325 = vector.broadcast %sub3A_1324 : f32 to vector<16xf32>
    %sub3A_1326 = arith.subf %sub3A_1325, %get3A_1222 : vector<16xf32>
    %sub3A_1327 = arith.constant 1.000000e+00 : f32
    %sub3A_1328 = vector.broadcast %sub3A_1327 : f32 to vector<16xf32>
    %sub3A_1329 = arith.subf %sub3A_1328, %convert_element_type3A_1304 : vector<16xf32>
    %mul3A_1330 = arith.mulf %sub3A_1326, %sub3A_1329 : vector<16xf32>
    %add3A_1331 = arith.addf %add3A_1210, %mul3A_1330 : vector<16xf32>
    %get3A_1332 = arith.constant 176 : index
    %get3A_1333 = tpu.vector_load %arg7[%get3A_1332] {strides = array<i32>} : memref<256xi32, #tpu.memory_space<vmem>>, vector<16xi32>,
    %get3A_1334 = vector.shape_cast %get3A_1333 : vector<16xi32> to vector<16xi32>
    %get3A_1335 = arith.constant 176 : index
    %get3A_1336 = tpu.vector_load %arg8[%get3A_1335] {strides = array<i32>} : memref<256xf32, #tpu.memory_space<vmem>>, vector<16xf32>,
    %get3A_1337 = vector.shape_cast %get3A_1336 : vector<16xf32> to vector<16xf32>
    %get3A_1338 = arith.constant 176 : index
    %get3A_1339 = tpu.vector_load %arg9[%get3A_1338] {strides = array<i32>} : memref<256xf32, #tpu.memory_space<vmem>>, vector<16xf32>,
    %get3A_1340 = vector.shape_cast %get3A_1339 : vector<16xf32> to vector<16xf32>
    %get3A_1341 = arith.constant 176 : index
    %get3A_1342 = tpu.vector_load %arg10[%get3A_1341] {strides = array<i32>} : memref<256xf32, #tpu.memory_space<vmem>>, vector<16xf32>,
    %get3A_1343 = vector.shape_cast %get3A_1342 : vector<16xf32> to vector<16xf32>
    %sub3A_1344 = arith.constant 5 : i32
    %sub3A_1345 = vector.broadcast %sub3A_1344 : i32 to vector<16xi32>
    %sub3A_1346 = arith.subi %get3A_1334, %sub3A_1345 : vector<16xi32>
    %abs3A_1347 = math.absi %sub3A_1346 : vector<16xi32>
    %sub3A_1348 = arith.constant 12 : i32
    %sub3A_1349 = vector.broadcast %sub3A_1348 : i32 to vector<16xi32>
    %sub3A_1350 = arith.subi %get3A_1334, %sub3A_1349 : vector<16xi32>
    %abs3A_1351 = math.absi %sub3A_1350 : vector<16xi32>
    %min3A_1352 = arith.minsi %abs3A_1347, %abs3A_1351 : vector<16xi32>
    %sub3A_1353 = arith.constant 23 : i32
    %sub3A_1354 = vector.broadcast %sub3A_1353 : i32 to vector<16xi32>
    %sub3A_1355 = arith.subi %get3A_1334, %sub3A_1354 : vector<16xi32>
    %abs3A_1356 = math.absi %sub3A_1355 : vector<16xi32>
    %min3A_1357 = arith.minsi %min3A_1352, %abs3A_1356 : vector<16xi32>
    %sub3A_1358 = arith.constant 37 : i32
    %sub3A_1359 = vector.broadcast %sub3A_1358 : i32 to vector<16xi32>
    %sub3A_1360 = arith.subi %get3A_1334, %sub3A_1359 : vector<16xi32>
    %abs3A_1361 = math.absi %sub3A_1360 : vector<16xi32>
    %min3A_1362 = arith.minsi %min3A_1357, %abs3A_1361 : vector<16xi32>
    %sub3A_1363 = arith.constant 41 : i32
    %sub3A_1364 = vector.broadcast %sub3A_1363 : i32 to vector<16xi32>
    %sub3A_1365 = arith.subi %get3A_1334, %sub3A_1364 : vector<16xi32>
    %abs3A_1366 = math.absi %sub3A_1365 : vector<16xi32>
    %min3A_1367 = arith.minsi %min3A_1362, %abs3A_1366 : vector<16xi32>
    %sub3A_1368 = arith.constant 58 : i32
    %sub3A_1369 = vector.broadcast %sub3A_1368 : i32 to vector<16xi32>
    %sub3A_1370 = arith.subi %get3A_1334, %sub3A_1369 : vector<16xi32>
    %abs3A_1371 = math.absi %sub3A_1370 : vector<16xi32>
    %min3A_1372 = arith.minsi %min3A_1367, %abs3A_1371 : vector<16xi32>
    %sub3A_1373 = arith.constant 66 : i32
    %sub3A_1374 = vector.broadcast %sub3A_1373 : i32 to vector<16xi32>
    %sub3A_1375 = arith.subi %get3A_1334, %sub3A_1374 : vector<16xi32>
    %abs3A_1376 = math.absi %sub3A_1375 : vector<16xi32>
    %min3A_1377 = arith.minsi %min3A_1372, %abs3A_1376 : vector<16xi32>
    %sub3A_1378 = arith.constant 74 : i32
    %sub3A_1379 = vector.broadcast %sub3A_1378 : i32 to vector<16xi32>
    %sub3A_1380 = arith.subi %get3A_1334, %sub3A_1379 : vector<16xi32>
    %abs3A_1381 = math.absi %sub3A_1380 : vector<16xi32>
    %min3A_1382 = arith.minsi %min3A_1377, %abs3A_1381 : vector<16xi32>
    %sub3A_1383 = arith.constant 89 : i32
    %sub3A_1384 = vector.broadcast %sub3A_1383 : i32 to vector<16xi32>
    %sub3A_1385 = arith.subi %get3A_1334, %sub3A_1384 : vector<16xi32>
    %abs3A_1386 = math.absi %sub3A_1385 : vector<16xi32>
    %min3A_1387 = arith.minsi %min3A_1382, %abs3A_1386 : vector<16xi32>
    %sub3A_1388 = arith.constant 97 : i32
    %sub3A_1389 = vector.broadcast %sub3A_1388 : i32 to vector<16xi32>
    %sub3A_1390 = arith.subi %get3A_1334, %sub3A_1389 : vector<16xi32>
    %abs3A_1391 = math.absi %sub3A_1390 : vector<16xi32>
    %min3A_1392 = arith.minsi %min3A_1387, %abs3A_1391 : vector<16xi32>
    %sub3A_1393 = arith.constant 103 : i32
    %sub3A_1394 = vector.broadcast %sub3A_1393 : i32 to vector<16xi32>
    %sub3A_1395 = arith.subi %get3A_1334, %sub3A_1394 : vector<16xi32>
    %abs3A_1396 = math.absi %sub3A_1395 : vector<16xi32>
    %min3A_1397 = arith.minsi %min3A_1392, %abs3A_1396 : vector<16xi32>
    %sub3A_1398 = arith.constant 118 : i32
    %sub3A_1399 = vector.broadcast %sub3A_1398 : i32 to vector<16xi32>
    %sub3A_1400 = arith.subi %get3A_1334, %sub3A_1399 : vector<16xi32>
    %abs3A_1401 = math.absi %sub3A_1400 : vector<16xi32>
    %min3A_1402 = arith.minsi %min3A_1397, %abs3A_1401 : vector<16xi32>
    %sub3A_1403 = arith.constant 127 : i32
    %sub3A_1404 = vector.broadcast %sub3A_1403 : i32 to vector<16xi32>
    %sub3A_1405 = arith.subi %get3A_1334, %sub3A_1404 : vector<16xi32>
    %abs3A_1406 = math.absi %sub3A_1405 : vector<16xi32>
    %min3A_1407 = arith.minsi %min3A_1402, %abs3A_1406 : vector<16xi32>
    %sub3A_1408 = arith.constant 134 : i32
    %sub3A_1409 = vector.broadcast %sub3A_1408 : i32 to vector<16xi32>
    %sub3A_1410 = arith.subi %get3A_1334, %sub3A_1409 : vector<16xi32>
    %abs3A_1411 = math.absi %sub3A_1410 : vector<16xi32>
    %min3A_1412 = arith.minsi %min3A_1407, %abs3A_1411 : vector<16xi32>
    %sub3A_1413 = arith.constant 149 : i32
    %sub3A_1414 = vector.broadcast %sub3A_1413 : i32 to vector<16xi32>
    %sub3A_1415 = arith.subi %get3A_1334, %sub3A_1414 : vector<16xi32>
    %abs3A_1416 = math.absi %sub3A_1415 : vector<16xi32>
    %min3A_1417 = arith.minsi %min3A_1412, %abs3A_1416 : vector<16xi32>
    %sub3A_1418 = arith.constant 155 : i32
    %sub3A_1419 = vector.broadcast %sub3A_1418 : i32 to vector<16xi32>
    %sub3A_1420 = arith.subi %get3A_1334, %sub3A_1419 : vector<16xi32>
    %abs3A_1421 = math.absi %sub3A_1420 : vector<16xi32>
    %min3A_1422 = arith.minsi %min3A_1417, %abs3A_1421 : vector<16xi32>
    %min3A_1423 = arith.minsi %min3A_1422, %broadcast_in_dim3A_5 : vector<16xi32>
    %sub3A_1424 = arith.subi %broadcast_in_dim3A_5, %min3A_1423 : vector<16xi32>
    %convert_element_type3A_1425 = arith.sitofp %sub3A_1424 : vector<16xi32> to vector<16xf32>
    %sub3A_1426 = arith.constant 3002 : i32
    %sub3A_1427 = vector.broadcast %sub3A_1426 : i32 to vector<16xi32>
    %sub3A_1428 = arith.subi %get3A_1334, %sub3A_1427 : vector<16xi32>
    %abs3A_1429 = math.absi %sub3A_1428 : vector<16xi32>
    %mul3A_1430 = arith.muli %min3A_1422, %abs3A_1429 : vector<16xi32>
    %min3A_1431 = arith.minsi %mul3A_1430, %broadcast_in_dim3A_5 : vector<16xi32>
    %convert_element_type3A_1432 = arith.sitofp %min3A_1431 : vector<16xi32> to vector<16xf32>
    %mul3A_1433 = arith.mulf %get3A_1340, %convert_element_type3A_1425 : vector<16xf32>
    %add3A_1434 = arith.addf %add3A_1313, %mul3A_1433 : vector<16xf32>
    %mul3A_1435 = arith.mulf %get3A_1337, %convert_element_type3A_1425 : vector<16xf32>
    %add3A_1436 = arith.addf %add3A_1315, %mul3A_1435 : vector<16xf32>
    %add3A_1437 = arith.addf %add3A_1316, %convert_element_type3A_1425 : vector<16xf32>
    %mul3A_1438 = arith.mulf %get3A_1340, %convert_element_type3A_1432 : vector<16xf32>
    %add3A_1439 = arith.addf %add3A_1318, %mul3A_1438 : vector<16xf32>
    %mul3A_1440 = arith.mulf %get3A_1337, %convert_element_type3A_1432 : vector<16xf32>
    %add3A_1441 = arith.addf %add3A_1320, %mul3A_1440 : vector<16xf32>
    %add3A_1442 = arith.addf %add3A_1321, %convert_element_type3A_1432 : vector<16xf32>
    %mul3A_1443 = arith.mulf %get3A_1343, %convert_element_type3A_1425 : vector<16xf32>
    %add3A_1444 = arith.addf %add3A_1323, %mul3A_1443 : vector<16xf32>
    %sub3A_1445 = arith.constant 1.000000e+00 : f32
    %sub3A_1446 = vector.broadcast %sub3A_1445 : f32 to vector<16xf32>
    %sub3A_1447 = arith.subf %sub3A_1446, %get3A_1343 : vector<16xf32>
    %sub3A_1448 = arith.constant 1.000000e+00 : f32
    %sub3A_1449 = vector.broadcast %sub3A_1448 : f32 to vector<16xf32>
    %sub3A_1450 = arith.subf %sub3A_1449, %convert_element_type3A_1425 : vector<16xf32>
    %mul3A_1451 = arith.mulf %sub3A_1447, %sub3A_1450 : vector<16xf32>
    %add3A_1452 = arith.addf %add3A_1331, %mul3A_1451 : vector<16xf32>
    %get3A_1453 = arith.constant 192 : index
    %get3A_1454 = tpu.vector_load %arg7[%get3A_1453] {strides = array<i32>} : memref<256xi32, #tpu.memory_space<vmem>>, vector<16xi32>,
    %get3A_1455 = vector.shape_cast %get3A_1454 : vector<16xi32> to vector<16xi32>
    %get3A_1456 = arith.constant 192 : index
    %get3A_1457 = tpu.vector_load %arg8[%get3A_1456] {strides = array<i32>} : memref<256xf32, #tpu.memory_space<vmem>>, vector<16xf32>,
    %get3A_1458 = vector.shape_cast %get3A_1457 : vector<16xf32> to vector<16xf32>
    %get3A_1459 = arith.constant 192 : index
    %get3A_1460 = tpu.vector_load %arg9[%get3A_1459] {strides = array<i32>} : memref<256xf32, #tpu.memory_space<vmem>>, vector<16xf32>,
    %get3A_1461 = vector.shape_cast %get3A_1460 : vector<16xf32> to vector<16xf32>
    %get3A_1462 = arith.constant 192 : index
    %get3A_1463 = tpu.vector_load %arg10[%get3A_1462] {strides = array<i32>} : memref<256xf32, #tpu.memory_space<vmem>>, vector<16xf32>,
    %get3A_1464 = vector.shape_cast %get3A_1463 : vector<16xf32> to vector<16xf32>
    %sub3A_1465 = arith.constant 5 : i32
    %sub3A_1466 = vector.broadcast %sub3A_1465 : i32 to vector<16xi32>
    %sub3A_1467 = arith.subi %get3A_1455, %sub3A_1466 : vector<16xi32>
    %abs3A_1468 = math.absi %sub3A_1467 : vector<16xi32>
    %sub3A_1469 = arith.constant 12 : i32
    %sub3A_1470 = vector.broadcast %sub3A_1469 : i32 to vector<16xi32>
    %sub3A_1471 = arith.subi %get3A_1455, %sub3A_1470 : vector<16xi32>
    %abs3A_1472 = math.absi %sub3A_1471 : vector<16xi32>
    %min3A_1473 = arith.minsi %abs3A_1468, %abs3A_1472 : vector<16xi32>
    %sub3A_1474 = arith.constant 23 : i32
    %sub3A_1475 = vector.broadcast %sub3A_1474 : i32 to vector<16xi32>
    %sub3A_1476 = arith.subi %get3A_1455, %sub3A_1475 : vector<16xi32>
    %abs3A_1477 = math.absi %sub3A_1476 : vector<16xi32>
    %min3A_1478 = arith.minsi %min3A_1473, %abs3A_1477 : vector<16xi32>
    %sub3A_1479 = arith.constant 37 : i32
    %sub3A_1480 = vector.broadcast %sub3A_1479 : i32 to vector<16xi32>
    %sub3A_1481 = arith.subi %get3A_1455, %sub3A_1480 : vector<16xi32>
    %abs3A_1482 = math.absi %sub3A_1481 : vector<16xi32>
    %min3A_1483 = arith.minsi %min3A_1478, %abs3A_1482 : vector<16xi32>
    %sub3A_1484 = arith.constant 41 : i32
    %sub3A_1485 = vector.broadcast %sub3A_1484 : i32 to vector<16xi32>
    %sub3A_1486 = arith.subi %get3A_1455, %sub3A_1485 : vector<16xi32>
    %abs3A_1487 = math.absi %sub3A_1486 : vector<16xi32>
    %min3A_1488 = arith.minsi %min3A_1483, %abs3A_1487 : vector<16xi32>
    %sub3A_1489 = arith.constant 58 : i32
    %sub3A_1490 = vector.broadcast %sub3A_1489 : i32 to vector<16xi32>
    %sub3A_1491 = arith.subi %get3A_1455, %sub3A_1490 : vector<16xi32>
    %abs3A_1492 = math.absi %sub3A_1491 : vector<16xi32>
    %min3A_1493 = arith.minsi %min3A_1488, %abs3A_1492 : vector<16xi32>
    %sub3A_1494 = arith.constant 66 : i32
    %sub3A_1495 = vector.broadcast %sub3A_1494 : i32 to vector<16xi32>
    %sub3A_1496 = arith.subi %get3A_1455, %sub3A_1495 : vector<16xi32>
    %abs3A_1497 = math.absi %sub3A_1496 : vector<16xi32>
    %min3A_1498 = arith.minsi %min3A_1493, %abs3A_1497 : vector<16xi32>
    %sub3A_1499 = arith.constant 74 : i32
    %sub3A_1500 = vector.broadcast %sub3A_1499 : i32 to vector<16xi32>
    %sub3A_1501 = arith.subi %get3A_1455, %sub3A_1500 : vector<16xi32>
    %abs3A_1502 = math.absi %sub3A_1501 : vector<16xi32>
    %min3A_1503 = arith.minsi %min3A_1498, %abs3A_1502 : vector<16xi32>
    %sub3A_1504 = arith.constant 89 : i32
    %sub3A_1505 = vector.broadcast %sub3A_1504 : i32 to vector<16xi32>
    %sub3A_1506 = arith.subi %get3A_1455, %sub3A_1505 : vector<16xi32>
    %abs3A_1507 = math.absi %sub3A_1506 : vector<16xi32>
    %min3A_1508 = arith.minsi %min3A_1503, %abs3A_1507 : vector<16xi32>
    %sub3A_1509 = arith.constant 97 : i32
    %sub3A_1510 = vector.broadcast %sub3A_1509 : i32 to vector<16xi32>
    %sub3A_1511 = arith.subi %get3A_1455, %sub3A_1510 : vector<16xi32>
    %abs3A_1512 = math.absi %sub3A_1511 : vector<16xi32>
    %min3A_1513 = arith.minsi %min3A_1508, %abs3A_1512 : vector<16xi32>
    %sub3A_1514 = arith.constant 103 : i32
    %sub3A_1515 = vector.broadcast %sub3A_1514 : i32 to vector<16xi32>
    %sub3A_1516 = arith.subi %get3A_1455, %sub3A_1515 : vector<16xi32>
    %abs3A_1517 = math.absi %sub3A_1516 : vector<16xi32>
    %min3A_1518 = arith.minsi %min3A_1513, %abs3A_1517 : vector<16xi32>
    %sub3A_1519 = arith.constant 118 : i32
    %sub3A_1520 = vector.broadcast %sub3A_1519 : i32 to vector<16xi32>
    %sub3A_1521 = arith.subi %get3A_1455, %sub3A_1520 : vector<16xi32>
    %abs3A_1522 = math.absi %sub3A_1521 : vector<16xi32>
    %min3A_1523 = arith.minsi %min3A_1518, %abs3A_1522 : vector<16xi32>
    %sub3A_1524 = arith.constant 127 : i32
    %sub3A_1525 = vector.broadcast %sub3A_1524 : i32 to vector<16xi32>
    %sub3A_1526 = arith.subi %get3A_1455, %sub3A_1525 : vector<16xi32>
    %abs3A_1527 = math.absi %sub3A_1526 : vector<16xi32>
    %min3A_1528 = arith.minsi %min3A_1523, %abs3A_1527 : vector<16xi32>
    %sub3A_1529 = arith.constant 134 : i32
    %sub3A_1530 = vector.broadcast %sub3A_1529 : i32 to vector<16xi32>
    %sub3A_1531 = arith.subi %get3A_1455, %sub3A_1530 : vector<16xi32>
    %abs3A_1532 = math.absi %sub3A_1531 : vector<16xi32>
    %min3A_1533 = arith.minsi %min3A_1528, %abs3A_1532 : vector<16xi32>
    %sub3A_1534 = arith.constant 149 : i32
    %sub3A_1535 = vector.broadcast %sub3A_1534 : i32 to vector<16xi32>
    %sub3A_1536 = arith.subi %get3A_1455, %sub3A_1535 : vector<16xi32>
    %abs3A_1537 = math.absi %sub3A_1536 : vector<16xi32>
    %min3A_1538 = arith.minsi %min3A_1533, %abs3A_1537 : vector<16xi32>
    %sub3A_1539 = arith.constant 155 : i32
    %sub3A_1540 = vector.broadcast %sub3A_1539 : i32 to vector<16xi32>
    %sub3A_1541 = arith.subi %get3A_1455, %sub3A_1540 : vector<16xi32>
    %abs3A_1542 = math.absi %sub3A_1541 : vector<16xi32>
    %min3A_1543 = arith.minsi %min3A_1538, %abs3A_1542 : vector<16xi32>
    %min3A_1544 = arith.minsi %min3A_1543, %broadcast_in_dim3A_5 : vector<16xi32>
    %sub3A_1545 = arith.subi %broadcast_in_dim3A_5, %min3A_1544 : vector<16xi32>
    %convert_element_type3A_1546 = arith.sitofp %sub3A_1545 : vector<16xi32> to vector<16xf32>
    %sub3A_1547 = arith.constant 3002 : i32
    %sub3A_1548 = vector.broadcast %sub3A_1547 : i32 to vector<16xi32>
    %sub3A_1549 = arith.subi %get3A_1455, %sub3A_1548 : vector<16xi32>
    %abs3A_1550 = math.absi %sub3A_1549 : vector<16xi32>
    %mul3A_1551 = arith.muli %min3A_1543, %abs3A_1550 : vector<16xi32>
    %min3A_1552 = arith.minsi %mul3A_1551, %broadcast_in_dim3A_5 : vector<16xi32>
    %convert_element_type3A_1553 = arith.sitofp %min3A_1552 : vector<16xi32> to vector<16xf32>
    %mul3A_1554 = arith.mulf %get3A_1461, %convert_element_type3A_1546 : vector<16xf32>
    %add3A_1555 = arith.addf %add3A_1434, %mul3A_1554 : vector<16xf32>
    %mul3A_1556 = arith.mulf %get3A_1458, %convert_element_type3A_1546 : vector<16xf32>
    %add3A_1557 = arith.addf %add3A_1436, %mul3A_1556 : vector<16xf32>
    %add3A_1558 = arith.addf %add3A_1437, %convert_element_type3A_1546 : vector<16xf32>
    %mul3A_1559 = arith.mulf %get3A_1461, %convert_element_type3A_1553 : vector<16xf32>
    %add3A_1560 = arith.addf %add3A_1439, %mul3A_1559 : vector<16xf32>
    %mul3A_1561 = arith.mulf %get3A_1458, %convert_element_type3A_1553 : vector<16xf32>
    %add3A_1562 = arith.addf %add3A_1441, %mul3A_1561 : vector<16xf32>
    %add3A_1563 = arith.addf %add3A_1442, %convert_element_type3A_1553 : vector<16xf32>
    %mul3A_1564 = arith.mulf %get3A_1464, %convert_element_type3A_1546 : vector<16xf32>
    %add3A_1565 = arith.addf %add3A_1444, %mul3A_1564 : vector<16xf32>
    %sub3A_1566 = arith.constant 1.000000e+00 : f32
    %sub3A_1567 = vector.broadcast %sub3A_1566 : f32 to vector<16xf32>
    %sub3A_1568 = arith.subf %sub3A_1567, %get3A_1464 : vector<16xf32>
    %sub3A_1569 = arith.constant 1.000000e+00 : f32
    %sub3A_1570 = vector.broadcast %sub3A_1569 : f32 to vector<16xf32>
    %sub3A_1571 = arith.subf %sub3A_1570, %convert_element_type3A_1546 : vector<16xf32>
    %mul3A_1572 = arith.mulf %sub3A_1568, %sub3A_1571 : vector<16xf32>
    %add3A_1573 = arith.addf %add3A_1452, %mul3A_1572 : vector<16xf32>
    %get3A_1574 = arith.constant 208 : index
    %get3A_1575 = tpu.vector_load %arg7[%get3A_1574] {strides = array<i32>} : memref<256xi32, #tpu.memory_space<vmem>>, vector<16xi32>,
    %get3A_1576 = vector.shape_cast %get3A_1575 : vector<16xi32> to vector<16xi32>
    %get3A_1577 = arith.constant 208 : index
    %get3A_1578 = tpu.vector_load %arg8[%get3A_1577] {strides = array<i32>} : memref<256xf32, #tpu.memory_space<vmem>>, vector<16xf32>,
    %get3A_1579 = vector.shape_cast %get3A_1578 : vector<16xf32> to vector<16xf32>
    %get3A_1580 = arith.constant 208 : index
    %get3A_1581 = tpu.vector_load %arg9[%get3A_1580] {strides = array<i32>} : memref<256xf32, #tpu.memory_space<vmem>>, vector<16xf32>,
    %get3A_1582 = vector.shape_cast %get3A_1581 : vector<16xf32> to vector<16xf32>
    %get3A_1583 = arith.constant 208 : index
    %get3A_1584 = tpu.vector_load %arg10[%get3A_1583] {strides = array<i32>} : memref<256xf32, #tpu.memory_space<vmem>>, vector<16xf32>,
    %get3A_1585 = vector.shape_cast %get3A_1584 : vector<16xf32> to vector<16xf32>
    %sub3A_1586 = arith.constant 5 : i32
    %sub3A_1587 = vector.broadcast %sub3A_1586 : i32 to vector<16xi32>
    %sub3A_1588 = arith.subi %get3A_1576, %sub3A_1587 : vector<16xi32>
    %abs3A_1589 = math.absi %sub3A_1588 : vector<16xi32>
    %sub3A_1590 = arith.constant 12 : i32
    %sub3A_1591 = vector.broadcast %sub3A_1590 : i32 to vector<16xi32>
    %sub3A_1592 = arith.subi %get3A_1576, %sub3A_1591 : vector<16xi32>
    %abs3A_1593 = math.absi %sub3A_1592 : vector<16xi32>
    %min3A_1594 = arith.minsi %abs3A_1589, %abs3A_1593 : vector<16xi32>
    %sub3A_1595 = arith.constant 23 : i32
    %sub3A_1596 = vector.broadcast %sub3A_1595 : i32 to vector<16xi32>
    %sub3A_1597 = arith.subi %get3A_1576, %sub3A_1596 : vector<16xi32>
    %abs3A_1598 = math.absi %sub3A_1597 : vector<16xi32>
    %min3A_1599 = arith.minsi %min3A_1594, %abs3A_1598 : vector<16xi32>
    %sub3A_1600 = arith.constant 37 : i32
    %sub3A_1601 = vector.broadcast %sub3A_1600 : i32 to vector<16xi32>
    %sub3A_1602 = arith.subi %get3A_1576, %sub3A_1601 : vector<16xi32>
    %abs3A_1603 = math.absi %sub3A_1602 : vector<16xi32>
    %min3A_1604 = arith.minsi %min3A_1599, %abs3A_1603 : vector<16xi32>
    %sub3A_1605 = arith.constant 41 : i32
    %sub3A_1606 = vector.broadcast %sub3A_1605 : i32 to vector<16xi32>
    %sub3A_1607 = arith.subi %get3A_1576, %sub3A_1606 : vector<16xi32>
    %abs3A_1608 = math.absi %sub3A_1607 : vector<16xi32>
    %min3A_1609 = arith.minsi %min3A_1604, %abs3A_1608 : vector<16xi32>
    %sub3A_1610 = arith.constant 58 : i32
    %sub3A_1611 = vector.broadcast %sub3A_1610 : i32 to vector<16xi32>
    %sub3A_1612 = arith.subi %get3A_1576, %sub3A_1611 : vector<16xi32>
    %abs3A_1613 = math.absi %sub3A_1612 : vector<16xi32>
    %min3A_1614 = arith.minsi %min3A_1609, %abs3A_1613 : vector<16xi32>
    %sub3A_1615 = arith.constant 66 : i32
    %sub3A_1616 = vector.broadcast %sub3A_1615 : i32 to vector<16xi32>
    %sub3A_1617 = arith.subi %get3A_1576, %sub3A_1616 : vector<16xi32>
    %abs3A_1618 = math.absi %sub3A_1617 : vector<16xi32>
    %min3A_1619 = arith.minsi %min3A_1614, %abs3A_1618 : vector<16xi32>
    %sub3A_1620 = arith.constant 74 : i32
    %sub3A_1621 = vector.broadcast %sub3A_1620 : i32 to vector<16xi32>
    %sub3A_1622 = arith.subi %get3A_1576, %sub3A_1621 : vector<16xi32>
    %abs3A_1623 = math.absi %sub3A_1622 : vector<16xi32>
    %min3A_1624 = arith.minsi %min3A_1619, %abs3A_1623 : vector<16xi32>
    %sub3A_1625 = arith.constant 89 : i32
    %sub3A_1626 = vector.broadcast %sub3A_1625 : i32 to vector<16xi32>
    %sub3A_1627 = arith.subi %get3A_1576, %sub3A_1626 : vector<16xi32>
    %abs3A_1628 = math.absi %sub3A_1627 : vector<16xi32>
    %min3A_1629 = arith.minsi %min3A_1624, %abs3A_1628 : vector<16xi32>
    %sub3A_1630 = arith.constant 97 : i32
    %sub3A_1631 = vector.broadcast %sub3A_1630 : i32 to vector<16xi32>
    %sub3A_1632 = arith.subi %get3A_1576, %sub3A_1631 : vector<16xi32>
    %abs3A_1633 = math.absi %sub3A_1632 : vector<16xi32>
    %min3A_1634 = arith.minsi %min3A_1629, %abs3A_1633 : vector<16xi32>
    %sub3A_1635 = arith.constant 103 : i32
    %sub3A_1636 = vector.broadcast %sub3A_1635 : i32 to vector<16xi32>
    %sub3A_1637 = arith.subi %get3A_1576, %sub3A_1636 : vector<16xi32>
    %abs3A_1638 = math.absi %sub3A_1637 : vector<16xi32>
    %min3A_1639 = arith.minsi %min3A_1634, %abs3A_1638 : vector<16xi32>
    %sub3A_1640 = arith.constant 118 : i32
    %sub3A_1641 = vector.broadcast %sub3A_1640 : i32 to vector<16xi32>
    %sub3A_1642 = arith.subi %get3A_1576, %sub3A_1641 : vector<16xi32>
    %abs3A_1643 = math.absi %sub3A_1642 : vector<16xi32>
    %min3A_1644 = arith.minsi %min3A_1639, %abs3A_1643 : vector<16xi32>
    %sub3A_1645 = arith.constant 127 : i32
    %sub3A_1646 = vector.broadcast %sub3A_1645 : i32 to vector<16xi32>
    %sub3A_1647 = arith.subi %get3A_1576, %sub3A_1646 : vector<16xi32>
    %abs3A_1648 = math.absi %sub3A_1647 : vector<16xi32>
    %min3A_1649 = arith.minsi %min3A_1644, %abs3A_1648 : vector<16xi32>
    %sub3A_1650 = arith.constant 134 : i32
    %sub3A_1651 = vector.broadcast %sub3A_1650 : i32 to vector<16xi32>
    %sub3A_1652 = arith.subi %get3A_1576, %sub3A_1651 : vector<16xi32>
    %abs3A_1653 = math.absi %sub3A_1652 : vector<16xi32>
    %min3A_1654 = arith.minsi %min3A_1649, %abs3A_1653 : vector<16xi32>
    %sub3A_1655 = arith.constant 149 : i32
    %sub3A_1656 = vector.broadcast %sub3A_1655 : i32 to vector<16xi32>
    %sub3A_1657 = arith.subi %get3A_1576, %sub3A_1656 : vector<16xi32>
    %abs3A_1658 = math.absi %sub3A_1657 : vector<16xi32>
    %min3A_1659 = arith.minsi %min3A_1654, %abs3A_1658 : vector<16xi32>
    %sub3A_1660 = arith.constant 155 : i32
    %sub3A_1661 = vector.broadcast %sub3A_1660 : i32 to vector<16xi32>
    %sub3A_1662 = arith.subi %get3A_1576, %sub3A_1661 : vector<16xi32>
    %abs3A_1663 = math.absi %sub3A_1662 : vector<16xi32>
    %min3A_1664 = arith.minsi %min3A_1659, %abs3A_1663 : vector<16xi32>
    %min3A_1665 = arith.minsi %min3A_1664, %broadcast_in_dim3A_5 : vector<16xi32>
    %sub3A_1666 = arith.subi %broadcast_in_dim3A_5, %min3A_1665 : vector<16xi32>
    %convert_element_type3A_1667 = arith.sitofp %sub3A_1666 : vector<16xi32> to vector<16xf32>
    %sub3A_1668 = arith.constant 3002 : i32
    %sub3A_1669 = vector.broadcast %sub3A_1668 : i32 to vector<16xi32>
    %sub3A_1670 = arith.subi %get3A_1576, %sub3A_1669 : vector<16xi32>
    %abs3A_1671 = math.absi %sub3A_1670 : vector<16xi32>
    %mul3A_1672 = arith.muli %min3A_1664, %abs3A_1671 : vector<16xi32>
    %min3A_1673 = arith.minsi %mul3A_1672, %broadcast_in_dim3A_5 : vector<16xi32>
    %convert_element_type3A_1674 = arith.sitofp %min3A_1673 : vector<16xi32> to vector<16xf32>
    %mul3A_1675 = arith.mulf %get3A_1582, %convert_element_type3A_1667 : vector<16xf32>
    %add3A_1676 = arith.addf %add3A_1555, %mul3A_1675 : vector<16xf32>
    %mul3A_1677 = arith.mulf %get3A_1579, %convert_element_type3A_1667 : vector<16xf32>
    %add3A_1678 = arith.addf %add3A_1557, %mul3A_1677 : vector<16xf32>
    %add3A_1679 = arith.addf %add3A_1558, %convert_element_type3A_1667 : vector<16xf32>
    %mul3A_1680 = arith.mulf %get3A_1582, %convert_element_type3A_1674 : vector<16xf32>
    %add3A_1681 = arith.addf %add3A_1560, %mul3A_1680 : vector<16xf32>
    %mul3A_1682 = arith.mulf %get3A_1579, %convert_element_type3A_1674 : vector<16xf32>
    %add3A_1683 = arith.addf %add3A_1562, %mul3A_1682 : vector<16xf32>
    %add3A_1684 = arith.addf %add3A_1563, %convert_element_type3A_1674 : vector<16xf32>
    %mul3A_1685 = arith.mulf %get3A_1585, %convert_element_type3A_1667 : vector<16xf32>
    %add3A_1686 = arith.addf %add3A_1565, %mul3A_1685 : vector<16xf32>
    %sub3A_1687 = arith.constant 1.000000e+00 : f32
    %sub3A_1688 = vector.broadcast %sub3A_1687 : f32 to vector<16xf32>
    %sub3A_1689 = arith.subf %sub3A_1688, %get3A_1585 : vector<16xf32>
    %sub3A_1690 = arith.constant 1.000000e+00 : f32
    %sub3A_1691 = vector.broadcast %sub3A_1690 : f32 to vector<16xf32>
    %sub3A_1692 = arith.subf %sub3A_1691, %convert_element_type3A_1667 : vector<16xf32>
    %mul3A_1693 = arith.mulf %sub3A_1689, %sub3A_1692 : vector<16xf32>
    %add3A_1694 = arith.addf %add3A_1573, %mul3A_1693 : vector<16xf32>
    %get3A_1695 = arith.constant 224 : index
    %get3A_1696 = tpu.vector_load %arg7[%get3A_1695] {strides = array<i32>} : memref<256xi32, #tpu.memory_space<vmem>>, vector<16xi32>,
    %get3A_1697 = vector.shape_cast %get3A_1696 : vector<16xi32> to vector<16xi32>
    %get3A_1698 = arith.constant 224 : index
    %get3A_1699 = tpu.vector_load %arg8[%get3A_1698] {strides = array<i32>} : memref<256xf32, #tpu.memory_space<vmem>>, vector<16xf32>,
    %get3A_1700 = vector.shape_cast %get3A_1699 : vector<16xf32> to vector<16xf32>
    %get3A_1701 = arith.constant 224 : index
    %get3A_1702 = tpu.vector_load %arg9[%get3A_1701] {strides = array<i32>} : memref<256xf32, #tpu.memory_space<vmem>>, vector<16xf32>,
    %get3A_1703 = vector.shape_cast %get3A_1702 : vector<16xf32> to vector<16xf32>
    %get3A_1704 = arith.constant 224 : index
    %get3A_1705 = tpu.vector_load %arg10[%get3A_1704] {strides = array<i32>} : memref<256xf32, #tpu.memory_space<vmem>>, vector<16xf32>,
    %get3A_1706 = vector.shape_cast %get3A_1705 : vector<16xf32> to vector<16xf32>
    %sub3A_1707 = arith.constant 5 : i32
    %sub3A_1708 = vector.broadcast %sub3A_1707 : i32 to vector<16xi32>
    %sub3A_1709 = arith.subi %get3A_1697, %sub3A_1708 : vector<16xi32>
    %abs3A_1710 = math.absi %sub3A_1709 : vector<16xi32>
    %sub3A_1711 = arith.constant 12 : i32
    %sub3A_1712 = vector.broadcast %sub3A_1711 : i32 to vector<16xi32>
    %sub3A_1713 = arith.subi %get3A_1697, %sub3A_1712 : vector<16xi32>
    %abs3A_1714 = math.absi %sub3A_1713 : vector<16xi32>
    %min3A_1715 = arith.minsi %abs3A_1710, %abs3A_1714 : vector<16xi32>
    %sub3A_1716 = arith.constant 23 : i32
    %sub3A_1717 = vector.broadcast %sub3A_1716 : i32 to vector<16xi32>
    %sub3A_1718 = arith.subi %get3A_1697, %sub3A_1717 : vector<16xi32>
    %abs3A_1719 = math.absi %sub3A_1718 : vector<16xi32>
    %min3A_1720 = arith.minsi %min3A_1715, %abs3A_1719 : vector<16xi32>
    %sub3A_1721 = arith.constant 37 : i32
    %sub3A_1722 = vector.broadcast %sub3A_1721 : i32 to vector<16xi32>
    %sub3A_1723 = arith.subi %get3A_1697, %sub3A_1722 : vector<16xi32>
    %abs3A_1724 = math.absi %sub3A_1723 : vector<16xi32>
    %min3A_1725 = arith.minsi %min3A_1720, %abs3A_1724 : vector<16xi32>
    %sub3A_1726 = arith.constant 41 : i32
    %sub3A_1727 = vector.broadcast %sub3A_1726 : i32 to vector<16xi32>
    %sub3A_1728 = arith.subi %get3A_1697, %sub3A_1727 : vector<16xi32>
    %abs3A_1729 = math.absi %sub3A_1728 : vector<16xi32>
    %min3A_1730 = arith.minsi %min3A_1725, %abs3A_1729 : vector<16xi32>
    %sub3A_1731 = arith.constant 58 : i32
    %sub3A_1732 = vector.broadcast %sub3A_1731 : i32 to vector<16xi32>
    %sub3A_1733 = arith.subi %get3A_1697, %sub3A_1732 : vector<16xi32>
    %abs3A_1734 = math.absi %sub3A_1733 : vector<16xi32>
    %min3A_1735 = arith.minsi %min3A_1730, %abs3A_1734 : vector<16xi32>
    %sub3A_1736 = arith.constant 66 : i32
    %sub3A_1737 = vector.broadcast %sub3A_1736 : i32 to vector<16xi32>
    %sub3A_1738 = arith.subi %get3A_1697, %sub3A_1737 : vector<16xi32>
    %abs3A_1739 = math.absi %sub3A_1738 : vector<16xi32>
    %min3A_1740 = arith.minsi %min3A_1735, %abs3A_1739 : vector<16xi32>
    %sub3A_1741 = arith.constant 74 : i32
    %sub3A_1742 = vector.broadcast %sub3A_1741 : i32 to vector<16xi32>
    %sub3A_1743 = arith.subi %get3A_1697, %sub3A_1742 : vector<16xi32>
    %abs3A_1744 = math.absi %sub3A_1743 : vector<16xi32>
    %min3A_1745 = arith.minsi %min3A_1740, %abs3A_1744 : vector<16xi32>
    %sub3A_1746 = arith.constant 89 : i32
    %sub3A_1747 = vector.broadcast %sub3A_1746 : i32 to vector<16xi32>
    %sub3A_1748 = arith.subi %get3A_1697, %sub3A_1747 : vector<16xi32>
    %abs3A_1749 = math.absi %sub3A_1748 : vector<16xi32>
    %min3A_1750 = arith.minsi %min3A_1745, %abs3A_1749 : vector<16xi32>
    %sub3A_1751 = arith.constant 97 : i32
    %sub3A_1752 = vector.broadcast %sub3A_1751 : i32 to vector<16xi32>
    %sub3A_1753 = arith.subi %get3A_1697, %sub3A_1752 : vector<16xi32>
    %abs3A_1754 = math.absi %sub3A_1753 : vector<16xi32>
    %min3A_1755 = arith.minsi %min3A_1750, %abs3A_1754 : vector<16xi32>
    %sub3A_1756 = arith.constant 103 : i32
    %sub3A_1757 = vector.broadcast %sub3A_1756 : i32 to vector<16xi32>
    %sub3A_1758 = arith.subi %get3A_1697, %sub3A_1757 : vector<16xi32>
    %abs3A_1759 = math.absi %sub3A_1758 : vector<16xi32>
    %min3A_1760 = arith.minsi %min3A_1755, %abs3A_1759 : vector<16xi32>
    %sub3A_1761 = arith.constant 118 : i32
    %sub3A_1762 = vector.broadcast %sub3A_1761 : i32 to vector<16xi32>
    %sub3A_1763 = arith.subi %get3A_1697, %sub3A_1762 : vector<16xi32>
    %abs3A_1764 = math.absi %sub3A_1763 : vector<16xi32>
    %min3A_1765 = arith.minsi %min3A_1760, %abs3A_1764 : vector<16xi32>
    %sub3A_1766 = arith.constant 127 : i32
    %sub3A_1767 = vector.broadcast %sub3A_1766 : i32 to vector<16xi32>
    %sub3A_1768 = arith.subi %get3A_1697, %sub3A_1767 : vector<16xi32>
    %abs3A_1769 = math.absi %sub3A_1768 : vector<16xi32>
    %min3A_1770 = arith.minsi %min3A_1765, %abs3A_1769 : vector<16xi32>
    %sub3A_1771 = arith.constant 134 : i32
    %sub3A_1772 = vector.broadcast %sub3A_1771 : i32 to vector<16xi32>
    %sub3A_1773 = arith.subi %get3A_1697, %sub3A_1772 : vector<16xi32>
    %abs3A_1774 = math.absi %sub3A_1773 : vector<16xi32>
    %min3A_1775 = arith.minsi %min3A_1770, %abs3A_1774 : vector<16xi32>
    %sub3A_1776 = arith.constant 149 : i32
    %sub3A_1777 = vector.broadcast %sub3A_1776 : i32 to vector<16xi32>
    %sub3A_1778 = arith.subi %get3A_1697, %sub3A_1777 : vector<16xi32>
    %abs3A_1779 = math.absi %sub3A_1778 : vector<16xi32>
    %min3A_1780 = arith.minsi %min3A_1775, %abs3A_1779 : vector<16xi32>
    %sub3A_1781 = arith.constant 155 : i32
    %sub3A_1782 = vector.broadcast %sub3A_1781 : i32 to vector<16xi32>
    %sub3A_1783 = arith.subi %get3A_1697, %sub3A_1782 : vector<16xi32>
    %abs3A_1784 = math.absi %sub3A_1783 : vector<16xi32>
    %min3A_1785 = arith.minsi %min3A_1780, %abs3A_1784 : vector<16xi32>
    %min3A_1786 = arith.minsi %min3A_1785, %broadcast_in_dim3A_5 : vector<16xi32>
    %sub3A_1787 = arith.subi %broadcast_in_dim3A_5, %min3A_1786 : vector<16xi32>
    %convert_element_type3A_1788 = arith.sitofp %sub3A_1787 : vector<16xi32> to vector<16xf32>
    %sub3A_1789 = arith.constant 3002 : i32
    %sub3A_1790 = vector.broadcast %sub3A_1789 : i32 to vector<16xi32>
    %sub3A_1791 = arith.subi %get3A_1697, %sub3A_1790 : vector<16xi32>
    %abs3A_1792 = math.absi %sub3A_1791 : vector<16xi32>
    %mul3A_1793 = arith.muli %min3A_1785, %abs3A_1792 : vector<16xi32>
    %min3A_1794 = arith.minsi %mul3A_1793, %broadcast_in_dim3A_5 : vector<16xi32>
    %convert_element_type3A_1795 = arith.sitofp %min3A_1794 : vector<16xi32> to vector<16xf32>
    %mul3A_1796 = arith.mulf %get3A_1703, %convert_element_type3A_1788 : vector<16xf32>
    %add3A_1797 = arith.addf %add3A_1676, %mul3A_1796 : vector<16xf32>
    %mul3A_1798 = arith.mulf %get3A_1700, %convert_element_type3A_1788 : vector<16xf32>
    %add3A_1799 = arith.addf %add3A_1678, %mul3A_1798 : vector<16xf32>
    %add3A_1800 = arith.addf %add3A_1679, %convert_element_type3A_1788 : vector<16xf32>
    %mul3A_1801 = arith.mulf %get3A_1703, %convert_element_type3A_1795 : vector<16xf32>
    %add3A_1802 = arith.addf %add3A_1681, %mul3A_1801 : vector<16xf32>
    %mul3A_1803 = arith.mulf %get3A_1700, %convert_element_type3A_1795 : vector<16xf32>
    %add3A_1804 = arith.addf %add3A_1683, %mul3A_1803 : vector<16xf32>
    %add3A_1805 = arith.addf %add3A_1684, %convert_element_type3A_1795 : vector<16xf32>
    %mul3A_1806 = arith.mulf %get3A_1706, %convert_element_type3A_1788 : vector<16xf32>
    %add3A_1807 = arith.addf %add3A_1686, %mul3A_1806 : vector<16xf32>
    %sub3A_1808 = arith.constant 1.000000e+00 : f32
    %sub3A_1809 = vector.broadcast %sub3A_1808 : f32 to vector<16xf32>
    %sub3A_1810 = arith.subf %sub3A_1809, %get3A_1706 : vector<16xf32>
    %sub3A_1811 = arith.constant 1.000000e+00 : f32
    %sub3A_1812 = vector.broadcast %sub3A_1811 : f32 to vector<16xf32>
    %sub3A_1813 = arith.subf %sub3A_1812, %convert_element_type3A_1788 : vector<16xf32>
    %mul3A_1814 = arith.mulf %sub3A_1810, %sub3A_1813 : vector<16xf32>
    %add3A_1815 = arith.addf %add3A_1694, %mul3A_1814 : vector<16xf32>
    %get3A_1816 = arith.constant 240 : index
    %get3A_1817 = tpu.vector_load %arg7[%get3A_1816] {strides = array<i32>} : memref<256xi32, #tpu.memory_space<vmem>>, vector<16xi32>,
    %get3A_1818 = vector.shape_cast %get3A_1817 : vector<16xi32> to vector<16xi32>
    %get3A_1819 = arith.constant 240 : index
    %get3A_1820 = tpu.vector_load %arg8[%get3A_1819] {strides = array<i32>} : memref<256xf32, #tpu.memory_space<vmem>>, vector<16xf32>,
    %get3A_1821 = vector.shape_cast %get3A_1820 : vector<16xf32> to vector<16xf32>
    %get3A_1822 = arith.constant 240 : index
    %get3A_1823 = tpu.vector_load %arg9[%get3A_1822] {strides = array<i32>} : memref<256xf32, #tpu.memory_space<vmem>>, vector<16xf32>,
    %get3A_1824 = vector.shape_cast %get3A_1823 : vector<16xf32> to vector<16xf32>
    %get3A_1825 = arith.constant 240 : index
    %get3A_1826 = tpu.vector_load %arg10[%get3A_1825] {strides = array<i32>} : memref<256xf32, #tpu.memory_space<vmem>>, vector<16xf32>,
    %get3A_1827 = vector.shape_cast %get3A_1826 : vector<16xf32> to vector<16xf32>
    %sub3A_1828 = arith.constant 5 : i32
    %sub3A_1829 = vector.broadcast %sub3A_1828 : i32 to vector<16xi32>
    %sub3A_1830 = arith.subi %get3A_1818, %sub3A_1829 : vector<16xi32>
    %abs3A_1831 = math.absi %sub3A_1830 : vector<16xi32>
    %sub3A_1832 = arith.constant 12 : i32
    %sub3A_1833 = vector.broadcast %sub3A_1832 : i32 to vector<16xi32>
    %sub3A_1834 = arith.subi %get3A_1818, %sub3A_1833 : vector<16xi32>
    %abs3A_1835 = math.absi %sub3A_1834 : vector<16xi32>
    %min3A_1836 = arith.minsi %abs3A_1831, %abs3A_1835 : vector<16xi32>
    %sub3A_1837 = arith.constant 23 : i32
    %sub3A_1838 = vector.broadcast %sub3A_1837 : i32 to vector<16xi32>
    %sub3A_1839 = arith.subi %get3A_1818, %sub3A_1838 : vector<16xi32>
    %abs3A_1840 = math.absi %sub3A_1839 : vector<16xi32>
    %min3A_1841 = arith.minsi %min3A_1836, %abs3A_1840 : vector<16xi32>
    %sub3A_1842 = arith.constant 37 : i32
    %sub3A_1843 = vector.broadcast %sub3A_1842 : i32 to vector<16xi32>
    %sub3A_1844 = arith.subi %get3A_1818, %sub3A_1843 : vector<16xi32>
    %abs3A_1845 = math.absi %sub3A_1844 : vector<16xi32>
    %min3A_1846 = arith.minsi %min3A_1841, %abs3A_1845 : vector<16xi32>
    %sub3A_1847 = arith.constant 41 : i32
    %sub3A_1848 = vector.broadcast %sub3A_1847 : i32 to vector<16xi32>
    %sub3A_1849 = arith.subi %get3A_1818, %sub3A_1848 : vector<16xi32>
    %abs3A_1850 = math.absi %sub3A_1849 : vector<16xi32>
    %min3A_1851 = arith.minsi %min3A_1846, %abs3A_1850 : vector<16xi32>
    %sub3A_1852 = arith.constant 58 : i32
    %sub3A_1853 = vector.broadcast %sub3A_1852 : i32 to vector<16xi32>
    %sub3A_1854 = arith.subi %get3A_1818, %sub3A_1853 : vector<16xi32>
    %abs3A_1855 = math.absi %sub3A_1854 : vector<16xi32>
    %min3A_1856 = arith.minsi %min3A_1851, %abs3A_1855 : vector<16xi32>
    %sub3A_1857 = arith.constant 66 : i32
    %sub3A_1858 = vector.broadcast %sub3A_1857 : i32 to vector<16xi32>
    %sub3A_1859 = arith.subi %get3A_1818, %sub3A_1858 : vector<16xi32>
    %abs3A_1860 = math.absi %sub3A_1859 : vector<16xi32>
    %min3A_1861 = arith.minsi %min3A_1856, %abs3A_1860 : vector<16xi32>
    %sub3A_1862 = arith.constant 74 : i32
    %sub3A_1863 = vector.broadcast %sub3A_1862 : i32 to vector<16xi32>
    %sub3A_1864 = arith.subi %get3A_1818, %sub3A_1863 : vector<16xi32>
    %abs3A_1865 = math.absi %sub3A_1864 : vector<16xi32>
    %min3A_1866 = arith.minsi %min3A_1861, %abs3A_1865 : vector<16xi32>
    %sub3A_1867 = arith.constant 89 : i32
    %sub3A_1868 = vector.broadcast %sub3A_1867 : i32 to vector<16xi32>
    %sub3A_1869 = arith.subi %get3A_1818, %sub3A_1868 : vector<16xi32>
    %abs3A_1870 = math.absi %sub3A_1869 : vector<16xi32>
    %min3A_1871 = arith.minsi %min3A_1866, %abs3A_1870 : vector<16xi32>
    %sub3A_1872 = arith.constant 97 : i32
    %sub3A_1873 = vector.broadcast %sub3A_1872 : i32 to vector<16xi32>
    %sub3A_1874 = arith.subi %get3A_1818, %sub3A_1873 : vector<16xi32>
    %abs3A_1875 = math.absi %sub3A_1874 : vector<16xi32>
    %min3A_1876 = arith.minsi %min3A_1871, %abs3A_1875 : vector<16xi32>
    %sub3A_1877 = arith.constant 103 : i32
    %sub3A_1878 = vector.broadcast %sub3A_1877 : i32 to vector<16xi32>
    %sub3A_1879 = arith.subi %get3A_1818, %sub3A_1878 : vector<16xi32>
    %abs3A_1880 = math.absi %sub3A_1879 : vector<16xi32>
    %min3A_1881 = arith.minsi %min3A_1876, %abs3A_1880 : vector<16xi32>
    %sub3A_1882 = arith.constant 118 : i32
    %sub3A_1883 = vector.broadcast %sub3A_1882 : i32 to vector<16xi32>
    %sub3A_1884 = arith.subi %get3A_1818, %sub3A_1883 : vector<16xi32>
    %abs3A_1885 = math.absi %sub3A_1884 : vector<16xi32>
    %min3A_1886 = arith.minsi %min3A_1881, %abs3A_1885 : vector<16xi32>
    %sub3A_1887 = arith.constant 127 : i32
    %sub3A_1888 = vector.broadcast %sub3A_1887 : i32 to vector<16xi32>
    %sub3A_1889 = arith.subi %get3A_1818, %sub3A_1888 : vector<16xi32>
    %abs3A_1890 = math.absi %sub3A_1889 : vector<16xi32>
    %min3A_1891 = arith.minsi %min3A_1886, %abs3A_1890 : vector<16xi32>
    %sub3A_1892 = arith.constant 134 : i32
    %sub3A_1893 = vector.broadcast %sub3A_1892 : i32 to vector<16xi32>
    %sub3A_1894 = arith.subi %get3A_1818, %sub3A_1893 : vector<16xi32>
    %abs3A_1895 = math.absi %sub3A_1894 : vector<16xi32>
    %min3A_1896 = arith.minsi %min3A_1891, %abs3A_1895 : vector<16xi32>
    %sub3A_1897 = arith.constant 149 : i32
    %sub3A_1898 = vector.broadcast %sub3A_1897 : i32 to vector<16xi32>
    %sub3A_1899 = arith.subi %get3A_1818, %sub3A_1898 : vector<16xi32>
    %abs3A_1900 = math.absi %sub3A_1899 : vector<16xi32>
    %min3A_1901 = arith.minsi %min3A_1896, %abs3A_1900 : vector<16xi32>
    %sub3A_1902 = arith.constant 155 : i32
    %sub3A_1903 = vector.broadcast %sub3A_1902 : i32 to vector<16xi32>
    %sub3A_1904 = arith.subi %get3A_1818, %sub3A_1903 : vector<16xi32>
    %abs3A_1905 = math.absi %sub3A_1904 : vector<16xi32>
    %min3A_1906 = arith.minsi %min3A_1901, %abs3A_1905 : vector<16xi32>
    %min3A_1907 = arith.minsi %min3A_1906, %broadcast_in_dim3A_5 : vector<16xi32>
    %sub3A_1908 = arith.subi %broadcast_in_dim3A_5, %min3A_1907 : vector<16xi32>
    %convert_element_type3A_1909 = arith.sitofp %sub3A_1908 : vector<16xi32> to vector<16xf32>
    %sub3A_1910 = arith.constant 3002 : i32
    %sub3A_1911 = vector.broadcast %sub3A_1910 : i32 to vector<16xi32>
    %sub3A_1912 = arith.subi %get3A_1818, %sub3A_1911 : vector<16xi32>
    %abs3A_1913 = math.absi %sub3A_1912 : vector<16xi32>
    %mul3A_1914 = arith.muli %min3A_1906, %abs3A_1913 : vector<16xi32>
    %min3A_1915 = arith.minsi %mul3A_1914, %broadcast_in_dim3A_5 : vector<16xi32>
    %convert_element_type3A_1916 = arith.sitofp %min3A_1915 : vector<16xi32> to vector<16xf32>
    %mul3A_1917 = arith.mulf %get3A_1824, %convert_element_type3A_1909 : vector<16xf32>
    %add3A_1918 = arith.addf %add3A_1797, %mul3A_1917 : vector<16xf32>
    %mul3A_1919 = arith.mulf %get3A_1821, %convert_element_type3A_1909 : vector<16xf32>
    %add3A_1920 = arith.addf %add3A_1799, %mul3A_1919 : vector<16xf32>
    %add3A_1921 = arith.addf %add3A_1800, %convert_element_type3A_1909 : vector<16xf32>
    %mul3A_1922 = arith.mulf %get3A_1824, %convert_element_type3A_1916 : vector<16xf32>
    %add3A_1923 = arith.addf %add3A_1802, %mul3A_1922 : vector<16xf32>
    %mul3A_1924 = arith.mulf %get3A_1821, %convert_element_type3A_1916 : vector<16xf32>
    %add3A_1925 = arith.addf %add3A_1804, %mul3A_1924 : vector<16xf32>
    %add3A_1926 = arith.addf %add3A_1805, %convert_element_type3A_1916 : vector<16xf32>
    %mul3A_1927 = arith.mulf %get3A_1827, %convert_element_type3A_1909 : vector<16xf32>
    %add3A_1928 = arith.addf %add3A_1807, %mul3A_1927 : vector<16xf32>
    %sub3A_1929 = arith.constant 1.000000e+00 : f32
    %sub3A_1930 = vector.broadcast %sub3A_1929 : f32 to vector<16xf32>
    %sub3A_1931 = arith.subf %sub3A_1930, %get3A_1827 : vector<16xf32>
    %sub3A_1932 = arith.constant 1.000000e+00 : f32
    %sub3A_1933 = vector.broadcast %sub3A_1932 : f32 to vector<16xf32>
    %sub3A_1934 = arith.subf %sub3A_1933, %convert_element_type3A_1909 : vector<16xf32>
    %mul3A_1935 = arith.mulf %sub3A_1931, %sub3A_1934 : vector<16xf32>
    %add3A_1936 = arith.addf %add3A_1815, %mul3A_1935 : vector<16xf32>
    %swap3A = arith.constant 0 : i32
    %swap3A_1937 = arith.index_cast %swap3A : i32 to index
    %swap3A_1938 = arith.constant 0 : index
    %swap3A_1939 = tpu.vector_load %arg11[%swap3A_1937, %swap3A_1938] {strides = array<i32>} : memref<8x16xf32, #tpu.memory_space<vmem>>, vector<1x16xf32>,
    %swap3A_1940 = vector.shape_cast %swap3A_1939 : vector<1x16xf32> to vector<16xf32>
    %swap3A_1941 = vector.shape_cast %add3A_1918 : vector<16xf32> to vector<1x16xf32>
    tpu.vector_store %arg11[%swap3A_1937, %swap3A_1938], %swap3A_1941 {strides = array<i32>} : memref<8x16xf32, #tpu.memory_space<vmem>>, vector<1x16xf32>,
    %swap3A_1942 = arith.constant 1 : i32
    %swap3A_1943 = arith.index_cast %swap3A_1942 : i32 to index
    %swap3A_1944 = arith.constant 0 : index
    %swap3A_1945 = tpu.vector_load %arg11[%swap3A_1943, %swap3A_1944] {strides = array<i32>} : memref<8x16xf32, #tpu.memory_space<vmem>>, vector<1x16xf32>,
    %swap3A_1946 = vector.shape_cast %swap3A_1945 : vector<1x16xf32> to vector<16xf32>
    %swap3A_1947 = vector.shape_cast %add3A_1920 : vector<16xf32> to vector<1x16xf32>
    tpu.vector_store %arg11[%swap3A_1943, %swap3A_1944], %swap3A_1947 {strides = array<i32>} : memref<8x16xf32, #tpu.memory_space<vmem>>, vector<1x16xf32>,
    %swap3A_1948 = arith.constant 2 : i32
    %swap3A_1949 = arith.index_cast %swap3A_1948 : i32 to index
    %swap3A_1950 = arith.constant 0 : index
    %swap3A_1951 = tpu.vector_load %arg11[%swap3A_1949, %swap3A_1950] {strides = array<i32>} : memref<8x16xf32, #tpu.memory_space<vmem>>, vector<1x16xf32>,
    %swap3A_1952 = vector.shape_cast %swap3A_1951 : vector<1x16xf32> to vector<16xf32>
    %swap3A_1953 = vector.shape_cast %add3A_1921 : vector<16xf32> to vector<1x16xf32>
    tpu.vector_store %arg11[%swap3A_1949, %swap3A_1950], %swap3A_1953 {strides = array<i32>} : memref<8x16xf32, #tpu.memory_space<vmem>>, vector<1x16xf32>,
    %swap3A_1954 = arith.constant 3 : i32
    %swap3A_1955 = arith.index_cast %swap3A_1954 : i32 to index
    %swap3A_1956 = arith.constant 0 : index
    %swap3A_1957 = tpu.vector_load %arg11[%swap3A_1955, %swap3A_1956] {strides = array<i32>} : memref<8x16xf32, #tpu.memory_space<vmem>>, vector<1x16xf32>,
    %swap3A_1958 = vector.shape_cast %swap3A_1957 : vector<1x16xf32> to vector<16xf32>
    %swap3A_1959 = vector.shape_cast %add3A_1923 : vector<16xf32> to vector<1x16xf32>
    tpu.vector_store %arg11[%swap3A_1955, %swap3A_1956], %swap3A_1959 {strides = array<i32>} : memref<8x16xf32, #tpu.memory_space<vmem>>, vector<1x16xf32>,
    %swap3A_1960 = arith.constant 4 : i32
    %swap3A_1961 = arith.index_cast %swap3A_1960 : i32 to index
    %swap3A_1962 = arith.constant 0 : index
    %swap3A_1963 = tpu.vector_load %arg11[%swap3A_1961, %swap3A_1962] {strides = array<i32>} : memref<8x16xf32, #tpu.memory_space<vmem>>, vector<1x16xf32>,
    %swap3A_1964 = vector.shape_cast %swap3A_1963 : vector<1x16xf32> to vector<16xf32>
    %swap3A_1965 = vector.shape_cast %add3A_1925 : vector<16xf32> to vector<1x16xf32>
    tpu.vector_store %arg11[%swap3A_1961, %swap3A_1962], %swap3A_1965 {strides = array<i32>} : memref<8x16xf32, #tpu.memory_space<vmem>>, vector<1x16xf32>,
    %swap3A_1966 = arith.constant 5 : i32
    %swap3A_1967 = arith.index_cast %swap3A_1966 : i32 to index
    %swap3A_1968 = arith.constant 0 : index
    %swap3A_1969 = tpu.vector_load %arg11[%swap3A_1967, %swap3A_1968] {strides = array<i32>} : memref<8x16xf32, #tpu.memory_space<vmem>>, vector<1x16xf32>,
    %swap3A_1970 = vector.shape_cast %swap3A_1969 : vector<1x16xf32> to vector<16xf32>
    %swap3A_1971 = vector.shape_cast %add3A_1926 : vector<16xf32> to vector<1x16xf32>
    tpu.vector_store %arg11[%swap3A_1967, %swap3A_1968], %swap3A_1971 {strides = array<i32>} : memref<8x16xf32, #tpu.memory_space<vmem>>, vector<1x16xf32>,
    %swap3A_1972 = arith.constant 6 : i32
    %swap3A_1973 = arith.index_cast %swap3A_1972 : i32 to index
    %swap3A_1974 = arith.constant 0 : index
    %swap3A_1975 = tpu.vector_load %arg11[%swap3A_1973, %swap3A_1974] {strides = array<i32>} : memref<8x16xf32, #tpu.memory_space<vmem>>, vector<1x16xf32>,
    %swap3A_1976 = vector.shape_cast %swap3A_1975 : vector<1x16xf32> to vector<16xf32>
    %swap3A_1977 = vector.shape_cast %add3A_1928 : vector<16xf32> to vector<1x16xf32>
    tpu.vector_store %arg11[%swap3A_1973, %swap3A_1974], %swap3A_1977 {strides = array<i32>} : memref<8x16xf32, #tpu.memory_space<vmem>>, vector<1x16xf32>,
    %swap3A_1978 = arith.constant 7 : i32
    %swap3A_1979 = arith.index_cast %swap3A_1978 : i32 to index
    %swap3A_1980 = arith.constant 0 : index
    %swap3A_1981 = tpu.vector_load %arg11[%swap3A_1979, %swap3A_1980] {strides = array<i32>} : memref<8x16xf32, #tpu.memory_space<vmem>>, vector<1x16xf32>,
    %swap3A_1982 = vector.shape_cast %swap3A_1981 : vector<1x16xf32> to vector<16xf32>
    %swap3A_1983 = vector.shape_cast %add3A_1936 : vector<16xf32> to vector<1x16xf32>
    tpu.vector_store %arg11[%swap3A_1979, %swap3A_1980], %swap3A_1983 {strides = array<i32>} : memref<8x16xf32, #tpu.memory_space<vmem>>, vector<1x16xf32>,
    "tpu.region"() ({
      %run_scoped3A = tpu.sem_alloc : memref<!tpu.dma_semaphore, #tpu.memory_space<semaphore_mem>>
      %dma_start3A = arith.constant 0 : i32
      %dma_start3A_1984 = arith.constant 0 : i32
      %dma_start3A_1985 = tpu.memref_slice %arg6[%add3A, %dma_start3A, %dma_start3A_1984] : memref<32x8x16xf32, #tpu.memory_space<hbm>> -> memref<1x8x16xf32, #tpu.memory_space<hbm>>
      %dma_start3A_1986 = tpu.memref_squeeze %dma_start3A_1985 : memref<1x8x16xf32, #tpu.memory_space<hbm>> -> memref<8x16xf32, #tpu.memory_space<hbm>>
      %dma_start3A_1987 = arith.constant 0 : i32
      %dma_start3A_1988 = arith.constant 0 : i32
      %dma_start3A_1989 = tpu.memref_slice %arg6[%add3A, %dma_start3A_1987, %dma_start3A_1988] : memref<32x8x16xf32, #tpu.memory_space<hbm>> -> memref<1x8x16xf32, #tpu.memory_space<hbm>>
      %dma_start3A_1990 = tpu.memref_squeeze %dma_start3A_1989 : memref<1x8x16xf32, #tpu.memory_space<hbm>> -> memref<8x16xf32, #tpu.memory_space<hbm>>
      tpu.enqueue_dma source(%arg11 : memref<8x16xf32, #tpu.memory_space<vmem>>) target(%dma_start3A_1990 : memref<8x16xf32, #tpu.memory_space<hbm>>) target_semaphore(%run_scoped3A : memref<!tpu.dma_semaphore, #tpu.memory_space<semaphore_mem>>)
      %dma_wait3A = arith.constant 0 : i32
      %dma_wait3A_1991 = arith.constant 0 : i32
      %dma_wait3A_1992 = tpu.memref_slice %arg6[%add3A, %dma_wait3A, %dma_wait3A_1991] : memref<32x8x16xf32, #tpu.memory_space<hbm>> -> memref<1x8x16xf32, #tpu.memory_space<hbm>>
      %dma_wait3A_1993 = tpu.memref_squeeze %dma_wait3A_1992 : memref<1x8x16xf32, #tpu.memory_space<hbm>> -> memref<8x16xf32, #tpu.memory_space<hbm>>
      %dma_wait3A_1994 = arith.constant 0 : i32
      %dma_wait3A_1995 = arith.constant 0 : i32
      %dma_wait3A_1996 = tpu.memref_slice %arg6[%add3A, %dma_wait3A_1994, %dma_wait3A_1995] : memref<32x8x16xf32, #tpu.memory_space<hbm>> -> memref<1x8x16xf32, #tpu.memory_space<hbm>>
      %dma_wait3A_1997 = tpu.memref_squeeze %dma_wait3A_1996 : memref<1x8x16xf32, #tpu.memory_space<hbm>> -> memref<8x16xf32, #tpu.memory_space<hbm>>
      tpu.wait_dma2 semaphore(%run_scoped3A : memref<!tpu.dma_semaphore, #tpu.memory_space<semaphore_mem>>) src(%arg11 : memref<8x16xf32, #tpu.memory_space<vmem>>) dst(%dma_wait3A_1997 : memref<8x16xf32, #tpu.memory_space<hbm>>)
      tpu.yield
    }) : () -> ()
    return
  }
}

module attributes {stable_mosaic.version = 14 : i64} {
  func.func @_dense_body(%arg0: memref<1x16x512xi32, #tpu.memory_space<vmem>>, %arg1: memref<3003x16x512xf32, #tpu.memory_space<any>>, %arg2: memref<16x512xf32, #tpu.memory_space<vmem>>, %arg3: memref<16x512xf32, #tpu.memory_space<vmem>>, %arg4: memref<16x512xf32, #tpu.memory_space<vmem>>, %arg5: memref<1x1xf32, #tpu.memory_space<vmem>>, %arg6: memref<16x39x16x512xf32, #tpu.memory_space<vmem>>, %arg7: memref<16x512xf32, #tpu.memory_space<vmem>>, %arg8: memref<16x512xf32, #tpu.memory_space<vmem>>, %arg9: memref<16x512xf32, #tpu.memory_space<vmem>>, %arg10: memref<16x512xf32, #tpu.memory_space<vmem>>, %arg11: memref<16x!tpu.dma_semaphore, #tpu.memory_space<semaphore_mem>>) attributes {dimension_semantics = [], scalar_prefetch = 0 : i64, scratch_operands = 6 : i64, tpu.core_type = #tpu.core_type<tc>} {
    %broadcast_in_dim3A = arith.constant 0xFF800000 : f32
    %broadcast_in_dim3A_0 = vector.broadcast %broadcast_in_dim3A : f32 to vector<16x512xf32>
    %swap3A = arith.constant 0 : index
    %swap3A_1 = arith.constant 0 : index
    %swap3A_2 = vector.load %arg7[%swap3A, %swap3A_1] : memref<16x512xf32, #tpu.memory_space<vmem>>, vector<16x512xf32>
    tpu.vector_store %arg7[%swap3A, %swap3A_1], %broadcast_in_dim3A_0 {strides = array<i32>} : memref<16x512xf32, #tpu.memory_space<vmem>>, vector<16x512xf32>,
    %broadcast_in_dim3A_3 = arith.constant 0.000000e+00 : f32
    %broadcast_in_dim3A_4 = vector.broadcast %broadcast_in_dim3A_3 : f32 to vector<16x512xf32>
    %swap3A_5 = arith.constant 0 : index
    %swap3A_6 = arith.constant 0 : index
    %swap3A_7 = vector.load %arg8[%swap3A_5, %swap3A_6] : memref<16x512xf32, #tpu.memory_space<vmem>>, vector<16x512xf32>
    tpu.vector_store %arg8[%swap3A_5, %swap3A_6], %broadcast_in_dim3A_4 {strides = array<i32>} : memref<16x512xf32, #tpu.memory_space<vmem>>, vector<16x512xf32>,
    %broadcast_in_dim3A_8 = arith.constant 0.000000e+00 : f32
    %broadcast_in_dim3A_9 = vector.broadcast %broadcast_in_dim3A_8 : f32 to vector<16x512xf32>
    %swap3A_10 = arith.constant 0 : index
    %swap3A_11 = arith.constant 0 : index
    %swap3A_12 = vector.load %arg9[%swap3A_10, %swap3A_11] : memref<16x512xf32, #tpu.memory_space<vmem>>, vector<16x512xf32>
    tpu.vector_store %arg9[%swap3A_10, %swap3A_11], %broadcast_in_dim3A_9 {strides = array<i32>} : memref<16x512xf32, #tpu.memory_space<vmem>>, vector<16x512xf32>,
    %broadcast_in_dim3A_13 = arith.constant 0.000000e+00 : f32
    %broadcast_in_dim3A_14 = vector.broadcast %broadcast_in_dim3A_13 : f32 to vector<16x512xf32>
    %swap3A_15 = arith.constant 0 : index
    %swap3A_16 = arith.constant 0 : index
    %swap3A_17 = vector.load %arg10[%swap3A_15, %swap3A_16] : memref<16x512xf32, #tpu.memory_space<vmem>>, vector<16x512xf32>
    tpu.vector_store %arg10[%swap3A_15, %swap3A_16], %broadcast_in_dim3A_14 {strides = array<i32>} : memref<16x512xf32, #tpu.memory_space<vmem>>, vector<16x512xf32>,
    %dma_start3A = arith.constant 0 : i32
    %dma_start3A_18 = arith.constant 0 : i32
    %dma_start3A_19 = tpu.memref_slice %arg11[%dma_start3A_18] : memref<16x!tpu.dma_semaphore, #tpu.memory_space<semaphore_mem>> -> memref<1x!tpu.dma_semaphore, #tpu.memory_space<semaphore_mem>>
    %dma_start3A_20 = tpu.memref_squeeze %dma_start3A_19 : memref<1x!tpu.dma_semaphore, #tpu.memory_space<semaphore_mem>> -> memref<!tpu.dma_semaphore, #tpu.memory_space<semaphore_mem>>
    %dma_start3A_21 = arith.constant 0 : i32
    %dma_start3A_22 = arith.constant 0 : i32
    %dma_start3A_23 = arith.constant 0 : i32
    %dma_start3A_24 = tpu.memref_slice %arg6[%dma_start3A, %dma_start3A_21, %dma_start3A_22, %dma_start3A_23] : memref<16x39x16x512xf32, #tpu.memory_space<vmem>> -> memref<1x39x16x512xf32, #tpu.memory_space<vmem>>
    %dma_start3A_25 = tpu.memref_squeeze %dma_start3A_24 : memref<1x39x16x512xf32, #tpu.memory_space<vmem>> -> memref<39x16x512xf32, #tpu.memory_space<vmem>>
    %dma_start3A_26 = arith.constant 0 : i32
    %dma_start3A_27 = arith.constant 0 : i32
    %dma_start3A_28 = arith.constant 0 : i32
    %dma_start3A_29 = tpu.memref_slice %arg1[%dma_start3A_26, %dma_start3A_27, %dma_start3A_28] : memref<3003x16x512xf32, #tpu.memory_space<any>> -> memref<39x16x512xf32, #tpu.memory_space<any>>
    tpu.enqueue_dma source(%dma_start3A_29 : memref<39x16x512xf32, #tpu.memory_space<any>>) target(%dma_start3A_25 : memref<39x16x512xf32, #tpu.memory_space<vmem>>) target_semaphore(%dma_start3A_20 : memref<!tpu.dma_semaphore, #tpu.memory_space<semaphore_mem>>)
    %dma_start3A_30 = arith.constant 1 : i32
    %dma_start3A_31 = arith.constant 1 : i32
    %dma_start3A_32 = tpu.memref_slice %arg11[%dma_start3A_31] : memref<16x!tpu.dma_semaphore, #tpu.memory_space<semaphore_mem>> -> memref<1x!tpu.dma_semaphore, #tpu.memory_space<semaphore_mem>>
    %dma_start3A_33 = tpu.memref_squeeze %dma_start3A_32 : memref<1x!tpu.dma_semaphore, #tpu.memory_space<semaphore_mem>> -> memref<!tpu.dma_semaphore, #tpu.memory_space<semaphore_mem>>
    %dma_start3A_34 = arith.constant 0 : i32
    %dma_start3A_35 = arith.constant 0 : i32
    %dma_start3A_36 = arith.constant 0 : i32
    %dma_start3A_37 = tpu.memref_slice %arg6[%dma_start3A_30, %dma_start3A_34, %dma_start3A_35, %dma_start3A_36] : memref<16x39x16x512xf32, #tpu.memory_space<vmem>> -> memref<1x39x16x512xf32, #tpu.memory_space<vmem>>
    %dma_start3A_38 = tpu.memref_squeeze %dma_start3A_37 : memref<1x39x16x512xf32, #tpu.memory_space<vmem>> -> memref<39x16x512xf32, #tpu.memory_space<vmem>>
    %dma_start3A_39 = arith.constant 39 : i32
    %dma_start3A_40 = arith.constant 0 : i32
    %dma_start3A_41 = arith.constant 0 : i32
    %dma_start3A_42 = tpu.memref_slice %arg1[%dma_start3A_39, %dma_start3A_40, %dma_start3A_41] : memref<3003x16x512xf32, #tpu.memory_space<any>> -> memref<39x16x512xf32, #tpu.memory_space<any>>
    tpu.enqueue_dma source(%dma_start3A_42 : memref<39x16x512xf32, #tpu.memory_space<any>>) target(%dma_start3A_38 : memref<39x16x512xf32, #tpu.memory_space<vmem>>) target_semaphore(%dma_start3A_33 : memref<!tpu.dma_semaphore, #tpu.memory_space<semaphore_mem>>)
    %dma_start3A_43 = arith.constant 2 : i32
    %dma_start3A_44 = arith.constant 2 : i32
    %dma_start3A_45 = tpu.memref_slice %arg11[%dma_start3A_44] : memref<16x!tpu.dma_semaphore, #tpu.memory_space<semaphore_mem>> -> memref<1x!tpu.dma_semaphore, #tpu.memory_space<semaphore_mem>>
    %dma_start3A_46 = tpu.memref_squeeze %dma_start3A_45 : memref<1x!tpu.dma_semaphore, #tpu.memory_space<semaphore_mem>> -> memref<!tpu.dma_semaphore, #tpu.memory_space<semaphore_mem>>
    %dma_start3A_47 = arith.constant 0 : i32
    %dma_start3A_48 = arith.constant 0 : i32
    %dma_start3A_49 = arith.constant 0 : i32
    %dma_start3A_50 = tpu.memref_slice %arg6[%dma_start3A_43, %dma_start3A_47, %dma_start3A_48, %dma_start3A_49] : memref<16x39x16x512xf32, #tpu.memory_space<vmem>> -> memref<1x39x16x512xf32, #tpu.memory_space<vmem>>
    %dma_start3A_51 = tpu.memref_squeeze %dma_start3A_50 : memref<1x39x16x512xf32, #tpu.memory_space<vmem>> -> memref<39x16x512xf32, #tpu.memory_space<vmem>>
    %dma_start3A_52 = arith.constant 78 : i32
    %dma_start3A_53 = arith.constant 0 : i32
    %dma_start3A_54 = arith.constant 0 : i32
    %dma_start3A_55 = tpu.memref_slice %arg1[%dma_start3A_52, %dma_start3A_53, %dma_start3A_54] : memref<3003x16x512xf32, #tpu.memory_space<any>> -> memref<39x16x512xf32, #tpu.memory_space<any>>
    tpu.enqueue_dma source(%dma_start3A_55 : memref<39x16x512xf32, #tpu.memory_space<any>>) target(%dma_start3A_51 : memref<39x16x512xf32, #tpu.memory_space<vmem>>) target_semaphore(%dma_start3A_46 : memref<!tpu.dma_semaphore, #tpu.memory_space<semaphore_mem>>)
    %dma_start3A_56 = arith.constant 3 : i32
    %dma_start3A_57 = arith.constant 3 : i32
    %dma_start3A_58 = tpu.memref_slice %arg11[%dma_start3A_57] : memref<16x!tpu.dma_semaphore, #tpu.memory_space<semaphore_mem>> -> memref<1x!tpu.dma_semaphore, #tpu.memory_space<semaphore_mem>>
    %dma_start3A_59 = tpu.memref_squeeze %dma_start3A_58 : memref<1x!tpu.dma_semaphore, #tpu.memory_space<semaphore_mem>> -> memref<!tpu.dma_semaphore, #tpu.memory_space<semaphore_mem>>
    %dma_start3A_60 = arith.constant 0 : i32
    %dma_start3A_61 = arith.constant 0 : i32
    %dma_start3A_62 = arith.constant 0 : i32
    %dma_start3A_63 = tpu.memref_slice %arg6[%dma_start3A_56, %dma_start3A_60, %dma_start3A_61, %dma_start3A_62] : memref<16x39x16x512xf32, #tpu.memory_space<vmem>> -> memref<1x39x16x512xf32, #tpu.memory_space<vmem>>
    %dma_start3A_64 = tpu.memref_squeeze %dma_start3A_63 : memref<1x39x16x512xf32, #tpu.memory_space<vmem>> -> memref<39x16x512xf32, #tpu.memory_space<vmem>>
    %dma_start3A_65 = arith.constant 117 : i32
    %dma_start3A_66 = arith.constant 0 : i32
    %dma_start3A_67 = arith.constant 0 : i32
    %dma_start3A_68 = tpu.memref_slice %arg1[%dma_start3A_65, %dma_start3A_66, %dma_start3A_67] : memref<3003x16x512xf32, #tpu.memory_space<any>> -> memref<39x16x512xf32, #tpu.memory_space<any>>
    tpu.enqueue_dma source(%dma_start3A_68 : memref<39x16x512xf32, #tpu.memory_space<any>>) target(%dma_start3A_64 : memref<39x16x512xf32, #tpu.memory_space<vmem>>) target_semaphore(%dma_start3A_59 : memref<!tpu.dma_semaphore, #tpu.memory_space<semaphore_mem>>)
    %dma_start3A_69 = arith.constant 4 : i32
    %dma_start3A_70 = arith.constant 4 : i32
    %dma_start3A_71 = tpu.memref_slice %arg11[%dma_start3A_70] : memref<16x!tpu.dma_semaphore, #tpu.memory_space<semaphore_mem>> -> memref<1x!tpu.dma_semaphore, #tpu.memory_space<semaphore_mem>>
    %dma_start3A_72 = tpu.memref_squeeze %dma_start3A_71 : memref<1x!tpu.dma_semaphore, #tpu.memory_space<semaphore_mem>> -> memref<!tpu.dma_semaphore, #tpu.memory_space<semaphore_mem>>
    %dma_start3A_73 = arith.constant 0 : i32
    %dma_start3A_74 = arith.constant 0 : i32
    %dma_start3A_75 = arith.constant 0 : i32
    %dma_start3A_76 = tpu.memref_slice %arg6[%dma_start3A_69, %dma_start3A_73, %dma_start3A_74, %dma_start3A_75] : memref<16x39x16x512xf32, #tpu.memory_space<vmem>> -> memref<1x39x16x512xf32, #tpu.memory_space<vmem>>
    %dma_start3A_77 = tpu.memref_squeeze %dma_start3A_76 : memref<1x39x16x512xf32, #tpu.memory_space<vmem>> -> memref<39x16x512xf32, #tpu.memory_space<vmem>>
    %dma_start3A_78 = arith.constant 156 : i32
    %dma_start3A_79 = arith.constant 0 : i32
    %dma_start3A_80 = arith.constant 0 : i32
    %dma_start3A_81 = tpu.memref_slice %arg1[%dma_start3A_78, %dma_start3A_79, %dma_start3A_80] : memref<3003x16x512xf32, #tpu.memory_space<any>> -> memref<39x16x512xf32, #tpu.memory_space<any>>
    tpu.enqueue_dma source(%dma_start3A_81 : memref<39x16x512xf32, #tpu.memory_space<any>>) target(%dma_start3A_77 : memref<39x16x512xf32, #tpu.memory_space<vmem>>) target_semaphore(%dma_start3A_72 : memref<!tpu.dma_semaphore, #tpu.memory_space<semaphore_mem>>)
    %dma_start3A_82 = arith.constant 5 : i32
    %dma_start3A_83 = arith.constant 5 : i32
    %dma_start3A_84 = tpu.memref_slice %arg11[%dma_start3A_83] : memref<16x!tpu.dma_semaphore, #tpu.memory_space<semaphore_mem>> -> memref<1x!tpu.dma_semaphore, #tpu.memory_space<semaphore_mem>>
    %dma_start3A_85 = tpu.memref_squeeze %dma_start3A_84 : memref<1x!tpu.dma_semaphore, #tpu.memory_space<semaphore_mem>> -> memref<!tpu.dma_semaphore, #tpu.memory_space<semaphore_mem>>
    %dma_start3A_86 = arith.constant 0 : i32
    %dma_start3A_87 = arith.constant 0 : i32
    %dma_start3A_88 = arith.constant 0 : i32
    %dma_start3A_89 = tpu.memref_slice %arg6[%dma_start3A_82, %dma_start3A_86, %dma_start3A_87, %dma_start3A_88] : memref<16x39x16x512xf32, #tpu.memory_space<vmem>> -> memref<1x39x16x512xf32, #tpu.memory_space<vmem>>
    %dma_start3A_90 = tpu.memref_squeeze %dma_start3A_89 : memref<1x39x16x512xf32, #tpu.memory_space<vmem>> -> memref<39x16x512xf32, #tpu.memory_space<vmem>>
    %dma_start3A_91 = arith.constant 195 : i32
    %dma_start3A_92 = arith.constant 0 : i32
    %dma_start3A_93 = arith.constant 0 : i32
    %dma_start3A_94 = tpu.memref_slice %arg1[%dma_start3A_91, %dma_start3A_92, %dma_start3A_93] : memref<3003x16x512xf32, #tpu.memory_space<any>> -> memref<39x16x512xf32, #tpu.memory_space<any>>
    tpu.enqueue_dma source(%dma_start3A_94 : memref<39x16x512xf32, #tpu.memory_space<any>>) target(%dma_start3A_90 : memref<39x16x512xf32, #tpu.memory_space<vmem>>) target_semaphore(%dma_start3A_85 : memref<!tpu.dma_semaphore, #tpu.memory_space<semaphore_mem>>)
    %dma_start3A_95 = arith.constant 6 : i32
    %dma_start3A_96 = arith.constant 6 : i32
    %dma_start3A_97 = tpu.memref_slice %arg11[%dma_start3A_96] : memref<16x!tpu.dma_semaphore, #tpu.memory_space<semaphore_mem>> -> memref<1x!tpu.dma_semaphore, #tpu.memory_space<semaphore_mem>>
    %dma_start3A_98 = tpu.memref_squeeze %dma_start3A_97 : memref<1x!tpu.dma_semaphore, #tpu.memory_space<semaphore_mem>> -> memref<!tpu.dma_semaphore, #tpu.memory_space<semaphore_mem>>
    %dma_start3A_99 = arith.constant 0 : i32
    %dma_start3A_100 = arith.constant 0 : i32
    %dma_start3A_101 = arith.constant 0 : i32
    %dma_start3A_102 = tpu.memref_slice %arg6[%dma_start3A_95, %dma_start3A_99, %dma_start3A_100, %dma_start3A_101] : memref<16x39x16x512xf32, #tpu.memory_space<vmem>> -> memref<1x39x16x512xf32, #tpu.memory_space<vmem>>
    %dma_start3A_103 = tpu.memref_squeeze %dma_start3A_102 : memref<1x39x16x512xf32, #tpu.memory_space<vmem>> -> memref<39x16x512xf32, #tpu.memory_space<vmem>>
    %dma_start3A_104 = arith.constant 234 : i32
    %dma_start3A_105 = arith.constant 0 : i32
    %dma_start3A_106 = arith.constant 0 : i32
    %dma_start3A_107 = tpu.memref_slice %arg1[%dma_start3A_104, %dma_start3A_105, %dma_start3A_106] : memref<3003x16x512xf32, #tpu.memory_space<any>> -> memref<39x16x512xf32, #tpu.memory_space<any>>
    tpu.enqueue_dma source(%dma_start3A_107 : memref<39x16x512xf32, #tpu.memory_space<any>>) target(%dma_start3A_103 : memref<39x16x512xf32, #tpu.memory_space<vmem>>) target_semaphore(%dma_start3A_98 : memref<!tpu.dma_semaphore, #tpu.memory_space<semaphore_mem>>)
    %dma_start3A_108 = arith.constant 7 : i32
    %dma_start3A_109 = arith.constant 7 : i32
    %dma_start3A_110 = tpu.memref_slice %arg11[%dma_start3A_109] : memref<16x!tpu.dma_semaphore, #tpu.memory_space<semaphore_mem>> -> memref<1x!tpu.dma_semaphore, #tpu.memory_space<semaphore_mem>>
    %dma_start3A_111 = tpu.memref_squeeze %dma_start3A_110 : memref<1x!tpu.dma_semaphore, #tpu.memory_space<semaphore_mem>> -> memref<!tpu.dma_semaphore, #tpu.memory_space<semaphore_mem>>
    %dma_start3A_112 = arith.constant 0 : i32
    %dma_start3A_113 = arith.constant 0 : i32
    %dma_start3A_114 = arith.constant 0 : i32
    %dma_start3A_115 = tpu.memref_slice %arg6[%dma_start3A_108, %dma_start3A_112, %dma_start3A_113, %dma_start3A_114] : memref<16x39x16x512xf32, #tpu.memory_space<vmem>> -> memref<1x39x16x512xf32, #tpu.memory_space<vmem>>
    %dma_start3A_116 = tpu.memref_squeeze %dma_start3A_115 : memref<1x39x16x512xf32, #tpu.memory_space<vmem>> -> memref<39x16x512xf32, #tpu.memory_space<vmem>>
    %dma_start3A_117 = arith.constant 273 : i32
    %dma_start3A_118 = arith.constant 0 : i32
    %dma_start3A_119 = arith.constant 0 : i32
    %dma_start3A_120 = tpu.memref_slice %arg1[%dma_start3A_117, %dma_start3A_118, %dma_start3A_119] : memref<3003x16x512xf32, #tpu.memory_space<any>> -> memref<39x16x512xf32, #tpu.memory_space<any>>
    tpu.enqueue_dma source(%dma_start3A_120 : memref<39x16x512xf32, #tpu.memory_space<any>>) target(%dma_start3A_116 : memref<39x16x512xf32, #tpu.memory_space<vmem>>) target_semaphore(%dma_start3A_111 : memref<!tpu.dma_semaphore, #tpu.memory_space<semaphore_mem>>)
    %dma_start3A_121 = arith.constant 8 : i32
    %dma_start3A_122 = arith.constant 8 : i32
    %dma_start3A_123 = tpu.memref_slice %arg11[%dma_start3A_122] : memref<16x!tpu.dma_semaphore, #tpu.memory_space<semaphore_mem>> -> memref<1x!tpu.dma_semaphore, #tpu.memory_space<semaphore_mem>>
    %dma_start3A_124 = tpu.memref_squeeze %dma_start3A_123 : memref<1x!tpu.dma_semaphore, #tpu.memory_space<semaphore_mem>> -> memref<!tpu.dma_semaphore, #tpu.memory_space<semaphore_mem>>
    %dma_start3A_125 = arith.constant 0 : i32
    %dma_start3A_126 = arith.constant 0 : i32
    %dma_start3A_127 = arith.constant 0 : i32
    %dma_start3A_128 = tpu.memref_slice %arg6[%dma_start3A_121, %dma_start3A_125, %dma_start3A_126, %dma_start3A_127] : memref<16x39x16x512xf32, #tpu.memory_space<vmem>> -> memref<1x39x16x512xf32, #tpu.memory_space<vmem>>
    %dma_start3A_129 = tpu.memref_squeeze %dma_start3A_128 : memref<1x39x16x512xf32, #tpu.memory_space<vmem>> -> memref<39x16x512xf32, #tpu.memory_space<vmem>>
    %dma_start3A_130 = arith.constant 312 : i32
    %dma_start3A_131 = arith.constant 0 : i32
    %dma_start3A_132 = arith.constant 0 : i32
    %dma_start3A_133 = tpu.memref_slice %arg1[%dma_start3A_130, %dma_start3A_131, %dma_start3A_132] : memref<3003x16x512xf32, #tpu.memory_space<any>> -> memref<39x16x512xf32, #tpu.memory_space<any>>
    tpu.enqueue_dma source(%dma_start3A_133 : memref<39x16x512xf32, #tpu.memory_space<any>>) target(%dma_start3A_129 : memref<39x16x512xf32, #tpu.memory_space<vmem>>) target_semaphore(%dma_start3A_124 : memref<!tpu.dma_semaphore, #tpu.memory_space<semaphore_mem>>)
    %dma_start3A_134 = arith.constant 9 : i32
    %dma_start3A_135 = arith.constant 9 : i32
    %dma_start3A_136 = tpu.memref_slice %arg11[%dma_start3A_135] : memref<16x!tpu.dma_semaphore, #tpu.memory_space<semaphore_mem>> -> memref<1x!tpu.dma_semaphore, #tpu.memory_space<semaphore_mem>>
    %dma_start3A_137 = tpu.memref_squeeze %dma_start3A_136 : memref<1x!tpu.dma_semaphore, #tpu.memory_space<semaphore_mem>> -> memref<!tpu.dma_semaphore, #tpu.memory_space<semaphore_mem>>
    %dma_start3A_138 = arith.constant 0 : i32
    %dma_start3A_139 = arith.constant 0 : i32
    %dma_start3A_140 = arith.constant 0 : i32
    %dma_start3A_141 = tpu.memref_slice %arg6[%dma_start3A_134, %dma_start3A_138, %dma_start3A_139, %dma_start3A_140] : memref<16x39x16x512xf32, #tpu.memory_space<vmem>> -> memref<1x39x16x512xf32, #tpu.memory_space<vmem>>
    %dma_start3A_142 = tpu.memref_squeeze %dma_start3A_141 : memref<1x39x16x512xf32, #tpu.memory_space<vmem>> -> memref<39x16x512xf32, #tpu.memory_space<vmem>>
    %dma_start3A_143 = arith.constant 351 : i32
    %dma_start3A_144 = arith.constant 0 : i32
    %dma_start3A_145 = arith.constant 0 : i32
    %dma_start3A_146 = tpu.memref_slice %arg1[%dma_start3A_143, %dma_start3A_144, %dma_start3A_145] : memref<3003x16x512xf32, #tpu.memory_space<any>> -> memref<39x16x512xf32, #tpu.memory_space<any>>
    tpu.enqueue_dma source(%dma_start3A_146 : memref<39x16x512xf32, #tpu.memory_space<any>>) target(%dma_start3A_142 : memref<39x16x512xf32, #tpu.memory_space<vmem>>) target_semaphore(%dma_start3A_137 : memref<!tpu.dma_semaphore, #tpu.memory_space<semaphore_mem>>)
    %dma_start3A_147 = arith.constant 10 : i32
    %dma_start3A_148 = arith.constant 10 : i32
    %dma_start3A_149 = tpu.memref_slice %arg11[%dma_start3A_148] : memref<16x!tpu.dma_semaphore, #tpu.memory_space<semaphore_mem>> -> memref<1x!tpu.dma_semaphore, #tpu.memory_space<semaphore_mem>>
    %dma_start3A_150 = tpu.memref_squeeze %dma_start3A_149 : memref<1x!tpu.dma_semaphore, #tpu.memory_space<semaphore_mem>> -> memref<!tpu.dma_semaphore, #tpu.memory_space<semaphore_mem>>
    %dma_start3A_151 = arith.constant 0 : i32
    %dma_start3A_152 = arith.constant 0 : i32
    %dma_start3A_153 = arith.constant 0 : i32
    %dma_start3A_154 = tpu.memref_slice %arg6[%dma_start3A_147, %dma_start3A_151, %dma_start3A_152, %dma_start3A_153] : memref<16x39x16x512xf32, #tpu.memory_space<vmem>> -> memref<1x39x16x512xf32, #tpu.memory_space<vmem>>
    %dma_start3A_155 = tpu.memref_squeeze %dma_start3A_154 : memref<1x39x16x512xf32, #tpu.memory_space<vmem>> -> memref<39x16x512xf32, #tpu.memory_space<vmem>>
    %dma_start3A_156 = arith.constant 390 : i32
    %dma_start3A_157 = arith.constant 0 : i32
    %dma_start3A_158 = arith.constant 0 : i32
    %dma_start3A_159 = tpu.memref_slice %arg1[%dma_start3A_156, %dma_start3A_157, %dma_start3A_158] : memref<3003x16x512xf32, #tpu.memory_space<any>> -> memref<39x16x512xf32, #tpu.memory_space<any>>
    tpu.enqueue_dma source(%dma_start3A_159 : memref<39x16x512xf32, #tpu.memory_space<any>>) target(%dma_start3A_155 : memref<39x16x512xf32, #tpu.memory_space<vmem>>) target_semaphore(%dma_start3A_150 : memref<!tpu.dma_semaphore, #tpu.memory_space<semaphore_mem>>)
    %dma_start3A_160 = arith.constant 11 : i32
    %dma_start3A_161 = arith.constant 11 : i32
    %dma_start3A_162 = tpu.memref_slice %arg11[%dma_start3A_161] : memref<16x!tpu.dma_semaphore, #tpu.memory_space<semaphore_mem>> -> memref<1x!tpu.dma_semaphore, #tpu.memory_space<semaphore_mem>>
    %dma_start3A_163 = tpu.memref_squeeze %dma_start3A_162 : memref<1x!tpu.dma_semaphore, #tpu.memory_space<semaphore_mem>> -> memref<!tpu.dma_semaphore, #tpu.memory_space<semaphore_mem>>
    %dma_start3A_164 = arith.constant 0 : i32
    %dma_start3A_165 = arith.constant 0 : i32
    %dma_start3A_166 = arith.constant 0 : i32
    %dma_start3A_167 = tpu.memref_slice %arg6[%dma_start3A_160, %dma_start3A_164, %dma_start3A_165, %dma_start3A_166] : memref<16x39x16x512xf32, #tpu.memory_space<vmem>> -> memref<1x39x16x512xf32, #tpu.memory_space<vmem>>
    %dma_start3A_168 = tpu.memref_squeeze %dma_start3A_167 : memref<1x39x16x512xf32, #tpu.memory_space<vmem>> -> memref<39x16x512xf32, #tpu.memory_space<vmem>>
    %dma_start3A_169 = arith.constant 429 : i32
    %dma_start3A_170 = arith.constant 0 : i32
    %dma_start3A_171 = arith.constant 0 : i32
    %dma_start3A_172 = tpu.memref_slice %arg1[%dma_start3A_169, %dma_start3A_170, %dma_start3A_171] : memref<3003x16x512xf32, #tpu.memory_space<any>> -> memref<39x16x512xf32, #tpu.memory_space<any>>
    tpu.enqueue_dma source(%dma_start3A_172 : memref<39x16x512xf32, #tpu.memory_space<any>>) target(%dma_start3A_168 : memref<39x16x512xf32, #tpu.memory_space<vmem>>) target_semaphore(%dma_start3A_163 : memref<!tpu.dma_semaphore, #tpu.memory_space<semaphore_mem>>)
    %dma_start3A_173 = arith.constant 12 : i32
    %dma_start3A_174 = arith.constant 12 : i32
    %dma_start3A_175 = tpu.memref_slice %arg11[%dma_start3A_174] : memref<16x!tpu.dma_semaphore, #tpu.memory_space<semaphore_mem>> -> memref<1x!tpu.dma_semaphore, #tpu.memory_space<semaphore_mem>>
    %dma_start3A_176 = tpu.memref_squeeze %dma_start3A_175 : memref<1x!tpu.dma_semaphore, #tpu.memory_space<semaphore_mem>> -> memref<!tpu.dma_semaphore, #tpu.memory_space<semaphore_mem>>
    %dma_start3A_177 = arith.constant 0 : i32
    %dma_start3A_178 = arith.constant 0 : i32
    %dma_start3A_179 = arith.constant 0 : i32
    %dma_start3A_180 = tpu.memref_slice %arg6[%dma_start3A_173, %dma_start3A_177, %dma_start3A_178, %dma_start3A_179] : memref<16x39x16x512xf32, #tpu.memory_space<vmem>> -> memref<1x39x16x512xf32, #tpu.memory_space<vmem>>
    %dma_start3A_181 = tpu.memref_squeeze %dma_start3A_180 : memref<1x39x16x512xf32, #tpu.memory_space<vmem>> -> memref<39x16x512xf32, #tpu.memory_space<vmem>>
    %dma_start3A_182 = arith.constant 468 : i32
    %dma_start3A_183 = arith.constant 0 : i32
    %dma_start3A_184 = arith.constant 0 : i32
    %dma_start3A_185 = tpu.memref_slice %arg1[%dma_start3A_182, %dma_start3A_183, %dma_start3A_184] : memref<3003x16x512xf32, #tpu.memory_space<any>> -> memref<39x16x512xf32, #tpu.memory_space<any>>
    tpu.enqueue_dma source(%dma_start3A_185 : memref<39x16x512xf32, #tpu.memory_space<any>>) target(%dma_start3A_181 : memref<39x16x512xf32, #tpu.memory_space<vmem>>) target_semaphore(%dma_start3A_176 : memref<!tpu.dma_semaphore, #tpu.memory_space<semaphore_mem>>)
    %dma_start3A_186 = arith.constant 13 : i32
    %dma_start3A_187 = arith.constant 13 : i32
    %dma_start3A_188 = tpu.memref_slice %arg11[%dma_start3A_187] : memref<16x!tpu.dma_semaphore, #tpu.memory_space<semaphore_mem>> -> memref<1x!tpu.dma_semaphore, #tpu.memory_space<semaphore_mem>>
    %dma_start3A_189 = tpu.memref_squeeze %dma_start3A_188 : memref<1x!tpu.dma_semaphore, #tpu.memory_space<semaphore_mem>> -> memref<!tpu.dma_semaphore, #tpu.memory_space<semaphore_mem>>
    %dma_start3A_190 = arith.constant 0 : i32
    %dma_start3A_191 = arith.constant 0 : i32
    %dma_start3A_192 = arith.constant 0 : i32
    %dma_start3A_193 = tpu.memref_slice %arg6[%dma_start3A_186, %dma_start3A_190, %dma_start3A_191, %dma_start3A_192] : memref<16x39x16x512xf32, #tpu.memory_space<vmem>> -> memref<1x39x16x512xf32, #tpu.memory_space<vmem>>
    %dma_start3A_194 = tpu.memref_squeeze %dma_start3A_193 : memref<1x39x16x512xf32, #tpu.memory_space<vmem>> -> memref<39x16x512xf32, #tpu.memory_space<vmem>>
    %dma_start3A_195 = arith.constant 507 : i32
    %dma_start3A_196 = arith.constant 0 : i32
    %dma_start3A_197 = arith.constant 0 : i32
    %dma_start3A_198 = tpu.memref_slice %arg1[%dma_start3A_195, %dma_start3A_196, %dma_start3A_197] : memref<3003x16x512xf32, #tpu.memory_space<any>> -> memref<39x16x512xf32, #tpu.memory_space<any>>
    tpu.enqueue_dma source(%dma_start3A_198 : memref<39x16x512xf32, #tpu.memory_space<any>>) target(%dma_start3A_194 : memref<39x16x512xf32, #tpu.memory_space<vmem>>) target_semaphore(%dma_start3A_189 : memref<!tpu.dma_semaphore, #tpu.memory_space<semaphore_mem>>)
    %dma_start3A_199 = arith.constant 14 : i32
    %dma_start3A_200 = arith.constant 14 : i32
    %dma_start3A_201 = tpu.memref_slice %arg11[%dma_start3A_200] : memref<16x!tpu.dma_semaphore, #tpu.memory_space<semaphore_mem>> -> memref<1x!tpu.dma_semaphore, #tpu.memory_space<semaphore_mem>>
    %dma_start3A_202 = tpu.memref_squeeze %dma_start3A_201 : memref<1x!tpu.dma_semaphore, #tpu.memory_space<semaphore_mem>> -> memref<!tpu.dma_semaphore, #tpu.memory_space<semaphore_mem>>
    %dma_start3A_203 = arith.constant 0 : i32
    %dma_start3A_204 = arith.constant 0 : i32
    %dma_start3A_205 = arith.constant 0 : i32
    %dma_start3A_206 = tpu.memref_slice %arg6[%dma_start3A_199, %dma_start3A_203, %dma_start3A_204, %dma_start3A_205] : memref<16x39x16x512xf32, #tpu.memory_space<vmem>> -> memref<1x39x16x512xf32, #tpu.memory_space<vmem>>
    %dma_start3A_207 = tpu.memref_squeeze %dma_start3A_206 : memref<1x39x16x512xf32, #tpu.memory_space<vmem>> -> memref<39x16x512xf32, #tpu.memory_space<vmem>>
    %dma_start3A_208 = arith.constant 546 : i32
    %dma_start3A_209 = arith.constant 0 : i32
    %dma_start3A_210 = arith.constant 0 : i32
    %dma_start3A_211 = tpu.memref_slice %arg1[%dma_start3A_208, %dma_start3A_209, %dma_start3A_210] : memref<3003x16x512xf32, #tpu.memory_space<any>> -> memref<39x16x512xf32, #tpu.memory_space<any>>
    tpu.enqueue_dma source(%dma_start3A_211 : memref<39x16x512xf32, #tpu.memory_space<any>>) target(%dma_start3A_207 : memref<39x16x512xf32, #tpu.memory_space<vmem>>) target_semaphore(%dma_start3A_202 : memref<!tpu.dma_semaphore, #tpu.memory_space<semaphore_mem>>)
    %dma_start3A_212 = arith.constant 15 : i32
    %dma_start3A_213 = arith.constant 15 : i32
    %dma_start3A_214 = tpu.memref_slice %arg11[%dma_start3A_213] : memref<16x!tpu.dma_semaphore, #tpu.memory_space<semaphore_mem>> -> memref<1x!tpu.dma_semaphore, #tpu.memory_space<semaphore_mem>>
    %dma_start3A_215 = tpu.memref_squeeze %dma_start3A_214 : memref<1x!tpu.dma_semaphore, #tpu.memory_space<semaphore_mem>> -> memref<!tpu.dma_semaphore, #tpu.memory_space<semaphore_mem>>
    %dma_start3A_216 = arith.constant 0 : i32
    %dma_start3A_217 = arith.constant 0 : i32
    %dma_start3A_218 = arith.constant 0 : i32
    %dma_start3A_219 = tpu.memref_slice %arg6[%dma_start3A_212, %dma_start3A_216, %dma_start3A_217, %dma_start3A_218] : memref<16x39x16x512xf32, #tpu.memory_space<vmem>> -> memref<1x39x16x512xf32, #tpu.memory_space<vmem>>
    %dma_start3A_220 = tpu.memref_squeeze %dma_start3A_219 : memref<1x39x16x512xf32, #tpu.memory_space<vmem>> -> memref<39x16x512xf32, #tpu.memory_space<vmem>>
    %dma_start3A_221 = arith.constant 585 : i32
    %dma_start3A_222 = arith.constant 0 : i32
    %dma_start3A_223 = arith.constant 0 : i32
    %dma_start3A_224 = tpu.memref_slice %arg1[%dma_start3A_221, %dma_start3A_222, %dma_start3A_223] : memref<3003x16x512xf32, #tpu.memory_space<any>> -> memref<39x16x512xf32, #tpu.memory_space<any>>
    tpu.enqueue_dma source(%dma_start3A_224 : memref<39x16x512xf32, #tpu.memory_space<any>>) target(%dma_start3A_220 : memref<39x16x512xf32, #tpu.memory_space<vmem>>) target_semaphore(%dma_start3A_215 : memref<!tpu.dma_semaphore, #tpu.memory_space<semaphore_mem>>)
    %get3A = arith.constant 0 : index
    %get3A_225 = arith.constant 0 : index
    %get3A_226 = arith.constant 0 : index
    %get3A_227 = vector.load %arg0[%get3A, %get3A_225, %get3A_226] : memref<1x16x512xi32, #tpu.memory_space<vmem>>, vector<1x16x512xi32>
    %scan3A = arith.constant 0 : i32
    %scan3A_228 = arith.constant 77 : i32
    %scan3A_229 = arith.addi %scan3A, %scan3A_228 : i32
    %scan3A_230 = arith.constant 1 : i32
    scf.for %scan3A_264 = %scan3A to %scan3A_229 step %scan3A_230  : i32 {
      %rem3A = arith.constant 16 : i32
      %rem3A_265 = arith.remsi %scan3A_264, %rem3A : i32
      %mul3A = arith.constant 39 : i32
      %mul3A_266 = arith.muli %scan3A_264, %mul3A : i32
      %dma_wait3A = tpu.memref_slice %arg11[%rem3A_265] : memref<16x!tpu.dma_semaphore, #tpu.memory_space<semaphore_mem>> -> memref<1x!tpu.dma_semaphore, #tpu.memory_space<semaphore_mem>>
      %dma_wait3A_267 = tpu.memref_squeeze %dma_wait3A : memref<1x!tpu.dma_semaphore, #tpu.memory_space<semaphore_mem>> -> memref<!tpu.dma_semaphore, #tpu.memory_space<semaphore_mem>>
      %dma_wait3A_268 = arith.constant 0 : i32
      %dma_wait3A_269 = arith.constant 0 : i32
      %dma_wait3A_270 = arith.constant 0 : i32
      %dma_wait3A_271 = tpu.memref_slice %arg6[%rem3A_265, %dma_wait3A_268, %dma_wait3A_269, %dma_wait3A_270] : memref<16x39x16x512xf32, #tpu.memory_space<vmem>> -> memref<1x39x16x512xf32, #tpu.memory_space<vmem>>
      %dma_wait3A_272 = tpu.memref_squeeze %dma_wait3A_271 : memref<1x39x16x512xf32, #tpu.memory_space<vmem>> -> memref<39x16x512xf32, #tpu.memory_space<vmem>>
      %dma_wait3A_273 = arith.constant 0 : i32
      %dma_wait3A_274 = arith.constant 0 : i32
      %dma_wait3A_275 = tpu.memref_slice %arg1[%mul3A_266, %dma_wait3A_273, %dma_wait3A_274] : memref<3003x16x512xf32, #tpu.memory_space<any>> -> memref<39x16x512xf32, #tpu.memory_space<any>>
      tpu.wait_dma2 semaphore(%dma_wait3A_267 : memref<!tpu.dma_semaphore, #tpu.memory_space<semaphore_mem>>) src(%dma_wait3A_275 : memref<39x16x512xf32, #tpu.memory_space<any>>) dst(%dma_wait3A_272 : memref<39x16x512xf32, #tpu.memory_space<vmem>>)
      %get3A_276 = arith.index_cast %rem3A_265 : i32 to index
      %get3A_277 = arith.constant 0 : index
      %get3A_278 = arith.constant 0 : index
      %get3A_279 = arith.constant 0 : index
      %get3A_280 = vector.load %arg6[%get3A_276, %get3A_277, %get3A_278, %get3A_279] : memref<16x39x16x512xf32, #tpu.memory_space<vmem>>, vector<1x39x16x512xf32>
      %get3A_281 = vector.shape_cast %get3A_280 : vector<1x39x16x512xf32> to vector<39x16x512xf32>
      %iota3A = tpu.iota {dimensions = array<i32: 0>} : vector<39x1x1xi32>
      %mul3A_282 = arith.constant 39 : i32
      %mul3A_283 = arith.muli %scan3A_264, %mul3A_282 : i32
      %add3A_284 = vector.broadcast %mul3A_283 : i32 to vector<39x1x1xi32>
      %add3A_285 = arith.addi %iota3A, %add3A_284 : vector<39x1x1xi32>
      %eq3A = vector.broadcast %add3A_285 : vector<39x1x1xi32> to vector<39x16x512xi32>
      %eq3A_286 = vector.broadcast %get3A_227 : vector<1x16x512xi32> to vector<39x16x512xi32>
      %eq3A_287 = arith.cmpi eq, %eq3A, %eq3A_286 : vector<39x16x512xi32>
      %reduce_max3A = arith.constant dense<0xFF800000> : vector<16x512xf32>
      %reduce_max3A_288 = vector.multi_reduction <maximumf>, %get3A_281, %reduce_max3A [0] : vector<39x16x512xf32> to vector<16x512xf32>
      %broadcast_in_dim3A_289 = arith.constant 0.000000e+00 : f32
      %broadcast_in_dim3A_290 = vector.broadcast %broadcast_in_dim3A_289 : f32 to vector<39x16x512xf32>
      %select_n3A = arith.select %eq3A_287, %get3A_281, %broadcast_in_dim3A_290 : vector<39x16x512xi1>, vector<39x16x512xf32>
      %reduce_sum3A_291 = arith.constant dense<0.000000e+00> : vector<16x512xf32>
      %reduce_sum3A_292 = vector.multi_reduction <add>, %select_n3A, %reduce_sum3A_291 [0] : vector<39x16x512xf32> to vector<16x512xf32>
      %get3A_293 = arith.constant 0 : index
      %get3A_294 = arith.constant 0 : index
      %get3A_295 = vector.load %arg7[%get3A_293, %get3A_294] : memref<16x512xf32, #tpu.memory_space<vmem>>, vector<16x512xf32>
      %max3A = arith.maximumf %get3A_295, %reduce_max3A_288 : vector<16x512xf32>
      %sub3A_296 = arith.subf %get3A_295, %max3A : vector<16x512xf32>
      %exp3A_297 = math.exp %sub3A_296 : vector<16x512xf32>
      %get3A_298 = arith.constant 0 : index
      %get3A_299 = arith.constant 0 : index
      %get3A_300 = vector.load %arg8[%get3A_298, %get3A_299] : memref<16x512xf32, #tpu.memory_space<vmem>>, vector<16x512xf32>
      %mul3A_301 = arith.mulf %get3A_300, %exp3A_297 : vector<16x512xf32>
      %broadcast_in_dim3A_302 = vector.shape_cast %max3A : vector<16x512xf32> to vector<1x16x512xf32>
      %sub3A_303 = vector.broadcast %broadcast_in_dim3A_302 : vector<1x16x512xf32> to vector<39x16x512xf32>
      %sub3A_304 = arith.subf %get3A_281, %sub3A_303 : vector<39x16x512xf32>
      %exp3A_305 = math.exp %sub3A_304 : vector<39x16x512xf32>
      %reduce_sum3A_306 = arith.constant dense<0.000000e+00> : vector<16x512xf32>
      %reduce_sum3A_307 = vector.multi_reduction <add>, %exp3A_305, %reduce_sum3A_306 [0] : vector<39x16x512xf32> to vector<16x512xf32>
      %add3A_308 = arith.addf %mul3A_301, %reduce_sum3A_307 : vector<16x512xf32>
      %swap3A_309 = arith.constant 0 : index
      %swap3A_310 = arith.constant 0 : index
      %swap3A_311 = vector.load %arg8[%swap3A_309, %swap3A_310] : memref<16x512xf32, #tpu.memory_space<vmem>>, vector<16x512xf32>
      tpu.vector_store %arg8[%swap3A_309, %swap3A_310], %add3A_308 {strides = array<i32>} : memref<16x512xf32, #tpu.memory_space<vmem>>, vector<16x512xf32>,
      %get3A_312 = arith.constant 0 : index
      %get3A_313 = arith.constant 0 : index
      %get3A_314 = vector.load %arg10[%get3A_312, %get3A_313] : memref<16x512xf32, #tpu.memory_space<vmem>>, vector<16x512xf32>
      %add3A_315 = arith.addf %get3A_314, %reduce_sum3A_292 : vector<16x512xf32>
      %swap3A_316 = arith.constant 0 : index
      %swap3A_317 = arith.constant 0 : index
      %swap3A_318 = vector.load %arg10[%swap3A_316, %swap3A_317] : memref<16x512xf32, #tpu.memory_space<vmem>>, vector<16x512xf32>
      tpu.vector_store %arg10[%swap3A_316, %swap3A_317], %add3A_315 {strides = array<i32>} : memref<16x512xf32, #tpu.memory_space<vmem>>, vector<16x512xf32>,
      %swap3A_319 = arith.constant 0 : index
      %swap3A_320 = arith.constant 0 : index
      %swap3A_321 = vector.load %arg7[%swap3A_319, %swap3A_320] : memref<16x512xf32, #tpu.memory_space<vmem>>, vector<16x512xf32>
      tpu.vector_store %arg7[%swap3A_319, %swap3A_320], %max3A {strides = array<i32>} : memref<16x512xf32, #tpu.memory_space<vmem>>, vector<16x512xf32>,
      %ne3A = arith.constant 0 : i32
      %ne3A_322 = arith.cmpi ne, %scan3A_264, %ne3A : i32
      %convert_element_type3A = arith.extui %ne3A_322 : i1 to i32
      %cond3A = arith.constant 0 : i32
      %cond3A_323 = arith.cmpi ne, %convert_element_type3A, %cond3A : i32
      scf.if %cond3A_323 {
        %get3A_350 = arith.constant 0 : index
        %get3A_351 = arith.constant 0 : index
        %get3A_352 = vector.load %arg9[%get3A_350, %get3A_351] : memref<16x512xf32, #tpu.memory_space<vmem>>, vector<16x512xf32>
        %mul3A_353 = arith.mulf %get3A_352, %exp3A_297 : vector<16x512xf32>
        %swap3A_354 = arith.constant 0 : index
        %swap3A_355 = arith.constant 0 : index
        %swap3A_356 = vector.load %arg9[%swap3A_354, %swap3A_355] : memref<16x512xf32, #tpu.memory_space<vmem>>, vector<16x512xf32>
        tpu.vector_store %arg9[%swap3A_354, %swap3A_355], %mul3A_353 {strides = array<i32>} : memref<16x512xf32, #tpu.memory_space<vmem>>, vector<16x512xf32>,
      } else {
      }
      %eq3A_324 = arith.constant 0 : i32
      %eq3A_325 = arith.cmpi eq, %scan3A_264, %eq3A_324 : i32
      %convert_element_type3A_326 = arith.extui %eq3A_325 : i1 to i32
      %cond3A_327 = arith.constant 0 : i32
      %cond3A_328 = arith.cmpi ne, %convert_element_type3A_326, %cond3A_327 : i32
      scf.if %cond3A_328 {
        %slice3A = vector.extract_strided_slice %get3A_281 {offsets = [5, 0, 0], sizes = [1, 16, 512], strides = [1, 1, 1]} : vector<39x16x512xf32> to vector<1x16x512xf32>
        %squeeze3A = vector.shape_cast %slice3A : vector<1x16x512xf32> to vector<16x512xf32>
        %sub3A_350 = arith.subf %squeeze3A, %max3A : vector<16x512xf32>
        %exp3A_351 = math.exp %sub3A_350 : vector<16x512xf32>
        %slice3A_352 = vector.extract_strided_slice %get3A_281 {offsets = [12, 0, 0], sizes = [1, 16, 512], strides = [1, 1, 1]} : vector<39x16x512xf32> to vector<1x16x512xf32>
        %squeeze3A_353 = vector.shape_cast %slice3A_352 : vector<1x16x512xf32> to vector<16x512xf32>
        %sub3A_354 = arith.subf %squeeze3A_353, %max3A : vector<16x512xf32>
        %exp3A_355 = math.exp %sub3A_354 : vector<16x512xf32>
        %add3A_356 = arith.addf %exp3A_351, %exp3A_355 : vector<16x512xf32>
        %slice3A_357 = vector.extract_strided_slice %get3A_281 {offsets = [23, 0, 0], sizes = [1, 16, 512], strides = [1, 1, 1]} : vector<39x16x512xf32> to vector<1x16x512xf32>
        %squeeze3A_358 = vector.shape_cast %slice3A_357 : vector<1x16x512xf32> to vector<16x512xf32>
        %sub3A_359 = arith.subf %squeeze3A_358, %max3A : vector<16x512xf32>
        %exp3A_360 = math.exp %sub3A_359 : vector<16x512xf32>
        %add3A_361 = arith.addf %add3A_356, %exp3A_360 : vector<16x512xf32>
        %slice3A_362 = vector.extract_strided_slice %get3A_281 {offsets = [37, 0, 0], sizes = [1, 16, 512], strides = [1, 1, 1]} : vector<39x16x512xf32> to vector<1x16x512xf32>
        %squeeze3A_363 = vector.shape_cast %slice3A_362 : vector<1x16x512xf32> to vector<16x512xf32>
        %sub3A_364 = arith.subf %squeeze3A_363, %max3A : vector<16x512xf32>
        %exp3A_365 = math.exp %sub3A_364 : vector<16x512xf32>
        %add3A_366 = arith.addf %add3A_361, %exp3A_365 : vector<16x512xf32>
        %get3A_367 = arith.constant 0 : index
        %get3A_368 = arith.constant 0 : index
        %get3A_369 = vector.load %arg9[%get3A_367, %get3A_368] : memref<16x512xf32, #tpu.memory_space<vmem>>, vector<16x512xf32>
        %add3A_370 = arith.addf %get3A_369, %add3A_366 : vector<16x512xf32>
        %swap3A_371 = arith.constant 0 : index
        %swap3A_372 = arith.constant 0 : index
        %swap3A_373 = vector.load %arg9[%swap3A_371, %swap3A_372] : memref<16x512xf32, #tpu.memory_space<vmem>>, vector<16x512xf32>
        tpu.vector_store %arg9[%swap3A_371, %swap3A_372], %add3A_370 {strides = array<i32>} : memref<16x512xf32, #tpu.memory_space<vmem>>, vector<16x512xf32>,
      } else {
      }
      %eq3A_329 = arith.constant 1 : i32
      %eq3A_330 = arith.cmpi eq, %scan3A_264, %eq3A_329 : i32
      %convert_element_type3A_331 = arith.extui %eq3A_330 : i1 to i32
      %cond3A_332 = arith.constant 0 : i32
      %cond3A_333 = arith.cmpi ne, %convert_element_type3A_331, %cond3A_332 : i32
      scf.if %cond3A_333 {
        %slice3A = vector.extract_strided_slice %get3A_281 {offsets = [2, 0, 0], sizes = [1, 16, 512], strides = [1, 1, 1]} : vector<39x16x512xf32> to vector<1x16x512xf32>
        %squeeze3A = vector.shape_cast %slice3A : vector<1x16x512xf32> to vector<16x512xf32>
        %sub3A_350 = arith.subf %squeeze3A, %max3A : vector<16x512xf32>
        %exp3A_351 = math.exp %sub3A_350 : vector<16x512xf32>
        %slice3A_352 = vector.extract_strided_slice %get3A_281 {offsets = [19, 0, 0], sizes = [1, 16, 512], strides = [1, 1, 1]} : vector<39x16x512xf32> to vector<1x16x512xf32>
        %squeeze3A_353 = vector.shape_cast %slice3A_352 : vector<1x16x512xf32> to vector<16x512xf32>
        %sub3A_354 = arith.subf %squeeze3A_353, %max3A : vector<16x512xf32>
        %exp3A_355 = math.exp %sub3A_354 : vector<16x512xf32>
        %add3A_356 = arith.addf %exp3A_351, %exp3A_355 : vector<16x512xf32>
        %slice3A_357 = vector.extract_strided_slice %get3A_281 {offsets = [27, 0, 0], sizes = [1, 16, 512], strides = [1, 1, 1]} : vector<39x16x512xf32> to vector<1x16x512xf32>
        %squeeze3A_358 = vector.shape_cast %slice3A_357 : vector<1x16x512xf32> to vector<16x512xf32>
        %sub3A_359 = arith.subf %squeeze3A_358, %max3A : vector<16x512xf32>
        %exp3A_360 = math.exp %sub3A_359 : vector<16x512xf32>
        %add3A_361 = arith.addf %add3A_356, %exp3A_360 : vector<16x512xf32>
        %slice3A_362 = vector.extract_strided_slice %get3A_281 {offsets = [35, 0, 0], sizes = [1, 16, 512], strides = [1, 1, 1]} : vector<39x16x512xf32> to vector<1x16x512xf32>
        %squeeze3A_363 = vector.shape_cast %slice3A_362 : vector<1x16x512xf32> to vector<16x512xf32>
        %sub3A_364 = arith.subf %squeeze3A_363, %max3A : vector<16x512xf32>
        %exp3A_365 = math.exp %sub3A_364 : vector<16x512xf32>
        %add3A_366 = arith.addf %add3A_361, %exp3A_365 : vector<16x512xf32>
        %get3A_367 = arith.constant 0 : index
        %get3A_368 = arith.constant 0 : index
        %get3A_369 = vector.load %arg9[%get3A_367, %get3A_368] : memref<16x512xf32, #tpu.memory_space<vmem>>, vector<16x512xf32>
        %add3A_370 = arith.addf %get3A_369, %add3A_366 : vector<16x512xf32>
        %swap3A_371 = arith.constant 0 : index
        %swap3A_372 = arith.constant 0 : index
        %swap3A_373 = vector.load %arg9[%swap3A_371, %swap3A_372] : memref<16x512xf32, #tpu.memory_space<vmem>>, vector<16x512xf32>
        tpu.vector_store %arg9[%swap3A_371, %swap3A_372], %add3A_370 {strides = array<i32>} : memref<16x512xf32, #tpu.memory_space<vmem>>, vector<16x512xf32>,
      } else {
      }
      %eq3A_334 = arith.constant 2 : i32
      %eq3A_335 = arith.cmpi eq, %scan3A_264, %eq3A_334 : i32
      %convert_element_type3A_336 = arith.extui %eq3A_335 : i1 to i32
      %cond3A_337 = arith.constant 0 : i32
      %cond3A_338 = arith.cmpi ne, %convert_element_type3A_336, %cond3A_337 : i32
      scf.if %cond3A_338 {
        %slice3A = vector.extract_strided_slice %get3A_281 {offsets = [11, 0, 0], sizes = [1, 16, 512], strides = [1, 1, 1]} : vector<39x16x512xf32> to vector<1x16x512xf32>
        %squeeze3A = vector.shape_cast %slice3A : vector<1x16x512xf32> to vector<16x512xf32>
        %sub3A_350 = arith.subf %squeeze3A, %max3A : vector<16x512xf32>
        %exp3A_351 = math.exp %sub3A_350 : vector<16x512xf32>
        %slice3A_352 = vector.extract_strided_slice %get3A_281 {offsets = [19, 0, 0], sizes = [1, 16, 512], strides = [1, 1, 1]} : vector<39x16x512xf32> to vector<1x16x512xf32>
        %squeeze3A_353 = vector.shape_cast %slice3A_352 : vector<1x16x512xf32> to vector<16x512xf32>
        %sub3A_354 = arith.subf %squeeze3A_353, %max3A : vector<16x512xf32>
        %exp3A_355 = math.exp %sub3A_354 : vector<16x512xf32>
        %add3A_356 = arith.addf %exp3A_351, %exp3A_355 : vector<16x512xf32>
        %slice3A_357 = vector.extract_strided_slice %get3A_281 {offsets = [25, 0, 0], sizes = [1, 16, 512], strides = [1, 1, 1]} : vector<39x16x512xf32> to vector<1x16x512xf32>
        %squeeze3A_358 = vector.shape_cast %slice3A_357 : vector<1x16x512xf32> to vector<16x512xf32>
        %sub3A_359 = arith.subf %squeeze3A_358, %max3A : vector<16x512xf32>
        %exp3A_360 = math.exp %sub3A_359 : vector<16x512xf32>
        %add3A_361 = arith.addf %add3A_356, %exp3A_360 : vector<16x512xf32>
        %get3A_362 = arith.constant 0 : index
        %get3A_363 = arith.constant 0 : index
        %get3A_364 = vector.load %arg9[%get3A_362, %get3A_363] : memref<16x512xf32, #tpu.memory_space<vmem>>, vector<16x512xf32>
        %add3A_365 = arith.addf %get3A_364, %add3A_361 : vector<16x512xf32>
        %swap3A_366 = arith.constant 0 : index
        %swap3A_367 = arith.constant 0 : index
        %swap3A_368 = vector.load %arg9[%swap3A_366, %swap3A_367] : memref<16x512xf32, #tpu.memory_space<vmem>>, vector<16x512xf32>
        tpu.vector_store %arg9[%swap3A_366, %swap3A_367], %add3A_365 {strides = array<i32>} : memref<16x512xf32, #tpu.memory_space<vmem>>, vector<16x512xf32>,
      } else {
      }
      %eq3A_339 = arith.constant 3 : i32
      %eq3A_340 = arith.cmpi eq, %scan3A_264, %eq3A_339 : i32
      %convert_element_type3A_341 = arith.extui %eq3A_340 : i1 to i32
      %cond3A_342 = arith.constant 0 : i32
      %cond3A_343 = arith.cmpi ne, %convert_element_type3A_341, %cond3A_342 : i32
      scf.if %cond3A_343 {
        %slice3A = vector.extract_strided_slice %get3A_281 {offsets = [1, 0, 0], sizes = [1, 16, 512], strides = [1, 1, 1]} : vector<39x16x512xf32> to vector<1x16x512xf32>
        %squeeze3A = vector.shape_cast %slice3A : vector<1x16x512xf32> to vector<16x512xf32>
        %sub3A_350 = arith.subf %squeeze3A, %max3A : vector<16x512xf32>
        %exp3A_351 = math.exp %sub3A_350 : vector<16x512xf32>
        %slice3A_352 = vector.extract_strided_slice %get3A_281 {offsets = [10, 0, 0], sizes = [1, 16, 512], strides = [1, 1, 1]} : vector<39x16x512xf32> to vector<1x16x512xf32>
        %squeeze3A_353 = vector.shape_cast %slice3A_352 : vector<1x16x512xf32> to vector<16x512xf32>
        %sub3A_354 = arith.subf %squeeze3A_353, %max3A : vector<16x512xf32>
        %exp3A_355 = math.exp %sub3A_354 : vector<16x512xf32>
        %add3A_356 = arith.addf %exp3A_351, %exp3A_355 : vector<16x512xf32>
        %slice3A_357 = vector.extract_strided_slice %get3A_281 {offsets = [17, 0, 0], sizes = [1, 16, 512], strides = [1, 1, 1]} : vector<39x16x512xf32> to vector<1x16x512xf32>
        %squeeze3A_358 = vector.shape_cast %slice3A_357 : vector<1x16x512xf32> to vector<16x512xf32>
        %sub3A_359 = arith.subf %squeeze3A_358, %max3A : vector<16x512xf32>
        %exp3A_360 = math.exp %sub3A_359 : vector<16x512xf32>
        %add3A_361 = arith.addf %add3A_356, %exp3A_360 : vector<16x512xf32>
        %slice3A_362 = vector.extract_strided_slice %get3A_281 {offsets = [32, 0, 0], sizes = [1, 16, 512], strides = [1, 1, 1]} : vector<39x16x512xf32> to vector<1x16x512xf32>
        %squeeze3A_363 = vector.shape_cast %slice3A_362 : vector<1x16x512xf32> to vector<16x512xf32>
        %sub3A_364 = arith.subf %squeeze3A_363, %max3A : vector<16x512xf32>
        %exp3A_365 = math.exp %sub3A_364 : vector<16x512xf32>
        %add3A_366 = arith.addf %add3A_361, %exp3A_365 : vector<16x512xf32>
        %slice3A_367 = vector.extract_strided_slice %get3A_281 {offsets = [38, 0, 0], sizes = [1, 16, 512], strides = [1, 1, 1]} : vector<39x16x512xf32> to vector<1x16x512xf32>
        %squeeze3A_368 = vector.shape_cast %slice3A_367 : vector<1x16x512xf32> to vector<16x512xf32>
        %sub3A_369 = arith.subf %squeeze3A_368, %max3A : vector<16x512xf32>
        %exp3A_370 = math.exp %sub3A_369 : vector<16x512xf32>
        %add3A_371 = arith.addf %add3A_366, %exp3A_370 : vector<16x512xf32>
        %get3A_372 = arith.constant 0 : index
        %get3A_373 = arith.constant 0 : index
        %get3A_374 = vector.load %arg9[%get3A_372, %get3A_373] : memref<16x512xf32, #tpu.memory_space<vmem>>, vector<16x512xf32>
        %add3A_375 = arith.addf %get3A_374, %add3A_371 : vector<16x512xf32>
        %swap3A_376 = arith.constant 0 : index
        %swap3A_377 = arith.constant 0 : index
        %swap3A_378 = vector.load %arg9[%swap3A_376, %swap3A_377] : memref<16x512xf32, #tpu.memory_space<vmem>>, vector<16x512xf32>
        tpu.vector_store %arg9[%swap3A_376, %swap3A_377], %add3A_375 {strides = array<i32>} : memref<16x512xf32, #tpu.memory_space<vmem>>, vector<16x512xf32>,
      } else {
      }
      %add3A_344 = arith.constant 16 : i32
      %add3A_345 = arith.addi %scan3A_264, %add3A_344 : i32
      %lt3A = arith.constant 77 : i32
      %lt3A_346 = arith.cmpi slt, %add3A_345, %lt3A : i32
      %convert_element_type3A_347 = arith.extui %lt3A_346 : i1 to i32
      %cond3A_348 = arith.constant 0 : i32
      %cond3A_349 = arith.cmpi ne, %convert_element_type3A_347, %cond3A_348 : i32
      scf.if %cond3A_349 {
        %add3A_350 = arith.constant 16 : i32
        %add3A_351 = arith.addi %scan3A_264, %add3A_350 : i32
        %mul3A_352 = arith.constant 39 : i32
        %mul3A_353 = arith.muli %add3A_351, %mul3A_352 : i32
        %dma_start3A_354 = tpu.memref_slice %arg11[%rem3A_265] : memref<16x!tpu.dma_semaphore, #tpu.memory_space<semaphore_mem>> -> memref<1x!tpu.dma_semaphore, #tpu.memory_space<semaphore_mem>>
        %dma_start3A_355 = tpu.memref_squeeze %dma_start3A_354 : memref<1x!tpu.dma_semaphore, #tpu.memory_space<semaphore_mem>> -> memref<!tpu.dma_semaphore, #tpu.memory_space<semaphore_mem>>
        %dma_start3A_356 = arith.constant 0 : i32
        %dma_start3A_357 = arith.constant 0 : i32
        %dma_start3A_358 = arith.constant 0 : i32
        %dma_start3A_359 = tpu.memref_slice %arg6[%rem3A_265, %dma_start3A_356, %dma_start3A_357, %dma_start3A_358] : memref<16x39x16x512xf32, #tpu.memory_space<vmem>> -> memref<1x39x16x512xf32, #tpu.memory_space<vmem>>
        %dma_start3A_360 = tpu.memref_squeeze %dma_start3A_359 : memref<1x39x16x512xf32, #tpu.memory_space<vmem>> -> memref<39x16x512xf32, #tpu.memory_space<vmem>>
        %dma_start3A_361 = arith.constant 0 : i32
        %dma_start3A_362 = arith.constant 0 : i32
        %dma_start3A_363 = tpu.memref_slice %arg1[%mul3A_353, %dma_start3A_361, %dma_start3A_362] : memref<3003x16x512xf32, #tpu.memory_space<any>> -> memref<39x16x512xf32, #tpu.memory_space<any>>
        tpu.enqueue_dma source(%dma_start3A_363 : memref<39x16x512xf32, #tpu.memory_space<any>>) target(%dma_start3A_360 : memref<39x16x512xf32, #tpu.memory_space<vmem>>) target_semaphore(%dma_start3A_355 : memref<!tpu.dma_semaphore, #tpu.memory_space<semaphore_mem>>)
      } else {
      }
    }
    %scan3A_231 = arith.constant 77 : i32
    %get3A_232 = arith.constant 0 : index
    %get3A_233 = arith.constant 0 : index
    %get3A_234 = vector.load %arg7[%get3A_232, %get3A_233] : memref<16x512xf32, #tpu.memory_space<vmem>>, vector<16x512xf32>
    %get3A_235 = arith.constant 0 : index
    %get3A_236 = arith.constant 0 : index
    %get3A_237 = vector.load %arg8[%get3A_235, %get3A_236] : memref<16x512xf32, #tpu.memory_space<vmem>>, vector<16x512xf32>
    %get3A_238 = arith.constant 0 : index
    %get3A_239 = arith.constant 0 : index
    %get3A_240 = vector.load %arg9[%get3A_238, %get3A_239] : memref<16x512xf32, #tpu.memory_space<vmem>>, vector<16x512xf32>
    %get3A_241 = arith.constant 0 : index
    %get3A_242 = arith.constant 0 : index
    %get3A_243 = vector.load %arg10[%get3A_241, %get3A_242] : memref<16x512xf32, #tpu.memory_space<vmem>>, vector<16x512xf32>
    %swap3A_244 = arith.constant 0 : index
    %swap3A_245 = arith.constant 0 : index
    %swap3A_246 = vector.load %arg2[%swap3A_244, %swap3A_245] : memref<16x512xf32, #tpu.memory_space<vmem>>, vector<16x512xf32>
    tpu.vector_store %arg2[%swap3A_244, %swap3A_245], %get3A_243 {strides = array<i32>} : memref<16x512xf32, #tpu.memory_space<vmem>>, vector<16x512xf32>,
    %log3A = math.log %get3A_237 : vector<16x512xf32>
    %add3A = arith.addf %get3A_234, %log3A : vector<16x512xf32>
    %swap3A_247 = arith.constant 0 : index
    %swap3A_248 = arith.constant 0 : index
    %swap3A_249 = vector.load %arg3[%swap3A_247, %swap3A_248] : memref<16x512xf32, #tpu.memory_space<vmem>>, vector<16x512xf32>
    tpu.vector_store %arg3[%swap3A_247, %swap3A_248], %add3A {strides = array<i32>} : memref<16x512xf32, #tpu.memory_space<vmem>>, vector<16x512xf32>,
    %div3A = arith.divf %get3A_240, %get3A_237 : vector<16x512xf32>
    %sub3A = arith.subf %get3A_237, %get3A_240 : vector<16x512xf32>
    %div3A_250 = arith.divf %sub3A, %get3A_237 : vector<16x512xf32>
    %swap3A_251 = arith.constant 0 : index
    %swap3A_252 = arith.constant 0 : index
    %swap3A_253 = vector.load %arg4[%swap3A_251, %swap3A_252] : memref<16x512xf32, #tpu.memory_space<vmem>>, vector<16x512xf32>
    tpu.vector_store %arg4[%swap3A_251, %swap3A_252], %div3A {strides = array<i32>} : memref<16x512xf32, #tpu.memory_space<vmem>>, vector<16x512xf32>,
    %exp3A = math.exp %div3A : vector<16x512xf32>
    %exp3A_254 = math.exp %div3A_250 : vector<16x512xf32>
    %add3A_255 = arith.addf %exp3A, %exp3A_254 : vector<16x512xf32>
    %log3A_256 = math.log %add3A_255 : vector<16x512xf32>
    %reduce_sum3A = vector.shape_cast %log3A_256 : vector<16x512xf32> to vector<1x16x512xf32>
    %reduce_sum3A_257 = arith.constant dense<0.000000e+00> : vector<1xf32>
    %reduce_sum3A_258 = vector.multi_reduction <add>, %reduce_sum3A, %reduce_sum3A_257 [1, 2] : vector<1x16x512xf32> to vector<1xf32>
    %reduce_sum3A_259 = vector.shape_cast %reduce_sum3A_258 : vector<1xf32> to vector<1x1x1xf32>
    %reduce_sum3A_260 = vector.extract %reduce_sum3A_259[0, 0, 0] : f32 from vector<1x1x1xf32>
    %reshape3A = vector.broadcast %reduce_sum3A_260 : f32 to vector<1x1xf32>
    %swap3A_261 = arith.constant 0 : index
    %swap3A_262 = arith.constant 0 : index
    %swap3A_263 = vector.load %arg5[%swap3A_261, %swap3A_262] : memref<1x1xf32, #tpu.memory_space<vmem>>, vector<1x1xf32>
    tpu.vector_store %arg5[%swap3A_261, %swap3A_262], %reshape3A {strides = array<i32>} : memref<1x1xf32, #tpu.memory_space<vmem>>, vector<1x1xf32>,
    return
  }
}

</mosaic_0001>

<sc_bundles>
// kernel: kernel.4.cloned.1.call-start
scs
__scs_entry_jumppad:
0x0: {  	(pc) =	sbr.rel $0x88, $3  }
0x1: {  	(tag) =	ssettag $0x0;
	lr =	simm.s32 $0x1  }
0x2: {  	[smem:$0x3F9F] =	sst lr;
	_ =	strace $0xD0000000  }
0x3: {  	_ = 	snop  }
0x4: {  	_ = 	snop  }
0x5: {  	_ = 	snop  }
0x6: {  	_ = 	snop  }
0x7: {  	_ = 	snop  }
__scs_overlays_trampoline_lowered:
0x8: {  	[smem:$0x3FAE] =	sst s0  }
0x9: {  	[smem:$0x3FAF] =	sst s1  }
0xa: {  	[smem:$0x3FB0] =	sst s2  }
0xb: {  	[smem:$0x3FB1] =	sst s3  }
0xc: {  	[smem:$0x3FB2] =	sst s4  }
0xd: {  	[smem:$0x3FB3] =	sst s5  }
0xe: {  	[smem:$0x3FB4] =	sst s6  }
0xf: {  	[smem:$0x3FB5] =	sst s7  }
0x10: {  	[smem:$0x3FB6] =	sst s8  }
0x11: {  	[smem:$0x3FB7] =	sst s9;
	s0 =	simm.s32 @!p0 $0x0  }
0x12: {  	s1 =	sld [smem:$0x3F9D];
	s0 =	simm.s32 @p0 $0x1  }
0x13: {  	[smem:$0x3FB8] =	sst s0;
	s0 =	simm.s32 @!p1 $0x0  }
0x14: {  	s2 =	sld [smem:$0x3F9C];
	s0 =	simm.s32 @p1 $0x1  }
0x15: {  	[smem:$0x3FB9] =	sst s0;
	s0 =	simm.s32 @!p2 $0x0  }
0x16: {  	s3 =	sld [smem:$0x3FDB];
	s0 =	simm.s32 @p2 $0x1  }
0x17: {  	s4 =	simm.s32 $0x1BF5;
	[smem:$0x3FBB] =	sst s0  }
0x18: {  	s0 =	sld [smem:$0x3F9E];
	_ =	swait.ge [sflag:s4], $0x0  }
0x19: {  	s7 =	sld [smem:$0x3F9F]  }
0x1a: {  	s8 =	sadd.s32 $0xFFFFE003, lr  }
0x1b: {  	s9 =	sadd.s32 $0xFFFFFEF7, lr;
	s5 =	simm.s32 $0xFFFFFFFF;
	p2 =	slt.u32 s8, $0xFFFFF086  }
0x1c: {  	p1 =	slt.u32 s9, $0xF7A;
	s5 =	simm.s32 @!p2 $0x0  }
0x1d: {  	s5 =	simm.s32 @p1 $0x1;
	p0 =	seq.s32 s7, s2  }
0x1e: {  	s7 =	smul.u32 @!p0 $0xF7A, s2;
	p2 =	seq.s32 @!p0 s5, $0x0  }
0x1f: {  	s9 =	smul.u32 $0xF7A, s1;
	s8 =	simm.s32 @!p0 $0x1BF5;
	p2 =	por !p2, p0  }
0x20: {  	[sflag:s8] =	ssyncset.s32 @!p0 $0xFFFFF086;
	s6 =	sadd.s32 @!p0 s3, s7;
	s7 =	simm.s32 @!p0 $0x108  }
0x21: {  	s3 =	sadd.s32 s3, s9;
	s6 =	sadd.s32 @!p0 $0x88, s6;
	s7 =	simm.s32 @p2 $0x1082  }
0x22: {  	[simem:s7], [sflag:s8] =	dma.local @!p0 [hbm:s6], $0xF7A  }
0x23: {  	s9 =	sor.u32 $0xD0000000, s2;
	s6 =	simm.s32 $0x108;
	_ =	swait.ge @!p0 [sflag:s8], $0x0  }
0x24: {  	s3 =	sadd.s32 $0x88, s3;
	s6 =	simm.s32 @!p1 $0x1082;
	[sflag:s4] =	ssyncset.s32 $0xFFFFF086  }
0x25: {  	[simem:s6], [sflag:s4] =	dma.local [hbm:s3], $0xF7A  }
0x26: {  	[smem:$0x3F9F] =	sst s1;
	(tag) =	ssettag s2;
	_ =	strace s9  }
0x27: {  	s1 =	sld [smem:$0x3FAF]  }
0x28: {  	s2 =	sld [smem:$0x3FB0]  }
0x29: {  	s4 =	sld [smem:$0x3FB2]  }
0x2a: {  	p0 =	seq.s32 s5, $0x0;
	s5 =	sld [smem:$0x3FB3]  }
0x2b: {  	s6 =	sld [smem:$0x3FB4]  }
0x2c: {  	s7 =	sld [smem:$0x3FB5]  }
0x2d: {  	s3 =	simm.s32 $0x108;
	s8 =	sld [smem:$0x3FB6]  }
0x2e: {  	s3 =	simm.s32 @!p0 $0x1082;
	s9 =	sld [smem:$0x3FB7]  }
0x2f: {  	lr =	sadd.s32 s0, s3;
	s0 =	sld [smem:$0x3FAE]  }
0x30: {  	s3 =	sld [smem:$0x3FB1]  }
0x31: {  	[smem:$0x3FBA] =	sst s10  }
0x32: {  	s10 =	sld [smem:$0x3FB8];
	_ =	sdelay $0x3  }
0x33: {  	p0 =	seq.s32 s10, $0x1;
	s10 =	sld [smem:$0x3FBA];
	_ =	sdelay $0x3  }
0x34: {  	[smem:$0x3FBA] =	sst s10  }
0x35: {  	s10 =	sld [smem:$0x3FB9];
	_ =	sdelay $0x3  }
0x36: {  	p1 =	seq.s32 s10, $0x1;
	s10 =	sld [smem:$0x3FBA];
	_ =	sdelay $0x3  }
0x37: {  	[smem:$0x3FBA] =	sst s10  }
0x38: {  	s10 =	sld [smem:$0x3FBB]  }
0x39: {  	_ = 	snop;
	(pc) =	sbr.ind lr, $3  }
0x3a: {  	_ = 	snop  }
0x3b: {  	_ = 	snop  }
0x3c: {  	p2 =	seq.s32 s10, $0x1;
	s10 =	sld [smem:$0x3FBA]  }
0x3d: {  	_ =	shalt  }
0x3e: {  	_ =	shalt  }
0x3f: {  	_ =	shalt  }
0x40: {  	_ =	shalt  }
0x41: {  	_ =	shalt  }
0x42: {  	_ =	shalt  }
0x43: {  	_ =	shalt  }
0x44: {  	_ =	shalt  }
0x45: {  	_ =	shalt  }
0x46: {  	_ =	shalt  }
0x47: {  	_ =	shalt  }
0x48: {  	_ =	shalt  }
0x49: {  	_ =	shalt  }
0x4a: {  	_ =	shalt  }
0x4b: {  	_ =	shalt  }
0x4c: {  	_ =	shalt  }
0x4d: {  	_ =	shalt  }
0x4e: {  	_ =	shalt  }
0x4f: {  	_ =	shalt  }
0x50: {  	_ =	shalt  }
0x51: {  	_ =	shalt  }
0x52: {  	_ =	shalt  }
0x53: {  	_ =	shalt  }
0x54: {  	_ =	shalt  }
0x55: {  	_ =	shalt  }
0x56: {  	_ =	shalt  }
0x57: {  	_ =	shalt  }
0x58: {  	_ =	shalt  }
0x59: {  	_ =	shalt  }
0x5a: {  	_ =	shalt  }
0x5b: {  	_ =	shalt  }
0x5c: {  	_ =	shalt  }
0x5d: {  	_ =	shalt  }
0x5e: {  	_ =	shalt  }
0x5f: {  	_ =	shalt  }
0x60: {  	_ =	shalt  }
0x61: {  	_ =	shalt  }
0x62: {  	_ =	shalt  }
0x63: {  	_ =	shalt  }
0x64: {  	_ =	shalt  }
0x65: {  	_ =	shalt  }
0x66: {  	_ =	shalt  }
0x67: {  	_ =	shalt  }
0x68: {  	_ =	shalt  }
0x69: {  	_ =	shalt  }
0x6a: {  	_ =	shalt  }
0x6b: {  	_ =	shalt  }
0x6c: {  	_ =	shalt  }
0x6d: {  	_ =	shalt  }
0x6e: {  	_ =	shalt  }
0x6f: {  	_ =	shalt  }
0x70: {  	_ =	shalt  }
0x71: {  	_ =	shalt  }
0x72: {  	_ =	shalt  }
0x73: {  	_ =	shalt  }
0x74: {  	_ =	shalt  }
0x75: {  	_ =	shalt  }
0x76: {  	_ =	shalt  }
0x77: {  	_ =	shalt  }
0x78: {  	_ =	shalt  }
0x79: {  	_ =	shalt  }
0x7a: {  	_ =	shalt  }
0x7b: {  	_ =	shalt  }
0x7c: {  	_ =	shalt  }
0x7d: {  	_ =	shalt  }
0x7e: {  	_ =	shalt  }
0x7f: {  	_ =	shalt  }
0x80: {  	_ =	shalt  }
0x81: {  	_ =	shalt  }
0x82: {  	_ =	shalt  }
0x83: {  	_ =	shalt  }
0x84: {  	_ =	shalt  }
0x85: {  	_ =	shalt  }
0x86: {  	_ =	shalt  }
0x87: {  	_ =	shalt  }
.Lfunc_end0:
.L_simem_size_0:
called_computation_lowered:
.L_overlay_start_0:
0x88: {  	s2 =	sld [smem:$0x3FD9]  }
0x89: {  	s3 =	sld [smem:$0x3FFE];
	_ =	sdelay $0x1  }
0x8a: {  	s1 =	srdreg.scid  }
0x8b: {  	s0 =	sand.u32 $0x1, s1  }
0x8c: {  	s16 =	sshll.u32 s0, $0xA;
	s2 =	sadd.s32 s3, s2  }
0x8d: {  	s2 =	sadd.s32 s2, s16  }
0x8e: {  	[smem:$0x3FC6] =	sst s2  }
0x8f: {  	_ = 	snop  }
0x90: {  	(tm) =	ssettm $0x1  }
0x91: {  	s17 =	sld [smem:$0x3FFB];
	_ =	sdelay $0x3  }
0x92: {  	_ =	strace s17  }
0x93: {  	s2 =	sld [smem:$0x3FFC];
	_ =	sdelay $0x3  }
0x94: {  	_ =	strace s2  }
0x95: {  	s2 =	sld [smem:$0x3FFD];
	_ =	sdelay $0x3  }
0x96: {  	_ =	strace s2  }
0x97: {  	_ =	strace $0x8FFFFFFF  }
0x98: {  	s18 =	sld [smem:$0x3FDB];
	_ =	sdelay $0x1  }
0x99: {  	s19 =	simm.s32 $_scs_section_size  }
0x9a: {  	s4 =	simm.s32 $_size__tile_overlayer_lowered;
	s5 =	simm.s32 $_tile_overlayer_lowered  }
0x9b: {  	s22 =	simm.s32 $0x1BFF;
	s21 =	sshll.u32 s5, $0x1;
	s2 =	sadd.s32 s19, s18  }
0x9c: {  	s6 =	simm.s32 $0x0;
	s20 =	sshll.u32 s4, $0x1;
	s4 =	sadd.s32 s21, s2  }
0x9d: {  	[timem:s6], [sflag:s22] =	dma.local [hbm:s4], s20  }
0x9e: {  	_ =	swait.ge [sflag:s22], s20  }
0x9f: {  	s3 =	ssub.s32 $0x0, s20;
	[sflag:s22] =	ssyncset.done $0x0  }
0xa0: {  	[sflag:s22] =	ssyncadd.s32 s3;
	_ =	sdelay $0x1  }
0xa1: {  	s23 =	simm.s32 $0x1B8B  }
0xa2: {  	_ =	swait.ge [sflag:s23], $0x1  }
0xa3: {  	[sflag:s23] =	ssyncset.done $0x0  }
0xa4: {  	s25 =	simm.s32 $0x1B8E;
	s24 =	sld [smem:$0x3FFE];
	[sflag:s23] =	ssyncadd.s32 $0xFFFFFFFF  }
0xa5: {  	s26 =	simm.s32 $execute0_lowered;
	[smem:$0x3FD2] =	sst s25  }
0xa6: {  	s4 =	sshll.u32 s26, $0x1;
	_ =	strace $0x80000046;
	[dreg:$0x1] =	wrdreg $0xFFFFFFFF  }
0xa7: {  	s28 =	simm.s32 $_size_execute0_lowered;
	s2 =	sadd.s32 s2, s4;
	[dreg:$0x0] =	wrdreg $0x0  }
0xa8: {  	s4 =	sshll.u32 s28, $0x1;
	[dreg:$0x2] =	wrdreg s2  }
0xa9: {  	[dreg:$0x3] =	wrdreg s4  }
0xaa: {  	[dreg:$0x4] =	wrdreg $0xC0  }
0xab: {  	_ =	task [dreg:s6], $0x5FFFF  }
0xac: {  	[dreg:$0x1] =	wrdreg $0xFFFFFFFF  }
0xad: {  	[dreg:$0x0] =	wrdreg $0x60  }
0xae: {  	[dreg:$0x2] =	wrdreg s24  }
0xaf: {  	[dreg:$0x3] =	wrdreg $0x9  }
0xb0: {  	_ =	task.clear_ibuf [dreg:s6], $0x4FFFF;
	_ =	strace $0x90000046  }
0xb1: {  	s29 =	simm.s32 $0x9;
	_ =	strace $0x80000048  }
0xb2: {  	_ =	swait.ge [sflag:s29], $0x1  }
0xb3: {  	[sflag:s29] =	ssyncadd.s32 $0xFFFFFFFF  }
0xb4: {  	_ =	strace $0x90000048  }
0xb5: {  	_ =	sfence  }
0xb6: {  	s30 =	sld [smem:$0x0];
	_ =	sdelay $0x2  }
0xb7: {  	s31 =	sshll.u32 s1, $0xD;
	s1 =	sshrl.u32 s1, $0x2  }
0xb8: {  	s3 =	sand.u32 $0x4000, s31;
	s1 =	sadd.s32 s1, s30  }
0xb9: {  	s0 =	sor.u32 s3, s0;
	s1 =	sshll.u32 s1, $0x11  }
0xba: {  	s0 =	sor.u32 s1, s0  }
0xbb: {  	s0 =	sadd.s32 $0x8F2B, s0  }
0xbc: {  	[sflag:s0] =	ssyncadd.remote.s32 $0x1  }
0xbd: {  	_ =	sfence.sel $0xFFFF  }
0xbe: {  	[dreg:$0x0] =	wrdreg $0xFFFFFFFF;
	(pc) =	sbr.abs _section_cstart, $3  }
0xbf: {  	[dreg:$0x1] =	wrdreg $0xFFFFFFFF  }
0xc0: {  	_ =	task.clear_ibuf [dreg:s6], $0x2FFFF;
	_ =	strace $0x9FFFFFFF  }
0xc1: {  	(tm) =	ssettm $0x7FFFFFFF  }
tec
execute0_lowered:
.L_overlay_start_1:
0x0: {  	(tag) =	ssettag $0x1  }
0x1: {  	s4 =	rddreg [dreg:$0x0]  }
0x2: {  	s0 =	rddreg [dreg:$0x1];
	s3 =	srdreg.scid  }
0x3: {  	s1 =	stileid.u32;
	s2 =	simm.s32 $0x0;
	s10 =	simm.s32 $0x100  }
0x4: {  	s11 =	simm.s32 $0x200;
	s12 =	simm.s32 $0x300;
	s13 =	simm.s32 $0x400  }
0x5: {  	s3 =	sand.u32 $0x1, s3;
	s5 =	sshll.u32 s1, $0x1;
	[smem:$0x7FF] =	sst s2  }
0x6: {  	s5 =	sor.u32 s3, s5;
	_ =	strace $0x80000047;
	s6 =	ssub.s32 $0x2, s3  }
0x7: {  	s31 =	sshll.u32 s5, $0x5;
	s5 =	sshll.u32 s5, $0x7;
	s7 =	sshrl.u32 s6, $0x1  }
0x8: {  	s3 =	sadd.s32 s4, s31;
	s8 =	sadd.s32 s5, s4;
	s9 =	ssub.s32 s6, s7  }
0x9: {  	s4 =	sadd.s32 $0x400, s3;
	s5 =	sadd.s32 $0x800, s3;
	s6 =	sadd.s32 $0xC00, s3  }
0xa: {  	s7 =	sadd.s32 $0x1000, s8;
	s8 =	smax.u32 s9, $0x1;
	s9 =	simm.s32 $0x1  }
.LBB2_1:
0xb: {  	[tilespmem:s2], [sflag:$0x1] =	stream.linear.gather [hbm4b:s3+s2], $0x100, $0x38;
	[tilespmem:$0x800] =	vst v63  }
0xc: {  	_ =	swait.ge [sflag:s9], $0x100  }
0xd: {  	[sflag:s9] =	ssyncset.done $0x0  }
0xe: {  	[sflag:s9] =	ssyncadd.s32 $0xFFFFFF00  }
0xf: {  	[tilespmem:s10], [sflag:$0x1] =	stream.linear.gather [hbm4b:s4+s2], $0x100, $0x38;
	[tilespmem:$0x800] =	vst v63  }
0x10: {  	_ =	swait.ge [sflag:s9], $0x100  }
0x11: {  	[sflag:s9] =	ssyncset.done $0x0  }
0x12: {  	[sflag:s9] =	ssyncadd.s32 $0xFFFFFF00  }
0x13: {  	[tilespmem:s11], [sflag:$0x1] =	stream.linear.gather [hbm4b:s5+s2], $0x100, $0x38;
	[tilespmem:$0x800] =	vst v63  }
0x14: {  	_ =	swait.ge [sflag:s9], $0x100  }
0x15: {  	[sflag:s9] =	ssyncset.done $0x0  }
0x16: {  	[sflag:s9] =	ssyncadd.s32 $0xFFFFFF00  }
0x17: {  	[tilespmem:s12], [sflag:$0x1] =	stream.linear.gather [hbm4b:s6+s2], $0x100, $0x38;
	[tilespmem:$0x800] =	vst v63  }
0x18: {  	_ =	swait.ge [sflag:s9], $0x100  }
0x19: {  	[sflag:s9] =	ssyncset.done $0x0  }
0x1a: {  	[sflag:s9] =	ssyncadd.s32 $0xFFFFFF00  }
0x1b: {  	v0 =	vld [tilespmem:$0x0];
	_ =	sdelay $0x4  }
0x1c: {  	v1 =	vadd.s32 $0xFFFFFFFB, v0;
	v2 =	vadd.s32 $0xFFFFFFF4, v0  }
0x1d: {  	v8 =	vadd.s32 $0xFFFFFFE9, v0;
	v11 =	vadd.s32 $0xFFFFFFDB, v0;
	v14 =	vadd.s32 $0xFFFFFFD7, v0  }
0x1e: {  	v17 =	vadd.s32 $0xFFFFFFC6, v0;
	v20 =	vadd.s32 $0xFFFFFFBE, v0;
	v23 =	vadd.s32 $0xFFFFFFB6, v0  }
0x1f: {  	v26 =	vadd.s32 $0xFFFFFFA7, v0;
	v3 =	vsub.s32 $0x0, v1;
	v4 =	vsub.s32 $0x0, v2  }
0x20: {  	v5 =	vld [tilespmem:$0x10];
	v29 =	vadd.s32 $0xFFFFFF9F, v0;
	v1 =	vmin.u32 v1, v3;
	v2 =	vmin.u32 v2, v4  }
0x21: {  	v32 =	vadd.s32 $0xFFFFFF99, v0;
	v9 =	vsub.s32 $0x0, v8;
	vm0 =	vlt.s32 v1, v2  }
0x22: {  	v35 =	vadd.s32 $0xFFFFFF8A, v0;
	v10 =	vmin.u32 v8, v9;
	v1 =	vsel vm0, v1, v2  }
0x23: {  	v38 =	vadd.s32 $0xFFFFFF81, v0;
	v12 =	vsub.s32 $0x0, v11;
	vm0 =	vlt.s32 v1, v10  }
0x24: {  	v41 =	vadd.s32 $0xFFFFFF7A, v0;
	v13 =	vmin.u32 v11, v12;
	v1 =	vsel vm0, v1, v10  }
0x25: {  	v44 =	vadd.s32 $0xFFFFFFFB, v5;
	v15 =	vsub.s32 $0x0, v14;
	vm0 =	vlt.s32 v1, v13  }
0x26: {  	v45 =	vadd.s32 $0xFFFFFFF4, v5;
	v16 =	vmin.u32 v14, v15;
	v1 =	vsel vm0, v1, v13  }
0x27: {  	v46 =	vadd.s32 $0xFFFFFF6B, v0;
	v18 =	vsub.s32 $0x0, v17;
	vm0 =	vlt.s32 v1, v16  }
0x28: {  	v47 =	vadd.s32 $0xFFFFFFE9, v5;
	v19 =	vmin.u32 v17, v18;
	v1 =	vsel vm0, v1, v16  }
0x29: {  	v50 =	vadd.s32 $0xFFFFFFDB, v5;
	v21 =	vsub.s32 $0x0, v20;
	vm0 =	vlt.s32 v1, v19  }
0x2a: {  	v53 =	vadd.s32 $0xFFFFFFD7, v5;
	v22 =	vmin.u32 v20, v21;
	v1 =	vsel vm0, v1, v19  }
0x2b: {  	v56 =	vadd.s32 $0xFFFFFFC6, v5;
	v24 =	vsub.s32 $0x0, v23;
	vm0 =	vlt.s32 v1, v22  }
0x2c: {  	v59 =	vadd.s32 $0xFFFFFFBE, v5;
	v25 =	vmin.u32 v23, v24;
	v1 =	vsel vm0, v1, v22  }
0x2d: {  	v60 =	vadd.s32 $0xFFFFFF65, v0;
	v27 =	vsub.s32 $0x0, v26;
	vm0 =	vlt.s32 v1, v25  }
0x2e: {  	v63 =	vadd.s32 $0xFFFFFFB6, v5;
	v28 =	vmin.u32 v26, v27;
	v1 =	vsel vm0, v1, v25  }
0x2f: {  	v0 =	vadd.s32 $0xFFFFF446, v0;
	v30 =	vsub.s32 $0x0, v29;
	vm0 =	vlt.s32 v1, v28  }
0x30: {  	v33 =	vsub.s32 $0x0, v32;
	v31 =	vmin.u32 v29, v30;
	v1 =	vsel vm0, v1, v28  }
0x31: {  	v36 =	vsub.s32 $0x0, v35;
	v39 =	vsub.s32 $0x0, v38;
	vm0 =	vlt.s32 v1, v31  }
0x32: {  	v42 =	vsub.s32 $0x0, v41;
	v34 =	vmin.u32 v32, v33;
	v1 =	vsel vm0, v1, v31  }
0x33: {  	v6 =	vsub.s32 $0x0, v44;
	v7 =	vsub.s32 $0x0, v45;
	vm0 =	vlt.s32 v1, v34  }
0x34: {  	v48 =	vsub.s32 $0x0, v46;
	v37 =	vmin.u32 v35, v36;
	v1 =	vsel vm0, v1, v34  }
0x35: {  	v51 =	vsub.s32 $0x0, v50;
	v54 =	vsub.s32 $0x0, v53;
	vm0 =	vlt.s32 v1, v37  }
0x36: {  	v40 =	vmin.u32 v38, v39;
	v43 =	vmin.u32 v41, v42;
	v1 =	vsel vm0, v1, v37  }
0x37: {  	v3 =	vmin.u32 v45, v7;
	v2 =	vmin.u32 v44, v6;
	vm0 =	vlt.s32 v1, v40  }
0x38: {  	v8 =	vsub.s32 $0x0, v47;
	vm8 =	vlt.s32 v2, v3;
	v1 =	vsel vm0, v1, v40  }
0x39: {  	v49 =	vmin.u32 v47, v8;
	v2 =	vsel vm8, v2, v3;
	vm0 =	vlt.s32 v1, v43  }
0x3a: {  	v57 =	vsub.s32 $0x0, v56;
	v1 =	vsel vm0, v1, v43;
	vm0 =	vlt.s32 v2, v49  }
0x3b: {  	v61 =	vsub.s32 $0x0, v59;
	v52 =	vmin.u32 v50, v51;
	v2 =	vsel vm0, v2, v49  }
0x3c: {  	v4 =	vmin.u32 v46, v48;
	v55 =	vmin.u32 v53, v54;
	vm1 =	vlt.s32 v2, v52  }
0x3d: {  	v58 =	vmin.u32 v56, v57;
	v62 =	vmin.u32 v59, v61;
	v2 =	vsel vm1, v2, v52  }
0x3e: {  	v12 =	vsub.s32 $0x0, v60;
	v15 =	vadd.s32 $0xFFFFFFA7, v5;
	vm10 =	vlt.s32 v2, v55  }
0x3f: {  	v17 =	vadd.s32 $0xFFFFFF9F, v5;
	v20 =	vadd.s32 $0xFFFFFF99, v5;
	v2 =	vsel vm10, v2, v55  }
0x40: {  	v23 =	vadd.s32 $0xFFFFFF8A, v5;
	v26 =	vadd.s32 $0xFFFFFF81, v5;
	vm0 =	vlt.s32 v2, v58  }
0x41: {  	v27 =	vsub.s32 $0x0, v0;
	v45 =	vadd.s32 $0xFFFFF446, v5;
	v2 =	vsel vm0, v2, v58  }
0x42: {  	v6 =	vmin.u32 v60, v12;
	v13 =	vsub.s32 $0x0, v63;
	vm0 =	vlt.s32 v2, v62  }
0x43: {  	v14 =	vmin.u32 v63, v13;
	vm9 =	vlt.s32 v1, v4;
	v2 =	vsel vm0, v2, v62  }
0x44: {  	v16 =	vsub.s32 $0x0, v15;
	v1 =	vsel vm9, v1, v4;
	vm12 =	vlt.s32 v2, v14  }
0x45: {  	v3 =	vmin.u32 v15, v16;
	vm11 =	vlt.s32 v1, v6;
	v2 =	vsel vm12, v2, v14  }
0x46: {  	v18 =	vsub.s32 $0x0, v17;
	v10 =	vld [tilespmem:$0x300];
	v1 =	vsel vm11, v1, v6;
	vm13 =	vlt.s32 v2, v3  }
0x47: {  	v19 =	vmin.u32 v17, v18;
	vm0 =	vlt.s32 v1, $0x1;
	v2 =	vsel vm13, v2, v3  }
0x48: {  	v21 =	vsub.s32 $0x0, v20;
	v6 =	vnsel vm0, $0x1, v1;
	vm0 =	vlt.s32 v2, v19  }
0x49: {  	v24 =	vsub.s32 $0x0, v23;
	v22 =	vmin.u32 v20, v21;
	v2 =	vsel vm0, v2, v19  }
0x4a: {  	v0 =	vmin.u32 v0, v27;
	v12 =	vsub.s32 $0x0, v45;
	vm0 =	vlt.s32 v2, v22  }
0x4b: {  	v13 =	vsub.f32 $1.000000000e+00, v10;
	v25 =	vmin.u32 v23, v24;
	v2 =	vsel vm0, v2, v22  }
0x4c: {  	v28 =	vsub.s32 $0x0, v26;
	v31 =	vadd.s32 $0xFFFFFF7A, v5;
	vm0 =	vlt.s32 v2, v25  }
0x4d: {  	v29 =	vmin.u32 v26, v28;
	v33 =	vsub.s32 $0x0, v31;
	v2 =	vsel vm0, v2, v25  }
0x4e: {  	v30 =	vld [tilespmem:$0x200];
	v34 =	vadd.s32 $0xFFFFFF6B, v5;
	v0 =	vmul.u32 v0, v1;
	vm0 =	vlt.s32 v2, v29  }
0x4f: {  	v32 =	vld [tilespmem:$0x100];
	v35 =	vsub.s32 $0x0, v34;
	v1 =	vmin.u32 v31, v33;
	v2 =	vsel vm0, v2, v29  }
0x50: {  	v36 =	vmin.u32 v34, v35;
	vm14 =	vlt.s32 v0, $0x1;
	vm15 =	vlt.s32 v2, v1  }
0x51: {  	v37 =	vadd.s32 $0xFFFFFF65, v5;
	v0 =	vnsel vm14, $0x1, v0;
	v1 =	vsel vm15, v2, v1  }
0x52: {  	v9 =	vsub.s32 $0x0, v37;
	v40 =	vcvt.s32.f32 v0;
	vm0 =	vlt.s32 v1, v36  }
0x53: {  	v39 =	vmin.u32 v37, v9;
	v6 =	vsub.s32 $0x1, v6;
	v1 =	vsel vm0, v1, v36  }
0x54: {  	v21 =	vld [tilespmem:$0x310];
	v43 =	vmul.f32 v40, v30;
	v46 =	vmul.f32 v40, v32;
	vm0 =	vlt.s32 v1, v39  }
0x55: {  	v6 =	vcvt.s32.f32 v6;
	v3 =	vmin.u32 v45, v12;
	v1 =	vsel vm0, v1, v39  }
0x56: {  	v44 =	vld [tilespmem:$0x210];
	v15 =	vadd.f32 $0.0e+00, v43;
	v5 =	vadd.f32 $0.0e+00, v46;
	vm0 =	vlt.s32 v1, $0x1  }
0x57: {  	v47 =	vld [tilespmem:$0x110];
	v38 =	vmul.f32 v6, v30;
	v11 =	vmul.f32 v6, v32;
	v48 =	vnsel vm0, $0x1, v1  }
0x58: {  	v49 =	vsub.f32 $1.000000000e+00, v6;
	v1 =	vmul.u32 v3, v1;
	v7 =	vsub.s32 $0x1, v48  }
0x59: {  	v50 =	vmul.f32 v6, v10;
	v32 =	vsub.f32 $1.000000000e+00, v21;
	v14 =	vcvt.s32.f32 v7  }
0x5a: {  	v41 =	vadd.f32 $0.0e+00, v38;
	v42 =	vadd.f32 $0.0e+00, v11;
	vm4 =	vlt.s32 v1, $0x1  }
0x5b: {  	v51 =	vmul.f32 v49, v13;
	v7 =	vld [tilespmem:$0x20];
	v1 =	vnsel vm4, $0x1, v1;
	v52 =	vmul.f32 v14, v44  }
0x5c: {  	v53 =	vadd.f32 $0.0e+00, v50;
	v54 =	vmul.f32 v14, v47;
	v16 =	vcvt.s32.f32 v1  }
0x5d: {  	v0 =	vadd.f32 v14, v6;
	v28 =	vmul.f32 v14, v21;
	v14 =	vsub.f32 $1.000000000e+00, v14  }
0x5e: {  	v3 =	vadd.f32 $0.0e+00, v51;
	v2 =	vadd.f32 v52, v41;
	v4 =	vmul.f32 v16, v44  }
0x5f: {  	v1 =	vadd.f32 v54, v42;
	v11 =	vmul.f32 v16, v47;
	v12 =	vmul.f32 v14, v32  }
0x60: {  	v55 =	vadd.s32 $0xFFFFFFFB, v7;
	v56 =	vadd.s32 $0xFFFFFFF4, v7;
	v60 =	vadd.s32 $0xFFFFFFE9, v7  }
0x61: {  	v63 =	vadd.s32 $0xFFFFFFDB, v7;
	v19 =	vadd.s32 $0xFFFFFFD7, v7;
	v22 =	vadd.s32 $0xFFFFFFC6, v7  }
0x62: {  	v25 =	vadd.s32 $0xFFFFFFBE, v7;
	v27 =	vadd.s32 $0xFFFFFFB6, v7;
	v31 =	vadd.s32 $0xFFFFFFA7, v7  }
0x63: {  	v34 =	vadd.s32 $0xFFFFFF9F, v7;
	v36 =	vadd.s32 $0xFFFFFF99, v7;
	v42 =	vadd.s32 $0xFFFFFF8A, v7  }
0x64: {  	v49 =	vadd.s32 $0xFFFFFF81, v7;
	v57 =	vsub.s32 $0x0, v55;
	v58 =	vsub.s32 $0x0, v56  }
0x65: {  	v61 =	vsub.s32 $0x0, v60;
	v6 =	vmin.u32 v55, v57;
	v59 =	vmin.u32 v56, v58  }
0x66: {  	v4 =	vadd.f32 v4, v15;
	v17 =	vsub.s32 $0x0, v63;
	vm5 =	vlt.s32 v6, v59  }
0x67: {  	v20 =	vsub.s32 $0x0, v19;
	v62 =	vmin.u32 v60, v61;
	v6 =	vsel vm5, v6, v59  }
0x68: {  	v23 =	vsub.s32 $0x0, v22;
	v26 =	vsub.s32 $0x0, v25;
	vm0 =	vlt.s32 v6, v62  }
0x69: {  	v29 =	vsub.s32 $0x0, v27;
	v18 =	vmin.u32 v63, v17;
	v6 =	vsel vm0, v6, v62  }
0x6a: {  	v33 =	vsub.s32 $0x0, v31;
	v35 =	vsub.s32 $0x0, v34;
	vm0 =	vlt.s32 v6, v18  }
0x6b: {  	v37 =	vsub.s32 $0x0, v36;
	v10 =	vmin.u32 v19, v20;
	v8 =	vsel vm0, v6, v18  }
0x6c: {  	v44 =	vsub.s32 $0x0, v42;
	v51 =	vsub.s32 $0x0, v49;
	vm0 =	vlt.s32 v8, v10  }
0x6d: {  	v3 =	vadd.f32 v12, v3;
	v24 =	vmin.u32 v22, v23;
	v8 =	vsel vm0, v8, v10  }
0x6e: {  	v9 =	vmin.u32 v25, v26;
	v30 =	vmin.u32 v27, v29;
	vm0 =	vlt.s32 v8, v24  }
0x6f: {  	v15 =	vmin.u32 v34, v35;
	v14 =	vmin.u32 v42, v44;
	v8 =	vsel vm0, v8, v24  }
0x70: {  	v56 =	vadd.s32 $0xFFFFFF7A, v7;
	v63 =	vadd.s32 $0xFFFFFF6B, v7;
	vm0 =	vlt.s32 v8, v9  }
0x71: {  	v25 =	vadd.s32 $0xFFFFFF65, v7;
	v7 =	vadd.s32 $0xFFFFF446, v7;
	v8 =	vsel vm0, v8, v9  }
0x72: {  	v58 =	vsub.s32 $0x0, v56;
	v20 =	vsub.s32 $0x0, v63;
	v9 =	vld [tilespmem:$0x30];
	vm0 =	vlt.s32 v8, v30  }
0x73: {  	v27 =	vsub.s32 $0x0, v25;
	v10 =	vmin.u32 v31, v33;
	v8 =	vsel vm0, v8, v30  }
0x74: {  	v6 =	vadd.f32 v11, v5;
	v5 =	vadd.f32 v16, v40;
	vm0 =	vlt.s32 v8, v10  }
0x75: {  	v11 =	vmin.u32 v36, v37;
	v36 =	vsub.s32 $0x0, v7;
	v10 =	vsel vm0, v8, v10  }
0x76: {  	v7 =	vmin.u32 v7, v36;
	v8 =	vadd.f32 v28, v53;
	vm0 =	vlt.s32 v10, v15  }
0x77: {  	v38 =	vadd.s32 $0xFFFFFFFB, v9;
	v39 =	vadd.s32 $0xFFFFFFF4, v9;
	v45 =	vadd.s32 $0xFFFFFFE9, v9  }
0x78: {  	v47 =	vadd.s32 $0xFFFFFFDB, v9;
	v52 =	vadd.s32 $0xFFFFFFD7, v9;
	v54 =	vadd.s32 $0xFFFFFFC6, v9  }
0x79: {  	v59 =	vadd.s32 $0xFFFFFFBE, v9;
	v61 =	vadd.s32 $0xFFFFFFB6, v9;
	v21 =	vadd.s32 $0xFFFFFFA7, v9  }
0x7a: {  	v23 =	vadd.s32 $0xFFFFFF9F, v9;
	v28 =	vadd.s32 $0xFFFFFF99, v9;
	v30 =	vadd.s32 $0xFFFFFF8A, v9  }
0x7b: {  	v34 =	vadd.s32 $0xFFFFFF81, v9;
	v37 =	vadd.s32 $0xFFFFFF7A, v9;
	v42 =	vadd.s32 $0xFFFFFF6B, v9  }
0x7c: {  	v10 =	vsel vm0, v10, v15;
	v40 =	vsub.s32 $0x0, v38;
	v41 =	vsub.s32 $0x0, v39  }
0x7d: {  	v46 =	vsub.s32 $0x0, v45;
	v48 =	vsub.s32 $0x0, v47;
	vm0 =	vlt.s32 v10, v11  }
0x7e: {  	v43 =	vmin.u32 v39, v41;
	v10 =	vsel vm0, v10, v11;
	v11 =	vmin.u32 v38, v40  }
0x7f: {  	v53 =	vsub.s32 $0x0, v52;
	v55 =	vsub.s32 $0x0, v54;
	vm6 =	vlt.s32 v11, v43  }
0x80: {  	v60 =	vsub.s32 $0x0, v59;
	v13 =	vmin.u32 v45, v46;
	v11 =	vsel vm6, v11, v43  }
0x81: {  	v62 =	vsub.s32 $0x0, v61;
	v22 =	vsub.s32 $0x0, v21;
	vm8 =	vlt.s32 v11, v13  }
0x82: {  	v24 =	vsub.s32 $0x0, v23;
	v50 =	vmin.u32 v47, v48;
	v11 =	vsel vm8, v11, v13  }
0x83: {  	v29 =	vsub.s32 $0x0, v28;
	v31 =	vsub.s32 $0x0, v30;
	vm0 =	vlt.s32 v11, v50  }
0x84: {  	v35 =	vsub.s32 $0x0, v34;
	v13 =	vmin.u32 v52, v53;
	v11 =	vsel vm0, v11, v50  }
0x85: {  	v57 =	vmin.u32 v54, v55;
	v19 =	vmin.u32 v61, v62;
	vm10 =	vlt.s32 v11, v13  }
0x86: {  	v26 =	vmin.u32 v23, v24;
	v32 =	vmin.u32 v30, v31;
	v11 =	vsel vm10, v11, v13  }
0x87: {  	v45 =	vadd.s32 $0xFFFFFF65, v9;
	v9 =	vadd.s32 $0xFFFFF446, v9;
	vm0 =	vlt.s32 v11, v57  }
0x88: {  	vm7 =	vlt.s32 v10, v14;
	v13 =	vmin.u32 v59, v60;
	v11 =	vsel vm0, v11, v57  }
0x89: {  	v10 =	vsel vm7, v10, v14;
	v14 =	vmin.u32 v49, v51;
	vm12 =	vlt.s32 v11, v13  }
0x8a: {  	v38 =	vsub.s32 $0x0, v37;
	vm9 =	vlt.s32 v10, v14;
	v11 =	vsel vm12, v11, v13  }
0x8b: {  	v10 =	vsel vm9, v10, v14;
	v14 =	vmin.u32 v56, v58;
	vm0 =	vlt.s32 v11, v19  }
0x8c: {  	vm11 =	vlt.s32 v10, v14;
	v13 =	vmin.u32 v21, v22;
	v11 =	vsel vm0, v11, v19  }
0x8d: {  	v10 =	vsel vm11, v10, v14;
	v14 =	vmin.u32 v63, v20;
	vm14 =	vlt.s32 v11, v13  }
0x8e: {  	v47 =	vld [tilespmem:$0x320];
	v17 =	vsub.s32 $0x0, v45;
	vm13 =	vlt.s32 v10, v14;
	v11 =	vsel vm14, v11, v13  }
0x8f: {  	v40 =	vmin.u32 v37, v38;
	v10 =	vsel vm13, v10, v14;
	vm0 =	vlt.s32 v11, v26  }
0x90: {  	v14 =	vmin.u32 v25, v27;
	v13 =	vmin.u32 v28, v29;
	v11 =	vsel vm0, v11, v26  }
0x91: {  	v43 =	vsub.s32 $0x0, v42;
	vm15 =	vlt.s32 v10, v14;
	vm4 =	vlt.s32 v11, v13  }
0x92: {  	v53 =	vsub.s32 $0x0, v9;
	v10 =	vsel vm15, v10, v14;
	v11 =	vsel vm4, v11, v13  }
0x93: {  	v54 =	vsub.f32 $1.000000000e+00, v47;
	vm5 =	vlt.s32 v10, $0x1;
	vm6 =	vlt.s32 v11, v32  }
0x94: {  	v39 =	vld [tilespmem:$0x220];
	v7 =	vmul.u32 v7, v10;
	v13 =	vmin.u32 v34, v35;
	v11 =	vsel vm6, v11, v32  }
0x95: {  	v41 =	vld [tilespmem:$0x120];
	v9 =	vmin.u32 v9, v53;
	v33 =	vnsel vm5, $0x1, v10;
	vm0 =	vlt.s32 v11, v13  }
0x96: {  	v14 =	vsub.s32 $0x1, v33;
	vm7 =	vlt.s32 v7, $0x1;
	v11 =	vsel vm0, v11, v13  }
0x97: {  	v14 =	vcvt.s32.f32 v14;
	v7 =	vnsel vm7, $0x1, v7;
	vm0 =	vlt.s32 v11, v40  }
0x98: {  	v44 =	vcvt.s32.f32 v7;
	v13 =	vmin.u32 v42, v43;
	v11 =	vsel vm0, v11, v40  }
0x99: {  	v7 =	vmin.u32 v45, v17;
	v46 =	vmul.f32 v14, v39;
	vm8 =	vlt.s32 v11, v13  }
0x9a: {  	v48 =	vmul.f32 v14, v41;
	v55 =	vsub.f32 $1.000000000e+00, v14;
	v11 =	vsel vm8, v11, v13  }
0x9b: {  	v0 =	vadd.f32 v14, v0;
	v12 =	vmul.f32 v14, v47;
	vm0 =	vlt.s32 v11, v7  }
0x9c: {  	v50 =	vld [tilespmem:$0x230];
	v10 =	vmul.f32 v44, v39;
	v49 =	vmul.f32 v44, v41;
	v7 =	vsel vm0, v11, v7  }
0x9d: {  	v5 =	vadd.f32 v44, v5;
	v2 =	vadd.f32 v46, v2;
	v26 =	vld [tilespmem:$0x330];
	vm0 =	vlt.s32 v7, $0x1  }
0x9e: {  	v51 =	vld [tilespmem:$0x130];
	v1 =	vadd.f32 v48, v1;
	v9 =	vmul.u32 v9, v7;
	v52 =	vnsel vm0, $0x1, v7  }
0x9f: {  	v56 =	vmul.f32 v55, v54;
	v8 =	vadd.f32 v12, v8;
	v7 =	vld [tilespmem:$0x40];
	v13 =	vsub.s32 $0x1, v52  }
0xa0: {  	v4 =	vadd.f32 v10, v4;
	vm9 =	vlt.s32 v9, $0x1;
	v13 =	vcvt.s32.f32 v13  }
0xa1: {  	v6 =	vadd.f32 v49, v6;
	v3 =	vadd.f32 v56, v3;
	v9 =	vnsel vm9, $0x1, v9  }
0xa2: {  	v37 =	vsub.f32 $1.000000000e+00, v26;
	v9 =	vcvt.s32.f32 v9;
	v57 =	vmul.f32 v13, v50  }
0xa3: {  	v58 =	vmul.f32 v13, v51;
	v0 =	vadd.f32 v13, v0;
	v33 =	vmul.f32 v13, v26  }
0xa4: {  	v13 =	vsub.f32 $1.000000000e+00, v13;
	v59 =	vadd.s32 $0xFFFFFFFB, v7;
	v60 =	vadd.s32 $0xFFFFFFF4, v7  }
0xa5: {  	v63 =	vadd.s32 $0xFFFFFFE9, v7;
	v10 =	vmul.f32 v9, v50;
	v22 =	vadd.s32 $0xFFFFFFDB, v7  }
0xa6: {  	v24 =	vadd.s32 $0xFFFFFFD7, v7;
	v11 =	vmul.f32 v9, v51;
	v28 =	vadd.s32 $0xFFFFFFC6, v7  }
0xa7: {  	v30 =	vadd.s32 $0xFFFFFFBE, v7;
	v5 =	vadd.f32 v9, v5;
	v32 =	vadd.s32 $0xFFFFFFB6, v7  }
0xa8: {  	v36 =	vadd.s32 $0xFFFFFFA7, v7;
	v61 =	vsub.s32 $0x0, v59;
	v62 =	vsub.s32 $0x0, v60  }
0xa9: {  	v39 =	vadd.s32 $0xFFFFFF9F, v7;
	v12 =	vmin.u32 v59, v61;
	v14 =	vmin.u32 v60, v62  }
0xaa: {  	v42 =	vadd.s32 $0xFFFFFF99, v7;
	v20 =	vsub.s32 $0x0, v63;
	vm10 =	vlt.s32 v12, v14  }
0xab: {  	v49 =	vadd.s32 $0xFFFFFF8A, v7;
	v21 =	vmin.u32 v63, v20;
	v12 =	vsel vm10, v12, v14  }
0xac: {  	v56 =	vadd.s32 $0xFFFFFF81, v7;
	v23 =	vsub.s32 $0x0, v22;
	vm0 =	vlt.s32 v12, v21  }
0xad: {  	v4 =	vadd.f32 v10, v4;
	v10 =	vmin.u32 v22, v23;
	v12 =	vsel vm0, v12, v21  }
0xae: {  	v26 =	vadd.s32 $0xFFFFFF6B, v7;
	v25 =	vsub.s32 $0x0, v24;
	vm0 =	vlt.s32 v12, v10  }
0xaf: {  	v2 =	vadd.f32 v57, v2;
	v27 =	vmin.u32 v24, v25;
	v10 =	vsel vm0, v12, v10  }
0xb0: {  	v1 =	vadd.f32 v58, v1;
	v29 =	vsub.s32 $0x0, v28;
	vm0 =	vlt.s32 v10, v27  }
0xb1: {  	v6 =	vadd.f32 v11, v6;
	v11 =	vmin.u32 v28, v29;
	v10 =	vsel vm0, v10, v27  }
0xb2: {  	v31 =	vsub.s32 $0x0, v30;
	v34 =	vsub.s32 $0x0, v32;
	vm0 =	vlt.s32 v10, v11  }
0xb3: {  	v38 =	vsub.s32 $0x0, v36;
	v9 =	vmin.u32 v30, v31;
	v10 =	vsel vm0, v10, v11  }
0xb4: {  	v40 =	vsub.s32 $0x0, v39;
	v8 =	vadd.f32 v33, v8;
	vm0 =	vlt.s32 v10, v9  }
0xb5: {  	v43 =	vsub.s32 $0x0, v42;
	v35 =	vmin.u32 v32, v34;
	v9 =	vsel vm0, v10, v9  }
0xb6: {  	v13 =	vmul.f32 v13, v37;
	v51 =	vsub.s32 $0x0, v49;
	vm0 =	vlt.s32 v9, v35  }
0xb7: {  	v58 =	vsub.s32 $0x0, v56;
	v11 =	vmin.u32 v36, v38;
	v10 =	vsel vm0, v9, v35  }
0xb8: {  	v33 =	vadd.s32 $0xFFFFFF65, v7;
	v41 =	vmin.u32 v39, v40;
	v9 =	vld [tilespmem:$0x50];
	vm0 =	vlt.s32 v10, v11  }
0xb9: {  	v44 =	vmin.u32 v42, v43;
	v63 =	vadd.s32 $0xFFFFFF7A, v7;
	v10 =	vsel vm0, v10, v11  }
0xba: {  	v28 =	vsub.s32 $0x0, v26;
	v7 =	vadd.s32 $0xFFFFF446, v7;
	vm0 =	vlt.s32 v10, v41  }
0xbb: {  	v3 =	vadd.f32 v13, v3;
	v14 =	vmin.u32 v49, v51;
	v10 =	vsel vm0, v10, v41  }
0xbc: {  	v21 =	vsub.s32 $0x0, v63;
	v35 =	vsub.s32 $0x0, v33;
	vm0 =	vlt.s32 v10, v44  }
0xbd: {  	v45 =	vadd.s32 $0xFFFFFFFB, v9;
	v46 =	vadd.s32 $0xFFFFFFF4, v9;
	v52 =	vadd.s32 $0xFFFFFFE9, v9  }
0xbe: {  	v54 =	vadd.s32 $0xFFFFFFDB, v9;
	v59 =	vadd.s32 $0xFFFFFFD7, v9;
	v61 =	vadd.s32 $0xFFFFFFC6, v9  }
0xbf: {  	v22 =	vadd.s32 $0xFFFFFFBE, v9;
	v24 =	vadd.s32 $0xFFFFFFB6, v9;
	v29 =	vadd.s32 $0xFFFFFFA7, v9  }
0xc0: {  	v31 =	vadd.s32 $0xFFFFFF9F, v9;
	v36 =	vadd.s32 $0xFFFFFF99, v9;
	v38 =	vadd.s32 $0xFFFFFF8A, v9  }
0xc1: {  	v42 =	vadd.s32 $0xFFFFFF81, v9;
	v10 =	vsel vm0, v10, v44;
	v47 =	vsub.s32 $0x0, v45  }
0xc2: {  	v48 =	vsub.s32 $0x0, v46;
	v53 =	vsub.s32 $0x0, v52;
	v55 =	vsub.s32 $0x0, v54  }
0xc3: {  	v60 =	vsub.s32 $0x0, v59;
	v62 =	vsub.s32 $0x0, v61;
	v23 =	vsub.s32 $0x0, v22  }
0xc4: {  	v25 =	vsub.s32 $0x0, v24;
	v11 =	vmin.u32 v45, v47;
	v50 =	vmin.u32 v46, v48  }
0xc5: {  	v30 =	vsub.s32 $0x0, v29;
	v32 =	vsub.s32 $0x0, v31;
	vm11 =	vlt.s32 v11, v50  }
0xc6: {  	v37 =	vsub.s32 $0x0, v36;
	v12 =	vmin.u32 v52, v53;
	v11 =	vsel vm11, v11, v50  }
0xc7: {  	v39 =	vsub.s32 $0x0, v38;
	v43 =	vsub.s32 $0x0, v42;
	vm13 =	vlt.s32 v11, v12  }
0xc8: {  	v44 =	vsub.s32 $0x0, v7;
	v57 =	vmin.u32 v54, v55;
	v11 =	vsel vm13, v11, v12  }
0xc9: {  	vm12 =	vlt.s32 v10, v14;
	v20 =	vmin.u32 v61, v62;
	vm0 =	vlt.s32 v11, v57  }
0xca: {  	v27 =	vmin.u32 v24, v25;
	v12 =	vmin.u32 v59, v60;
	v11 =	vsel vm0, v11, v57  }
0xcb: {  	v34 =	vmin.u32 v31, v32;
	v40 =	vmin.u32 v38, v39;
	vm15 =	vlt.s32 v11, v12  }
0xcc: {  	v45 =	vadd.s32 $0xFFFFFF7A, v9;
	v7 =	vmin.u32 v7, v44;
	v11 =	vsel vm15, v11, v12  }
0xcd: {  	v53 =	vadd.s32 $0xFFFFFF65, v9;
	v10 =	vsel vm12, v10, v14;
	vm0 =	vlt.s32 v11, v20  }
0xce: {  	v14 =	vmin.u32 v56, v58;
	v12 =	vmin.u32 v22, v23;
	v11 =	vsel vm0, v11, v20  }
0xcf: {  	v46 =	vsub.s32 $0x0, v45;
	v55 =	vsub.s32 $0x0, v53;
	vm5 =	vlt.s32 v11, v12  }
0xd0: {  	vm14 =	vlt.s32 v10, v14;
	v48 =	vmin.u32 v45, v46;
	v11 =	vsel vm5, v11, v12  }
0xd1: {  	v10 =	vsel vm14, v10, v14;
	v14 =	vmin.u32 v63, v21;
	vm0 =	vlt.s32 v11, v27  }
0xd2: {  	vm4 =	vlt.s32 v10, v14;
	v12 =	vmin.u32 v29, v30;
	v11 =	vsel vm0, v11, v27  }
0xd3: {  	v10 =	vsel vm4, v10, v14;
	v14 =	vmin.u32 v26, v28;
	vm7 =	vlt.s32 v11, v12  }
0xd4: {  	v50 =	vadd.s32 $0xFFFFFF6B, v9;
	vm6 =	vlt.s32 v10, v14;
	v11 =	vsel vm7, v11, v12  }
0xd5: {  	v9 =	vadd.s32 $0xFFFFF446, v9;
	v10 =	vsel vm6, v10, v14;
	vm0 =	vlt.s32 v11, v34  }
0xd6: {  	v56 =	vld [tilespmem:$0x340];
	v14 =	vmin.u32 v33, v35;
	v12 =	vmin.u32 v36, v37;
	v11 =	vsel vm0, v11, v34  }
0xd7: {  	v51 =	vsub.s32 $0x0, v50;
	vm8 =	vlt.s32 v10, v14;
	vm9 =	vlt.s32 v11, v12  }
0xd8: {  	v62 =	vsub.s32 $0x0, v9;
	v33 =	vld [tilespmem:$0x350];
	v10 =	vsel vm8, v10, v14;
	v11 =	vsel vm9, v11, v12  }
0xd9: {  	v9 =	vmin.u32 v9, v62;
	vm10 =	vlt.s32 v10, $0x1;
	vm11 =	vlt.s32 v11, v40  }
0xda: {  	v49 =	vld [tilespmem:$0x140];
	v7 =	vmul.u32 v7, v10;
	v12 =	vmin.u32 v42, v43;
	v11 =	vsel vm11, v11, v40  }
0xdb: {  	v47 =	vld [tilespmem:$0x240];
	v63 =	vsub.f32 $1.000000000e+00, v56;
	v41 =	vnsel vm10, $0x1, v10;
	vm0 =	vlt.s32 v11, v12  }
0xdc: {  	v14 =	vsub.s32 $0x1, v41;
	vm12 =	vlt.s32 v7, $0x1;
	v11 =	vsel vm0, v11, v12  }
0xdd: {  	v44 =	vsub.f32 $1.000000000e+00, v33;
	v14 =	vcvt.s32.f32 v14;
	vm0 =	vlt.s32 v11, v48  }
0xde: {  	v7 =	vnsel vm12, $0x1, v7;
	v12 =	vmin.u32 v50, v51;
	v11 =	vsel vm0, v11, v48  }
0xdf: {  	v52 =	vcvt.s32.f32 v7;
	v7 =	vmin.u32 v53, v55;
	vm13 =	vlt.s32 v11, v12  }
0xe0: {  	v54 =	vmul.f32 v14, v47;
	v57 =	vmul.f32 v14, v49;
	v11 =	vsel vm13, v11, v12  }
0xe1: {  	v18 =	vsub.f32 $1.000000000e+00, v14;
	v0 =	vadd.f32 v14, v0;
	vm0 =	vlt.s32 v11, v7  }
0xe2: {  	v13 =	vmul.f32 v14, v56;
	v10 =	vmul.f32 v52, v47;
	v7 =	vsel vm0, v11, v7  }
0xe3: {  	v59 =	vld [tilespmem:$0x250];
	v58 =	vmul.f32 v52, v49;
	v5 =	vadd.f32 v52, v5;
	vm0 =	vlt.s32 v7, $0x1  }
0xe4: {  	v60 =	vld [tilespmem:$0x150];
	v2 =	vadd.f32 v54, v2;
	v9 =	vmul.u32 v9, v7;
	v61 =	vnsel vm0, $0x1, v7  }
0xe5: {  	v1 =	vadd.f32 v57, v1;
	v19 =	vmul.f32 v18, v63;
	v7 =	vld [tilespmem:$0x60];
	v12 =	vsub.s32 $0x1, v61  }
0xe6: {  	v8 =	vadd.f32 v13, v8;
	vm14 =	vlt.s32 v9, $0x1;
	v12 =	vcvt.s32.f32 v12  }
0xe7: {  	v4 =	vadd.f32 v10, v4;
	v6 =	vadd.f32 v58, v6;
	v9 =	vnsel vm14, $0x1, v9  }
0xe8: {  	v3 =	vadd.f32 v19, v3;
	v9 =	vcvt.s32.f32 v9;
	v20 =	vmul.f32 v12, v59  }
0xe9: {  	v21 =	vmul.f32 v12, v60;
	v0 =	vadd.f32 v12, v0;
	v40 =	vmul.f32 v12, v33  }
0xea: {  	v12 =	vsub.f32 $1.000000000e+00, v12;
	v22 =	vadd.s32 $0xFFFFFFFB, v7;
	v23 =	vadd.s32 $0xFFFFFFF4, v7  }
0xeb: {  	v26 =	vadd.s32 $0xFFFFFFE9, v7;
	v10 =	vmul.f32 v9, v59;
	v29 =	vadd.s32 $0xFFFFFFDB, v7  }
0xec: {  	v31 =	vadd.s32 $0xFFFFFFD7, v7;
	v11 =	vmul.f32 v9, v60;
	v35 =	vadd.s32 $0xFFFFFFC6, v7  }
0xed: {  	v37 =	vadd.s32 $0xFFFFFFBE, v7;
	v5 =	vadd.f32 v9, v5;
	v39 =	vadd.s32 $0xFFFFFFB6, v7  }
0xee: {  	v43 =	vadd.s32 $0xFFFFFFA7, v7;
	v46 =	vadd.s32 $0xFFFFFF9F, v7;
	v49 =	vadd.s32 $0xFFFFFF99, v7  }
0xef: {  	v56 =	vadd.s32 $0xFFFFFF8A, v7;
	v24 =	vsub.s32 $0x0, v22;
	v25 =	vsub.s32 $0x0, v23  }
0xf0: {  	v63 =	vadd.s32 $0xFFFFFF81, v7;
	v13 =	vmin.u32 v22, v24;
	v14 =	vmin.u32 v23, v25  }
0xf1: {  	v2 =	vadd.f32 v20, v2;
	v27 =	vsub.s32 $0x0, v26;
	vm15 =	vlt.s32 v13, v14  }
0xf2: {  	v1 =	vadd.f32 v21, v1;
	v28 =	vmin.u32 v26, v27;
	v13 =	vsel vm15, v13, v14  }
0xf3: {  	v30 =	vsub.s32 $0x0, v29;
	v32 =	vsub.s32 $0x0, v31;
	vm0 =	vlt.s32 v13, v28  }
0xf4: {  	v4 =	vadd.f32 v10, v4;
	v10 =	vmin.u32 v29, v30;
	v13 =	vsel vm0, v13, v28  }
0xf5: {  	v36 =	vsub.s32 $0x0, v35;
	v38 =	vsub.s32 $0x0, v37;
	vm0 =	vlt.s32 v13, v10  }
0xf6: {  	v41 =	vsub.s32 $0x0, v39;
	v34 =	vmin.u32 v31, v32;
	v10 =	vsel vm0, v13, v10  }
0xf7: {  	v45 =	vsub.s32 $0x0, v43;
	v47 =	vsub.s32 $0x0, v46;
	vm0 =	vlt.s32 v10, v34  }
0xf8: {  	v6 =	vadd.f32 v11, v6;
	v11 =	vmin.u32 v35, v36;
	v10 =	vsel vm0, v10, v34  }
0xf9: {  	v8 =	vadd.f32 v40, v8;
	v50 =	vsub.s32 $0x0, v49;
	vm0 =	vlt.s32 v10, v11  }
0xfa: {  	v12 =	vmul.f32 v12, v44;
	v9 =	vmin.u32 v37, v38;
	v10 =	vsel vm0, v10, v11  }
0xfb: {  	v58 =	vsub.s32 $0x0, v56;
	v20 =	vsub.s32 $0x0, v63;
	vm0 =	vlt.s32 v10, v9  }
0xfc: {  	v42 =	vmin.u32 v39, v41;
	v48 =	vmin.u32 v46, v47;
	v9 =	vsel vm0, v10, v9  }
0xfd: {  	v51 =	vmin.u32 v49, v50;
	v25 =	vadd.s32 $0xFFFFFF7A, v7;
	vm0 =	vlt.s32 v9, v42  }
0xfe: {  	v32 =	vadd.s32 $0xFFFFFF6B, v7;
	v11 =	vmin.u32 v43, v45;
	v10 =	vsel vm0, v9, v42;
	v9 =	vld [tilespmem:$0x70]  }
0xff: {  	v39 =	vadd.s32 $0xFFFFFF65, v7;
	v7 =	vadd.s32 $0xFFFFF446, v7;
	vm0 =	vlt.s32 v10, v11  }
0x100: {  	v27 =	vsub.s32 $0x0, v25;
	v41 =	vsub.s32 $0x0, v39;
	v10 =	vsel vm0, v10, v11  }
0x101: {  	v50 =	vsub.s32 $0x0, v7;
	v3 =	vadd.f32 v12, v3;
	vm0 =	vlt.s32 v10, v48  }
0x102: {  	v14 =	vmin.u32 v56, v58;
	v7 =	vmin.u32 v7, v50;
	v10 =	vsel vm0, v10, v48  }
0x103: {  	v34 =	vsub.s32 $0x0, v32;
	vm0 =	vlt.s32 v10, v51;
	v52 =	vadd.s32 $0xFFFFFFFB, v9  }
0x104: {  	v53 =	vadd.s32 $0xFFFFFFF4, v9;
	v59 =	vadd.s32 $0xFFFFFFE9, v9;
	v61 =	vadd.s32 $0xFFFFFFDB, v9  }
0x105: {  	v21 =	vadd.s32 $0xFFFFFFD7, v9;
	v23 =	vadd.s32 $0xFFFFFFC6, v9;
	v28 =	vadd.s32 $0xFFFFFFBE, v9  }
0x106: {  	v30 =	vadd.s32 $0xFFFFFFB6, v9;
	v35 =	vadd.s32 $0xFFFFFFA7, v9;
	v37 =	vadd.s32 $0xFFFFFF9F, v9  }
0x107: {  	v42 =	vadd.s32 $0xFFFFFF99, v9;
	v44 =	vadd.s32 $0xFFFFFF8A, v9;
	v48 =	vadd.s32 $0xFFFFFF81, v9  }
0x108: {  	v56 =	vadd.s32 $0xFFFFFF6B, v9;
	v10 =	vsel vm0, v10, v51;
	v54 =	vsub.s32 $0x0, v52  }
0x109: {  	v55 =	vsub.s32 $0x0, v53;
	v60 =	vsub.s32 $0x0, v59;
	v62 =	vsub.s32 $0x0, v61  }
0x10a: {  	v22 =	vsub.s32 $0x0, v21;
	v11 =	vmin.u32 v52, v54;
	v57 =	vmin.u32 v53, v55  }
0x10b: {  	v24 =	vsub.s32 $0x0, v23;
	v29 =	vsub.s32 $0x0, v28;
	vm4 =	vlt.s32 v11, v57  }
0x10c: {  	v31 =	vsub.s32 $0x0, v30;
	v13 =	vmin.u32 v59, v60;
	v11 =	vsel vm4, v11, v57  }
0x10d: {  	v36 =	vsub.s32 $0x0, v35;
	v38 =	vsub.s32 $0x0, v37;
	vm6 =	vlt.s32 v11, v13  }
0x10e: {  	v43 =	vsub.s32 $0x0, v42;
	v19 =	vmin.u32 v61, v62;
	v11 =	vsel vm6, v11, v13  }
0x10f: {  	v45 =	vsub.s32 $0x0, v44;
	v49 =	vsub.s32 $0x0, v48;
	vm0 =	vlt.s32 v11, v19  }
0x110: {  	v51 =	vadd.s32 $0xFFFFFF7A, v9;
	v13 =	vmin.u32 v21, v22;
	v11 =	vsel vm0, v11, v19  }
0x111: {  	vm5 =	vlt.s32 v10, v14;
	v26 =	vmin.u32 v23, v24;
	vm8 =	vlt.s32 v11, v13  }
0x112: {  	v33 =	vmin.u32 v30, v31;
	v40 =	vmin.u32 v37, v38;
	v11 =	vsel vm8, v11, v13  }
0x113: {  	v46 =	vmin.u32 v44, v45;
	v52 =	vsub.s32 $0x0, v51;
	vm0 =	vlt.s32 v11, v26  }
0x114: {  	v59 =	vadd.s32 $0xFFFFFF65, v9;
	v13 =	vmin.u32 v28, v29;
	v11 =	vsel vm0, v11, v26  }
0x115: {  	v10 =	vsel vm5, v10, v14;
	v14 =	vmin.u32 v63, v20;
	vm10 =	vlt.s32 v11, v13  }
0x116: {  	v9 =	vadd.s32 $0xFFFFF446, v9;
	vm7 =	vlt.s32 v10, v14;
	v11 =	vsel vm10, v11, v13  }
0x117: {  	v10 =	vsel vm7, v10, v14;
	v14 =	vmin.u32 v25, v27;
	vm0 =	vlt.s32 v11, v33  }
0x118: {  	vm9 =	vlt.s32 v10, v14;
	v13 =	vmin.u32 v35, v36;
	v11 =	vsel vm0, v11, v33  }
0x119: {  	v10 =	vsel vm9, v10, v14;
	v14 =	vmin.u32 v32, v34;
	vm12 =	vlt.s32 v11, v13  }
0x11a: {  	v54 =	vmin.u32 v51, v52;
	vm11 =	vlt.s32 v10, v14;
	v11 =	vsel vm12, v11, v13  }
0x11b: {  	v61 =	vsub.s32 $0x0, v59;
	v10 =	vsel vm11, v10, v14;
	vm0 =	vlt.s32 v11, v40  }
0x11c: {  	v62 =	vld [tilespmem:$0x360];
	v14 =	vmin.u32 v39, v41;
	v13 =	vmin.u32 v42, v43;
	v11 =	vsel vm0, v11, v40  }
0x11d: {  	v23 =	vsub.s32 $0x0, v9;
	vm13 =	vlt.s32 v10, v14;
	vm14 =	vlt.s32 v11, v13  }
0x11e: {  	v57 =	vsub.s32 $0x0, v56;
	v10 =	vsel vm13, v10, v14;
	v11 =	vsel vm14, v11, v13  }
0x11f: {  	v9 =	vmin.u32 v9, v23;
	vm15 =	vlt.s32 v10, $0x1;
	vm4 =	vlt.s32 v11, v46  }
0x120: {  	v53 =	vld [tilespmem:$0x260];
	v7 =	vmul.u32 v7, v10;
	v13 =	vmin.u32 v48, v49;
	v11 =	vsel vm4, v11, v46  }
0x121: {  	v55 =	vld [tilespmem:$0x160];
	v24 =	vsub.f32 $1.000000000e+00, v62;
	v47 =	vnsel vm15, $0x1, v10;
	vm0 =	vlt.s32 v11, v13  }
0x122: {  	v14 =	vsub.s32 $0x1, v47;
	vm5 =	vlt.s32 v7, $0x1;
	v11 =	vsel vm0, v11, v13  }
0x123: {  	v14 =	vcvt.s32.f32 v14;
	v7 =	vnsel vm5, $0x1, v7;
	vm0 =	vlt.s32 v11, v54  }
0x124: {  	v58 =	vcvt.s32.f32 v7;
	v13 =	vmin.u32 v56, v57;
	v11 =	vsel vm0, v11, v54  }
0x125: {  	v7 =	vmin.u32 v59, v61;
	v60 =	vmul.f32 v14, v53;
	vm6 =	vlt.s32 v11, v13  }
0x126: {  	v63 =	vmul.f32 v14, v55;
	v25 =	vsub.f32 $1.000000000e+00, v14;
	v11 =	vsel vm6, v11, v13  }
0x127: {  	v0 =	vadd.f32 v14, v0;
	v12 =	vmul.f32 v14, v62;
	vm0 =	vlt.s32 v11, v7  }
0x128: {  	v20 =	vld [tilespmem:$0x270];
	v10 =	vmul.f32 v58, v53;
	v19 =	vmul.f32 v58, v55;
	v7 =	vsel vm0, v11, v7  }
0x129: {  	v5 =	vadd.f32 v58, v5;
	v2 =	vadd.f32 v60, v2;
	v40 =	vld [tilespmem:$0x370];
	vm0 =	vlt.s32 v7, $0x1  }
0x12a: {  	v21 =	vld [tilespmem:$0x170];
	v1 =	vadd.f32 v63, v1;
	v9 =	vmul.u32 v9, v7;
	v22 =	vnsel vm0, $0x1, v7  }
0x12b: {  	v26 =	vmul.f32 v25, v24;
	v8 =	vadd.f32 v12, v8;
	v7 =	vld [tilespmem:$0x80];
	v13 =	vsub.s32 $0x1, v22  }
0x12c: {  	v4 =	vadd.f32 v10, v4;
	vm7 =	vlt.s32 v9, $0x1;
	v13 =	vcvt.s32.f32 v13  }
0x12d: {  	v6 =	vadd.f32 v19, v6;
	v3 =	vadd.f32 v26, v3;
	v9 =	vnsel vm7, $0x1, v9  }
0x12e: {  	v51 =	vsub.f32 $1.000000000e+00, v40;
	v9 =	vcvt.s32.f32 v9;
	v27 =	vmul.f32 v13, v20  }
0x12f: {  	v28 =	vmul.f32 v13, v21;
	v0 =	vadd.f32 v13, v0;
	v47 =	vmul.f32 v13, v40  }
0x130: {  	v13 =	vsub.f32 $1.000000000e+00, v13;
	v29 =	vadd.s32 $0xFFFFFFFB, v7;
	v30 =	vadd.s32 $0xFFFFFFF4, v7  }
0x131: {  	v33 =	vadd.s32 $0xFFFFFFE9, v7;
	v10 =	vmul.f32 v9, v20;
	v36 =	vadd.s32 $0xFFFFFFDB, v7  }
0x132: {  	v38 =	vadd.s32 $0xFFFFFFD7, v7;
	v11 =	vmul.f32 v9, v21;
	v42 =	vadd.s32 $0xFFFFFFC6, v7  }
0x133: {  	v44 =	vadd.s32 $0xFFFFFFBE, v7;
	v5 =	vadd.f32 v9, v5;
	v46 =	vadd.s32 $0xFFFFFFB6, v7  }
0x134: {  	v50 =	vadd.s32 $0xFFFFFFA7, v7;
	v31 =	vsub.s32 $0x0, v29;
	v32 =	vsub.s32 $0x0, v30  }
0x135: {  	v53 =	vadd.s32 $0xFFFFFF9F, v7;
	v12 =	vmin.u32 v29, v31;
	v14 =	vmin.u32 v30, v32  }
0x136: {  	v56 =	vadd.s32 $0xFFFFFF99, v7;
	v34 =	vsub.s32 $0x0, v33;
	vm8 =	vlt.s32 v12, v14  }
0x137: {  	v63 =	vadd.s32 $0xFFFFFF8A, v7;
	v35 =	vmin.u32 v33, v34;
	v12 =	vsel vm8, v12, v14  }
0x138: {  	v26 =	vadd.s32 $0xFFFFFF81, v7;
	v37 =	vsub.s32 $0x0, v36;
	vm0 =	vlt.s32 v12, v35  }
0x139: {  	v4 =	vadd.f32 v10, v4;
	v10 =	vmin.u32 v36, v37;
	v12 =	vsel vm0, v12, v35  }
0x13a: {  	v40 =	vadd.s32 $0xFFFFFF6B, v7;
	v39 =	vsub.s32 $0x0, v38;
	vm0 =	vlt.s32 v12, v10  }
0x13b: {  	v2 =	vadd.f32 v27, v2;
	v41 =	vmin.u32 v38, v39;
	v10 =	vsel vm0, v12, v10  }
0x13c: {  	v1 =	vadd.f32 v28, v1;
	v43 =	vsub.s32 $0x0, v42;
	vm0 =	vlt.s32 v10, v41  }
0x13d: {  	v6 =	vadd.f32 v11, v6;
	v11 =	vmin.u32 v42, v43;
	v10 =	vsel vm0, v10, v41  }
0x13e: {  	v45 =	vsub.s32 $0x0, v44;
	v48 =	vsub.s32 $0x0, v46;
	vm0 =	vlt.s32 v10, v11  }
0x13f: {  	v52 =	vsub.s32 $0x0, v50;
	v9 =	vmin.u32 v44, v45;
	v10 =	vsel vm0, v10, v11  }
0x140: {  	v54 =	vsub.s32 $0x0, v53;
	v8 =	vadd.f32 v47, v8;
	vm0 =	vlt.s32 v10, v9  }
0x141: {  	v57 =	vsub.s32 $0x0, v56;
	v49 =	vmin.u32 v46, v48;
	v9 =	vsel vm0, v10, v9  }
0x142: {  	v13 =	vmul.f32 v13, v51;
	v21 =	vsub.s32 $0x0, v63;
	vm0 =	vlt.s32 v9, v49  }
0x143: {  	v28 =	vsub.s32 $0x0, v26;
	v11 =	vmin.u32 v50, v52;
	v10 =	vsel vm0, v9, v49  }
0x144: {  	v47 =	vadd.s32 $0xFFFFFF65, v7;
	v55 =	vmin.u32 v53, v54;
	v9 =	vld [tilespmem:$0x90];
	vm0 =	vlt.s32 v10, v11  }
0x145: {  	v58 =	vmin.u32 v56, v57;
	v33 =	vadd.s32 $0xFFFFFF7A, v7;
	v10 =	vsel vm0, v10, v11  }
0x146: {  	v42 =	vsub.s32 $0x0, v40;
	v7 =	vadd.s32 $0xFFFFF446, v7;
	vm0 =	vlt.s32 v10, v55  }
0x147: {  	v3 =	vadd.f32 v13, v3;
	v14 =	vmin.u32 v63, v21;
	v10 =	vsel vm0, v10, v55  }
0x148: {  	v35 =	vsub.s32 $0x0, v33;
	v49 =	vsub.s32 $0x0, v47;
	vm0 =	vlt.s32 v10, v58  }
0x149: {  	v59 =	vadd.s32 $0xFFFFFFFB, v9;
	v60 =	vadd.s32 $0xFFFFFFF4, v9;
	v22 =	vadd.s32 $0xFFFFFFE9, v9  }
0x14a: {  	v24 =	vadd.s32 $0xFFFFFFDB, v9;
	v29 =	vadd.s32 $0xFFFFFFD7, v9;
	v31 =	vadd.s32 $0xFFFFFFC6, v9  }
0x14b: {  	v36 =	vadd.s32 $0xFFFFFFBE, v9;
	v38 =	vadd.s32 $0xFFFFFFB6, v9;
	v43 =	vadd.s32 $0xFFFFFFA7, v9  }
0x14c: {  	v45 =	vadd.s32 $0xFFFFFF9F, v9;
	v50 =	vadd.s32 $0xFFFFFF99, v9;
	v52 =	vadd.s32 $0xFFFFFF8A, v9  }
0x14d: {  	v56 =	vadd.s32 $0xFFFFFF81, v9;
	v10 =	vsel vm0, v10, v58;
	v61 =	vsub.s32 $0x0, v59  }
0x14e: {  	v62 =	vsub.s32 $0x0, v60;
	v23 =	vsub.s32 $0x0, v22;
	v25 =	vsub.s32 $0x0, v24  }
0x14f: {  	v30 =	vsub.s32 $0x0, v29;
	v32 =	vsub.s32 $0x0, v31;
	v37 =	vsub.s32 $0x0, v36  }
0x150: {  	v39 =	vsub.s32 $0x0, v38;
	v11 =	vmin.u32 v59, v61;
	v20 =	vmin.u32 v60, v62  }
0x151: {  	v44 =	vsub.s32 $0x0, v43;
	v46 =	vsub.s32 $0x0, v45;
	vm9 =	vlt.s32 v11, v20  }
0x152: {  	v51 =	vsub.s32 $0x0, v50;
	v12 =	vmin.u32 v22, v23;
	v11 =	vsel vm9, v11, v20  }
0x153: {  	v53 =	vsub.s32 $0x0, v52;
	v57 =	vsub.s32 $0x0, v56;
	vm11 =	vlt.s32 v11, v12  }
0x154: {  	v58 =	vsub.s32 $0x0, v7;
	v27 =	vmin.u32 v24, v25;
	v11 =	vsel vm11, v11, v12  }
0x155: {  	vm10 =	vlt.s32 v10, v14;
	v34 =	vmin.u32 v31, v32;
	vm0 =	vlt.s32 v11, v27  }
0x156: {  	v41 =	vmin.u32 v38, v39;
	v12 =	vmin.u32 v29, v30;
	v11 =	vsel vm0, v11, v27  }
0x157: {  	v48 =	vmin.u32 v45, v46;
	v54 =	vmin.u32 v52, v53;
	vm13 =	vlt.s32 v11, v12  }
0x158: {  	v59 =	vadd.s32 $0xFFFFFF7A, v9;
	v7 =	vmin.u32 v7, v58;
	v11 =	vsel vm13, v11, v12  }
0x159: {  	v23 =	vadd.s32 $0xFFFFFF65, v9;
	v10 =	vsel vm10, v10, v14;
	vm0 =	vlt.s32 v11, v34  }
0x15a: {  	v14 =	vmin.u32 v26, v28;
	v12 =	vmin.u32 v36, v37;
	v11 =	vsel vm0, v11, v34  }
0x15b: {  	v60 =	vsub.s32 $0x0, v59;
	v25 =	vsub.s32 $0x0, v23;
	vm15 =	vlt.s32 v11, v12  }
0x15c: {  	vm12 =	vlt.s32 v10, v14;
	v62 =	vmin.u32 v59, v60;
	v11 =	vsel vm15, v11, v12  }
0x15d: {  	v10 =	vsel vm12, v10, v14;
	v14 =	vmin.u32 v33, v35;
	vm0 =	vlt.s32 v11, v41  }
0x15e: {  	vm14 =	vlt.s32 v10, v14;
	v12 =	vmin.u32 v43, v44;
	v11 =	vsel vm0, v11, v41  }
0x15f: {  	v10 =	vsel vm14, v10, v14;
	v14 =	vmin.u32 v40, v42;
	vm5 =	vlt.s32 v11, v12  }
0x160: {  	v20 =	vadd.s32 $0xFFFFFF6B, v9;
	vm4 =	vlt.s32 v10, v14;
	v11 =	vsel vm5, v11, v12  }
0x161: {  	v9 =	vadd.s32 $0xFFFFF446, v9;
	v10 =	vsel vm4, v10, v14;
	vm0 =	vlt.s32 v11, v48  }
0x162: {  	v26 =	vld [tilespmem:$0x380];
	v14 =	vmin.u32 v47, v49;
	v12 =	vmin.u32 v50, v51;
	v11 =	vsel vm0, v11, v48  }
0x163: {  	v21 =	vsub.s32 $0x0, v20;
	vm6 =	vlt.s32 v10, v14;
	vm7 =	vlt.s32 v11, v12  }
0x164: {  	v32 =	vsub.s32 $0x0, v9;
	v49 =	vld [tilespmem:$0x390];
	v10 =	vsel vm6, v10, v14;
	v11 =	vsel vm7, v11, v12  }
0x165: {  	v9 =	vmin.u32 v9, v32;
	vm8 =	vlt.s32 v10, $0x1;
	vm9 =	vlt.s32 v11, v54  }
0x166: {  	v63 =	vld [tilespmem:$0x180];
	v7 =	vmul.u32 v7, v10;
	v12 =	vmin.u32 v56, v57;
	v11 =	vsel vm9, v11, v54  }
0x167: {  	v61 =	vld [tilespmem:$0x280];
	v33 =	vsub.f32 $1.000000000e+00, v26;
	v55 =	vnsel vm8, $0x1, v10;
	vm0 =	vlt.s32 v11, v12  }
0x168: {  	v14 =	vsub.s32 $0x1, v55;
	vm10 =	vlt.s32 v7, $0x1;
	v11 =	vsel vm0, v11, v12  }
0x169: {  	v60 =	vsub.f32 $1.000000000e+00, v49;
	v14 =	vcvt.s32.f32 v14;
	vm0 =	vlt.s32 v11, v62  }
0x16a: {  	v7 =	vnsel vm10, $0x1, v7;
	v12 =	vmin.u32 v20, v21;
	v11 =	vsel vm0, v11, v62  }
0x16b: {  	v22 =	vcvt.s32.f32 v7;
	v7 =	vmin.u32 v23, v25;
	vm11 =	vlt.s32 v11, v12  }
0x16c: {  	v24 =	vmul.f32 v14, v61;
	v27 =	vmul.f32 v14, v63;
	v11 =	vsel vm11, v11, v12  }
0x16d: {  	v34 =	vsub.f32 $1.000000000e+00, v14;
	v0 =	vadd.f32 v14, v0;
	vm0 =	vlt.s32 v11, v7  }
0x16e: {  	v13 =	vmul.f32 v14, v26;
	v10 =	vmul.f32 v22, v61;
	v7 =	vsel vm0, v11, v7  }
0x16f: {  	v29 =	vld [tilespmem:$0x290];
	v28 =	vmul.f32 v22, v63;
	v5 =	vadd.f32 v22, v5;
	vm0 =	vlt.s32 v7, $0x1  }
0x170: {  	v30 =	vld [tilespmem:$0x190];
	v2 =	vadd.f32 v24, v2;
	v9 =	vmul.u32 v9, v7;
	v31 =	vnsel vm0, $0x1, v7  }
0x171: {  	v1 =	vadd.f32 v27, v1;
	v35 =	vmul.f32 v34, v33;
	v7 =	vld [tilespmem:$0xA0];
	v12 =	vsub.s32 $0x1, v31  }
0x172: {  	v8 =	vadd.f32 v13, v8;
	vm12 =	vlt.s32 v9, $0x1;
	v12 =	vcvt.s32.f32 v12  }
0x173: {  	v4 =	vadd.f32 v10, v4;
	v6 =	vadd.f32 v28, v6;
	v9 =	vnsel vm12, $0x1, v9  }
0x174: {  	v3 =	vadd.f32 v35, v3;
	v9 =	vcvt.s32.f32 v9;
	v36 =	vmul.f32 v12, v29  }
0x175: {  	v37 =	vmul.f32 v12, v30;
	v0 =	vadd.f32 v12, v0;
	v56 =	vmul.f32 v12, v49  }
0x176: {  	v12 =	vsub.f32 $1.000000000e+00, v12;
	v38 =	vadd.s32 $0xFFFFFFFB, v7;
	v39 =	vadd.s32 $0xFFFFFFF4, v7  }
0x177: {  	v42 =	vadd.s32 $0xFFFFFFE9, v7;
	v10 =	vmul.f32 v9, v29;
	v45 =	vadd.s32 $0xFFFFFFDB, v7  }
0x178: {  	v47 =	vadd.s32 $0xFFFFFFD7, v7;
	v11 =	vmul.f32 v9, v30;
	v51 =	vadd.s32 $0xFFFFFFC6, v7  }
0x179: {  	v53 =	vadd.s32 $0xFFFFFFBE, v7;
	v5 =	vadd.f32 v9, v5;
	v55 =	vadd.s32 $0xFFFFFFB6, v7  }
0x17a: {  	v59 =	vadd.s32 $0xFFFFFFA7, v7;
	v40 =	vsub.s32 $0x0, v38;
	v41 =	vsub.s32 $0x0, v39  }
0x17b: {  	v62 =	vadd.s32 $0xFFFFFF9F, v7;
	v13 =	vmin.u32 v38, v40;
	v14 =	vmin.u32 v39, v41  }
0x17c: {  	v19 =	vadd.s32 $0xFFFFFF99, v7;
	v43 =	vsub.s32 $0x0, v42;
	vm13 =	vlt.s32 v13, v14  }
0x17d: {  	v26 =	vadd.s32 $0xFFFFFF8A, v7;
	v44 =	vmin.u32 v42, v43;
	v13 =	vsel vm13, v13, v14  }
0x17e: {  	v33 =	vadd.s32 $0xFFFFFF81, v7;
	v46 =	vsub.s32 $0x0, v45;
	vm0 =	vlt.s32 v13, v44  }
0x17f: {  	v4 =	vadd.f32 v10, v4;
	v10 =	vmin.u32 v45, v46;
	v13 =	vsel vm0, v13, v44  }
0x180: {  	v2 =	vadd.f32 v36, v2;
	v48 =	vsub.s32 $0x0, v47;
	vm0 =	vlt.s32 v13, v10  }
0x181: {  	v1 =	vadd.f32 v37, v1;
	v50 =	vmin.u32 v47, v48;
	v10 =	vsel vm0, v13, v10  }
0x182: {  	v52 =	vsub.s32 $0x0, v51;
	v54 =	vsub.s32 $0x0, v53;
	vm0 =	vlt.s32 v10, v50  }
0x183: {  	v6 =	vadd.f32 v11, v6;
	v11 =	vmin.u32 v51, v52;
	v10 =	vsel vm0, v10, v50  }
0x184: {  	v57 =	vsub.s32 $0x0, v55;
	v61 =	vsub.s32 $0x0, v59;
	vm0 =	vlt.s32 v10, v11  }
0x185: {  	v63 =	vsub.s32 $0x0, v62;
	v9 =	vmin.u32 v53, v54;
	v10 =	vsel vm0, v10, v11  }
0x186: {  	v8 =	vadd.f32 v56, v8;
	v20 =	vsub.s32 $0x0, v19;
	vm0 =	vlt.s32 v10, v9  }
0x187: {  	v12 =	vmul.f32 v12, v60;
	v58 =	vmin.u32 v55, v57;
	v9 =	vsel vm0, v10, v9  }
0x188: {  	v28 =	vsub.s32 $0x0, v26;
	v35 =	vsub.s32 $0x0, v33;
	vm0 =	vlt.s32 v9, v58  }
0x189: {  	v18 =	vmin.u32 v62, v63;
	v11 =	vmin.u32 v59, v61;
	v10 =	vsel vm0, v9, v58  }
0x18a: {  	v21 =	vmin.u32 v19, v20;
	v40 =	vadd.s32 $0xFFFFFF7A, v7;
	v9 =	vld [tilespmem:$0xB0];
	vm0 =	vlt.s32 v10, v11  }
0x18b: {  	v47 =	vadd.s32 $0xFFFFFF6B, v7;
	v54 =	vadd.s32 $0xFFFFFF65, v7;
	v10 =	vsel vm0, v10, v11  }
0x18c: {  	v7 =	vadd.s32 $0xFFFFF446, v7;
	v42 =	vsub.s32 $0x0, v40;
	vm0 =	vlt.s32 v10, v18  }
0x18d: {  	v49 =	vsub.s32 $0x0, v47;
	v56 =	vsub.s32 $0x0, v54;
	v10 =	vsel vm0, v10, v18  }
0x18e: {  	v3 =	vadd.f32 v12, v3;
	v14 =	vmin.u32 v26, v28;
	vm0 =	vlt.s32 v10, v21  }
0x18f: {  	v22 =	vadd.s32 $0xFFFFFFFB, v9;
	v23 =	vadd.s32 $0xFFFFFFF4, v9;
	v29 =	vadd.s32 $0xFFFFFFE9, v9  }
0x190: {  	v31 =	vadd.s32 $0xFFFFFFDB, v9;
	v36 =	vadd.s32 $0xFFFFFFD7, v9;
	v38 =	vadd.s32 $0xFFFFFFC6, v9  }
0x191: {  	v43 =	vadd.s32 $0xFFFFFFBE, v9;
	v45 =	vadd.s32 $0xFFFFFFB6, v9;
	v50 =	vadd.s32 $0xFFFFFFA7, v9  }
0x192: {  	v52 =	vadd.s32 $0xFFFFFF9F, v9;
	v57 =	vadd.s32 $0xFFFFFF99, v9;
	v59 =	vadd.s32 $0xFFFFFF8A, v9  }
0x193: {  	v63 =	vadd.s32 $0xFFFFFF81, v9;
	v10 =	vsel vm0, v10, v21;
	v24 =	vsub.s32 $0x0, v22  }
0x194: {  	v25 =	vsub.s32 $0x0, v23;
	v30 =	vsub.s32 $0x0, v29;
	v32 =	vsub.s32 $0x0, v31  }
0x195: {  	v37 =	vsub.s32 $0x0, v36;
	v39 =	vsub.s32 $0x0, v38;
	v44 =	vsub.s32 $0x0, v43  }
0x196: {  	v46 =	vsub.s32 $0x0, v45;
	v11 =	vmin.u32 v22, v24;
	v27 =	vmin.u32 v23, v25  }
0x197: {  	v51 =	vsub.s32 $0x0, v50;
	v53 =	vsub.s32 $0x0, v52;
	vm14 =	vlt.s32 v11, v27  }
0x198: {  	v58 =	vsub.s32 $0x0, v57;
	v13 =	vmin.u32 v29, v30;
	v11 =	vsel vm14, v11, v27  }
0x199: {  	v60 =	vsub.s32 $0x0, v59;
	v20 =	vsub.s32 $0x0, v63;
	vm4 =	vlt.s32 v11, v13  }
0x19a: {  	v21 =	vsub.s32 $0x0, v7;
	v34 =	vmin.u32 v31, v32;
	v11 =	vsel vm4, v11, v13  }
0x19b: {  	vm15 =	vlt.s32 v10, v14;
	v41 =	vmin.u32 v38, v39;
	vm0 =	vlt.s32 v11, v34  }
0x19c: {  	v48 =	vmin.u32 v45, v46;
	v13 =	vmin.u32 v36, v37;
	v11 =	vsel vm0, v11, v34  }
0x19d: {  	v55 =	vmin.u32 v52, v53;
	v61 =	vmin.u32 v59, v60;
	vm6 =	vlt.s32 v11, v13  }
0x19e: {  	v22 =	vadd.s32 $0xFFFFFF7A, v9;
	v7 =	vmin.u32 v7, v21;
	v11 =	vsel vm6, v11, v13  }
0x19f: {  	v30 =	vadd.s32 $0xFFFFFF65, v9;
	v10 =	vsel vm15, v10, v14;
	vm0 =	vlt.s32 v11, v41  }
0x1a0: {  	v14 =	vmin.u32 v33, v35;
	v13 =	vmin.u32 v43, v44;
	v11 =	vsel vm0, v11, v41  }
0x1a1: {  	v23 =	vsub.s32 $0x0, v22;
	v32 =	vsub.s32 $0x0, v30;
	vm8 =	vlt.s32 v11, v13  }
0x1a2: {  	vm5 =	vlt.s32 v10, v14;
	v25 =	vmin.u32 v22, v23;
	v11 =	vsel vm8, v11, v13  }
0x1a3: {  	v10 =	vsel vm5, v10, v14;
	v14 =	vmin.u32 v40, v42;
	vm0 =	vlt.s32 v11, v48  }
0x1a4: {  	vm7 =	vlt.s32 v10, v14;
	v13 =	vmin.u32 v50, v51;
	v11 =	vsel vm0, v11, v48  }
0x1a5: {  	v10 =	vsel vm7, v10, v14;
	v14 =	vmin.u32 v47, v49;
	vm10 =	vlt.s32 v11, v13  }
0x1a6: {  	v27 =	vadd.s32 $0xFFFFFF6B, v9;
	vm9 =	vlt.s32 v10, v14;
	v11 =	vsel vm10, v11, v13  }
0x1a7: {  	v9 =	vadd.s32 $0xFFFFF446, v9;
	v10 =	vsel vm9, v10, v14;
	vm0 =	vlt.s32 v11, v55  }
0x1a8: {  	v33 =	vld [tilespmem:$0x3A0];
	v14 =	vmin.u32 v54, v56;
	v13 =	vmin.u32 v57, v58;
	v11 =	vsel vm0, v11, v55  }
0x1a9: {  	v28 =	vsub.s32 $0x0, v27;
	vm11 =	vlt.s32 v10, v14;
	vm12 =	vlt.s32 v11, v13  }
0x1aa: {  	v39 =	vsub.s32 $0x0, v9;
	v56 =	vld [tilespmem:$0x3B0];
	v10 =	vsel vm11, v10, v14;
	v11 =	vsel vm12, v11, v13  }
0x1ab: {  	v9 =	vmin.u32 v9, v39;
	vm13 =	vlt.s32 v10, $0x1;
	vm14 =	vlt.s32 v11, v61  }
0x1ac: {  	v26 =	vld [tilespmem:$0x1A0];
	v7 =	vmul.u32 v7, v10;
	v13 =	vmin.u32 v63, v20;
	v11 =	vsel vm14, v11, v61  }
0x1ad: {  	v24 =	vld [tilespmem:$0x2A0];
	v40 =	vsub.f32 $1.000000000e+00, v33;
	v62 =	vnsel vm13, $0x1, v10;
	vm0 =	vlt.s32 v11, v13  }
0x1ae: {  	v14 =	vsub.s32 $0x1, v62;
	vm15 =	vlt.s32 v7, $0x1;
	v11 =	vsel vm0, v11, v13  }
0x1af: {  	v22 =	vsub.f32 $1.000000000e+00, v56;
	v14 =	vcvt.s32.f32 v14;
	vm0 =	vlt.s32 v11, v25  }
0x1b0: {  	v7 =	vnsel vm15, $0x1, v7;
	v13 =	vmin.u32 v27, v28;
	v11 =	vsel vm0, v11, v25  }
0x1b1: {  	v29 =	vcvt.s32.f32 v7;
	v7 =	vmin.u32 v30, v32;
	vm4 =	vlt.s32 v11, v13  }
0x1b2: {  	v31 =	vmul.f32 v14, v24;
	v34 =	vmul.f32 v14, v26;
	v11 =	vsel vm4, v11, v13  }
0x1b3: {  	v41 =	vsub.f32 $1.000000000e+00, v14;
	v0 =	vadd.f32 v14, v0;
	vm0 =	vlt.s32 v11, v7  }
0x1b4: {  	v12 =	vmul.f32 v14, v33;
	v10 =	vmul.f32 v29, v24;
	v7 =	vsel vm0, v11, v7  }
0x1b5: {  	v36 =	vld [tilespmem:$0x2B0];
	v35 =	vmul.f32 v29, v26;
	v5 =	vadd.f32 v29, v5;
	vm0 =	vlt.s32 v7, $0x1  }
0x1b6: {  	v37 =	vld [tilespmem:$0x1B0];
	v2 =	vadd.f32 v31, v2;
	v9 =	vmul.u32 v9, v7;
	v38 =	vnsel vm0, $0x1, v7  }
0x1b7: {  	v1 =	vadd.f32 v34, v1;
	v42 =	vmul.f32 v41, v40;
	v7 =	vld [tilespmem:$0xC0];
	v13 =	vsub.s32 $0x1, v38  }
0x1b8: {  	v8 =	vadd.f32 v12, v8;
	vm5 =	vlt.s32 v9, $0x1;
	v13 =	vcvt.s32.f32 v13  }
0x1b9: {  	v4 =	vadd.f32 v10, v4;
	v6 =	vadd.f32 v35, v6;
	v9 =	vnsel vm5, $0x1, v9  }
0x1ba: {  	v3 =	vadd.f32 v42, v3;
	v9 =	vcvt.s32.f32 v9;
	v43 =	vmul.f32 v13, v36  }
0x1bb: {  	v44 =	vmul.f32 v13, v37;
	v0 =	vadd.f32 v13, v0;
	v63 =	vmul.f32 v13, v56  }
0x1bc: {  	v13 =	vsub.f32 $1.000000000e+00, v13;
	v45 =	vadd.s32 $0xFFFFFFFB, v7;
	v46 =	vadd.s32 $0xFFFFFFF4, v7  }
0x1bd: {  	v49 =	vadd.s32 $0xFFFFFFE9, v7;
	v10 =	vmul.f32 v9, v36;
	v52 =	vadd.s32 $0xFFFFFFDB, v7  }
0x1be: {  	v54 =	vadd.s32 $0xFFFFFFD7, v7;
	v11 =	vmul.f32 v9, v37;
	v58 =	vadd.s32 $0xFFFFFFC6, v7  }
0x1bf: {  	v60 =	vadd.s32 $0xFFFFFFBE, v7;
	v5 =	vadd.f32 v9, v5;
	v62 =	vadd.s32 $0xFFFFFFB6, v7  }
0x1c0: {  	v21 =	vadd.s32 $0xFFFFFFA7, v7;
	v24 =	vadd.s32 $0xFFFFFF9F, v7;
	v27 =	vadd.s32 $0xFFFFFF99, v7  }
0x1c1: {  	v34 =	vadd.s32 $0xFFFFFF8A, v7;
	v47 =	vsub.s32 $0x0, v45;
	v48 =	vsub.s32 $0x0, v46  }
0x1c2: {  	v41 =	vadd.s32 $0xFFFFFF81, v7;
	v12 =	vmin.u32 v45, v47;
	v14 =	vmin.u32 v46, v48  }
0x1c3: {  	v2 =	vadd.f32 v43, v2;
	v50 =	vsub.s32 $0x0, v49;
	vm6 =	vlt.s32 v12, v14  }
0x1c4: {  	v1 =	vadd.f32 v44, v1;
	v51 =	vmin.u32 v49, v50;
	v12 =	vsel vm6, v12, v14  }
0x1c5: {  	v53 =	vsub.s32 $0x0, v52;
	v55 =	vsub.s32 $0x0, v54;
	vm0 =	vlt.s32 v12, v51  }
0x1c6: {  	v4 =	vadd.f32 v10, v4;
	v10 =	vmin.u32 v52, v53;
	v12 =	vsel vm0, v12, v51  }
0x1c7: {  	v59 =	vsub.s32 $0x0, v58;
	v61 =	vsub.s32 $0x0, v60;
	vm0 =	vlt.s32 v12, v10  }
0x1c8: {  	v19 =	vsub.s32 $0x0, v62;
	v57 =	vmin.u32 v54, v55;
	v10 =	vsel vm0, v12, v10  }
0x1c9: {  	v23 =	vsub.s32 $0x0, v21;
	v25 =	vsub.s32 $0x0, v24;
	vm0 =	vlt.s32 v10, v57  }
0x1ca: {  	v6 =	vadd.f32 v11, v6;
	v11 =	vmin.u32 v58, v59;
	v10 =	vsel vm0, v10, v57  }
0x1cb: {  	v8 =	vadd.f32 v63, v8;
	v28 =	vsub.s32 $0x0, v27;
	vm0 =	vlt.s32 v10, v11  }
0x1cc: {  	v13 =	vmul.f32 v13, v22;
	v9 =	vmin.u32 v60, v61;
	v10 =	vsel vm0, v10, v11  }
0x1cd: {  	v36 =	vsub.s32 $0x0, v34;
	v43 =	vsub.s32 $0x0, v41;
	vm0 =	vlt.s32 v10, v9  }
0x1ce: {  	v20 =	vmin.u32 v62, v19;
	v26 =	vmin.u32 v24, v25;
	v9 =	vsel vm0, v10, v9  }
0x1cf: {  	v29 =	vmin.u32 v27, v28;
	v48 =	vadd.s32 $0xFFFFFF7A, v7;
	vm0 =	vlt.s32 v9, v20  }
0x1d0: {  	v55 =	vadd.s32 $0xFFFFFF6B, v7;
	v11 =	vmin.u32 v21, v23;
	v10 =	vsel vm0, v9, v20;
	v9 =	vld [tilespmem:$0xD0]  }
0x1d1: {  	v62 =	vadd.s32 $0xFFFFFF65, v7;
	v7 =	vadd.s32 $0xFFFFF446, v7;
	vm0 =	vlt.s32 v10, v11  }
0x1d2: {  	v50 =	vsub.s32 $0x0, v48;
	v18 =	vsub.s32 $0x0, v62;
	v10 =	vsel vm0, v10, v11  }
0x1d3: {  	v27 =	vsub.s32 $0x0, v7;
	v3 =	vadd.f32 v13, v3;
	vm0 =	vlt.s32 v10, v26  }
0x1d4: {  	v14 =	vmin.u32 v34, v36;
	v7 =	vmin.u32 v7, v27;
	v10 =	vsel vm0, v10, v26  }
0x1d5: {  	v57 =	vsub.s32 $0x0, v55;
	vm0 =	vlt.s32 v10, v29;
	v30 =	vadd.s32 $0xFFFFFFFB, v9  }
0x1d6: {  	v31 =	vadd.s32 $0xFFFFFFF4, v9;
	v37 =	vadd.s32 $0xFFFFFFE9, v9;
	v39 =	vadd.s32 $0xFFFFFFDB, v9  }
0x1d7: {  	v44 =	vadd.s32 $0xFFFFFFD7, v9;
	v46 =	vadd.s32 $0xFFFFFFC6, v9;
	v51 =	vadd.s32 $0xFFFFFFBE, v9  }
0x1d8: {  	v53 =	vadd.s32 $0xFFFFFFB6, v9;
	v58 =	vadd.s32 $0xFFFFFFA7, v9;
	v60 =	vadd.s32 $0xFFFFFF9F, v9  }
0x1d9: {  	v19 =	vadd.s32 $0xFFFFFF99, v9;
	v21 =	vadd.s32 $0xFFFFFF8A, v9;
	v25 =	vadd.s32 $0xFFFFFF81, v9  }
0x1da: {  	v28 =	vadd.s32 $0xFFFFFF7A, v9;
	v10 =	vsel vm0, v10, v29;
	v32 =	vsub.s32 $0x0, v30  }
0x1db: {  	v33 =	vsub.s32 $0x0, v31;
	v38 =	vsub.s32 $0x0, v37;
	v40 =	vsub.s32 $0x0, v39  }
0x1dc: {  	v45 =	vsub.s32 $0x0, v44;
	v11 =	vmin.u32 v30, v32;
	v35 =	vmin.u32 v31, v33  }
0x1dd: {  	v47 =	vsub.s32 $0x0, v46;
	v52 =	vsub.s32 $0x0, v51;
	vm7 =	vlt.s32 v11, v35  }
0x1de: {  	v54 =	vsub.s32 $0x0, v53;
	v12 =	vmin.u32 v37, v38;
	v11 =	vsel vm7, v11, v35  }
0x1df: {  	v59 =	vsub.s32 $0x0, v58;
	v61 =	vsub.s32 $0x0, v60;
	vm9 =	vlt.s32 v11, v12  }
0x1e0: {  	v20 =	vsub.s32 $0x0, v19;
	v42 =	vmin.u32 v39, v40;
	v11 =	vsel vm9, v11, v12  }
0x1e1: {  	v22 =	vsub.s32 $0x0, v21;
	v26 =	vsub.s32 $0x0, v25;
	vm0 =	vlt.s32 v11, v42  }
0x1e2: {  	v29 =	vsub.s32 $0x0, v28;
	v12 =	vmin.u32 v44, v45;
	v11 =	vsel vm0, v11, v42  }
0x1e3: {  	vm8 =	vlt.s32 v10, v14;
	v49 =	vmin.u32 v46, v47;
	vm11 =	vlt.s32 v11, v12  }
0x1e4: {  	v56 =	vmin.u32 v53, v54;
	v63 =	vmin.u32 v60, v61;
	v11 =	vsel vm11, v11, v12  }
0x1e5: {  	v23 =	vmin.u32 v21, v22;
	v31 =	vmin.u32 v28, v29;
	vm0 =	vlt.s32 v11, v49  }
0x1e6: {  	v33 =	vadd.s32 $0xFFFFFF6B, v9;
	v12 =	vmin.u32 v51, v52;
	v11 =	vsel vm0, v11, v49  }
0x1e7: {  	v10 =	vsel vm8, v10, v14;
	v14 =	vmin.u32 v41, v43;
	vm13 =	vlt.s32 v11, v12  }
0x1e8: {  	v34 =	vsub.s32 $0x0, v33;
	vm10 =	vlt.s32 v10, v14;
	v11 =	vsel vm13, v11, v12  }
0x1e9: {  	v35 =	vadd.s32 $0xFFFFFF65, v9;
	v9 =	vadd.s32 $0xFFFFF446, v9;
	vm0 =	vlt.s32 v11, v56  }
0x1ea: {  	v10 =	vsel vm10, v10, v14;
	v12 =	vmin.u32 v58, v59;
	v11 =	vsel vm0, v11, v56  }
0x1eb: {  	v14 =	vmin.u32 v48, v50;
	v37 =	vsub.s32 $0x0, v35;
	vm15 =	vlt.s32 v11, v12  }
0x1ec: {  	v38 =	vld [tilespmem:$0x3C0];
	vm12 =	vlt.s32 v10, v14;
	v16 =	vmin.u32 v35, v37;
	v11 =	vsel vm15, v11, v12  }
0x1ed: {  	v10 =	vsel vm12, v10, v14;
	v14 =	vmin.u32 v55, v57;
	vm0 =	vlt.s32 v11, v63  }
0x1ee: {  	vm14 =	vlt.s32 v10, v14;
	v12 =	vmin.u32 v19, v20;
	v11 =	vsel vm0, v11, v63  }
0x1ef: {  	v10 =	vsel vm14, v10, v14;
	v14 =	vmin.u32 v62, v18;
	vm5 =	vlt.s32 v11, v12  }
0x1f0: {  	v44 =	vsub.s32 $0x0, v9;
	vm4 =	vlt.s32 v10, v14;
	v11 =	vsel vm5, v11, v12  }
0x1f1: {  	v45 =	vsub.f32 $1.000000000e+00, v38;
	v10 =	vsel vm4, v10, v14;
	vm7 =	vlt.s32 v11, v23  }
0x1f2: {  	v30 =	vld [tilespmem:$0x2C0];
	vm6 =	vlt.s32 v10, $0x1;
	v12 =	vmin.u32 v25, v26;
	v11 =	vsel vm7, v11, v23  }
0x1f3: {  	v32 =	vld [tilespmem:$0x1C0];
	v7 =	vmul.u32 v7, v10;
	v24 =	vnsel vm6, $0x1, v10;
	vm0 =	vlt.s32 v11, v12  }
0x1f4: {  	v9 =	vmin.u32 v9, v44;
	v14 =	vsub.s32 $0x1, v24;
	v11 =	vsel vm0, v11, v12  }
0x1f5: {  	vm8 =	vlt.s32 v7, $0x1;
	v14 =	vcvt.s32.f32 v14;
	vm0 =	vlt.s32 v11, v31  }
0x1f6: {  	v7 =	vnsel vm8, $0x1, v7;
	v12 =	vmin.u32 v33, v34;
	v11 =	vsel vm0, v11, v31  }
0x1f7: {  	v7 =	vcvt.s32.f32 v7;
	v36 =	vmul.f32 v14, v30;
	vm9 =	vlt.s32 v11, v12  }
0x1f8: {  	v39 =	vmul.f32 v14, v32;
	v46 =	vsub.f32 $1.000000000e+00, v14;
	v11 =	vsel vm9, v11, v12  }
0x1f9: {  	v0 =	vadd.f32 v14, v0;
	v47 =	vmul.f32 v14, v38;
	vm0 =	vlt.s32 v11, v16  }
0x1fa: {  	v10 =	vmul.f32 v7, v30;
	v40 =	vmul.f32 v7, v32;
	v63 =	vld [tilespmem:$0x3D0];
	v11 =	vsel vm0, v11, v16  }
0x1fb: {  	v41 =	vld [tilespmem:$0x2D0];
	v5 =	vadd.f32 v7, v5;
	v2 =	vadd.f32 v36, v2;
	vm0 =	vlt.s32 v11, $0x1  }
0x1fc: {  	v42 =	vld [tilespmem:$0x1D0];
	v1 =	vadd.f32 v39, v1;
	v9 =	vmul.u32 v9, v11;
	v43 =	vnsel vm0, $0x1, v11  }
0x1fd: {  	v48 =	vmul.f32 v46, v45;
	v12 =	vadd.f32 v40, v6;
	v6 =	vsub.s32 $0x1, v43  }
0x1fe: {  	v7 =	vadd.f32 v47, v8;
	vm10 =	vlt.s32 v9, $0x1;
	v18 =	vcvt.s32.f32 v6  }
0x1ff: {  	v4 =	vadd.f32 v10, v4;
	v24 =	vsub.f32 $1.000000000e+00, v63;
	v6 =	vld [tilespmem:$0xE0];
	v50 =	vnsel vm10, $0x1, v9  }
0x200: {  	v11 =	vadd.f32 v48, v3;
	v8 =	vcvt.s32.f32 v50;
	v49 =	vmul.f32 v18, v41  }
0x201: {  	v51 =	vmul.f32 v18, v42;
	v0 =	vadd.f32 v18, v0;
	v28 =	vsub.f32 $1.000000000e+00, v18  }
0x202: {  	v15 =	vmul.f32 v18, v63;
	v10 =	vmul.f32 v8, v41;
	v5 =	vadd.f32 v8, v5  }
0x203: {  	v61 =	vmul.f32 v8, v42;
	v2 =	vadd.f32 v49, v2;
	v1 =	vadd.f32 v51, v1  }
0x204: {  	v52 =	vadd.s32 $0xFFFFFFFB, v6;
	v53 =	vadd.s32 $0xFFFFFFF4, v6;
	v56 =	vadd.s32 $0xFFFFFFE9, v6  }
0x205: {  	v58 =	vadd.s32 $0xFFFFFFDB, v6;
	v60 =	vadd.s32 $0xFFFFFFD7, v6;
	v17 =	vadd.s32 $0xFFFFFFC6, v6  }
0x206: {  	v21 =	vadd.s32 $0xFFFFFFBE, v6;
	v23 =	vadd.s32 $0xFFFFFFB6, v6;
	v27 =	vadd.s32 $0xFFFFFFA7, v6  }
0x207: {  	v30 =	vadd.s32 $0xFFFFFF9F, v6;
	v54 =	vsub.s32 $0x0, v52;
	v55 =	vsub.s32 $0x0, v53  }
0x208: {  	v33 =	vadd.s32 $0xFFFFFF99, v6;
	v3 =	vmin.u32 v52, v54;
	v9 =	vmin.u32 v53, v55  }
0x209: {  	v41 =	vadd.s32 $0xFFFFFF8A, v6;
	v57 =	vsub.s32 $0x0, v56;
	vm11 =	vlt.s32 v3, v9  }
0x20a: {  	v47 =	vadd.s32 $0xFFFFFF81, v6;
	v13 =	vmin.u32 v56, v57;
	v9 =	vsel vm11, v3, v9  }
0x20b: {  	v59 =	vsub.s32 $0x0, v58;
	v62 =	vsub.s32 $0x0, v60;
	vm0 =	vlt.s32 v9, v13  }
0x20c: {  	v3 =	vadd.f32 v10, v4;
	v4 =	vmin.u32 v58, v59;
	v9 =	vsel vm0, v9, v13  }
0x20d: {  	v19 =	vsub.s32 $0x0, v17;
	v22 =	vsub.s32 $0x0, v21;
	vm0 =	vlt.s32 v9, v4  }
0x20e: {  	v25 =	vsub.s32 $0x0, v23;
	v10 =	vmin.u32 v60, v62;
	v9 =	vsel vm0, v9, v4  }
0x20f: {  	v29 =	vsub.s32 $0x0, v27;
	v31 =	vsub.s32 $0x0, v30;
	vm0 =	vlt.s32 v9, v10  }
0x210: {  	v34 =	vsub.s32 $0x0, v33;
	v20 =	vmin.u32 v17, v19;
	v9 =	vsel vm0, v9, v10  }
0x211: {  	v42 =	vsub.s32 $0x0, v41;
	v49 =	vsub.s32 $0x0, v47;
	vm0 =	vlt.s32 v9, v20  }
0x212: {  	v8 =	vmin.u32 v21, v22;
	v26 =	vmin.u32 v23, v25;
	v9 =	vsel vm0, v9, v20  }
0x213: {  	v32 =	vmin.u32 v30, v31;
	v54 =	vadd.s32 $0xFFFFFF7A, v6;
	vm0 =	vlt.s32 v9, v8  }
0x214: {  	v22 =	vadd.s32 $0xFFFFFF65, v6;
	v56 =	vsub.s32 $0x0, v54;
	v8 =	vsel vm0, v9, v8  }
0x215: {  	v4 =	vadd.f32 v61, v12;
	v12 =	vmul.f32 v28, v24;
	v9 =	vld [tilespmem:$0xF0];
	vm0 =	vlt.s32 v8, v26  }
0x216: {  	v61 =	vadd.s32 $0xFFFFFF6B, v6;
	v10 =	vmin.u32 v27, v29;
	v8 =	vsel vm0, v8, v26  }
0x217: {  	v6 =	vadd.s32 $0xFFFFF446, v6;
	v26 =	vsub.s32 $0x0, v22;
	vm0 =	vlt.s32 v8, v10  }
0x218: {  	v63 =	vsub.s32 $0x0, v61;
	v14 =	vmin.u32 v22, v26;
	v10 =	vsel vm0, v8, v10  }
0x219: {  	v8 =	vadd.f32 v15, v7;
	v7 =	vadd.f32 v12, v11;
	v11 =	vmin.u32 v33, v34  }
0x21a: {  	vm0 =	vlt.s32 v10, v32;
	v35 =	vadd.s32 $0xFFFFFFFB, v9;
	v36 =	vadd.s32 $0xFFFFFFF4, v9  }
0x21b: {  	v39 =	vadd.s32 $0xFFFFFFE9, v9;
	v43 =	vadd.s32 $0xFFFFFFDB, v9;
	v45 =	vadd.s32 $0xFFFFFFD7, v9  }
0x21c: {  	v50 =	vadd.s32 $0xFFFFFFC6, v9;
	v52 =	vadd.s32 $0xFFFFFFBE, v9;
	v57 =	vadd.s32 $0xFFFFFFB6, v9  }
0x21d: {  	v59 =	vadd.s32 $0xFFFFFFA7, v9;
	v16 =	vadd.s32 $0xFFFFFF9F, v9;
	v18 =	vadd.s32 $0xFFFFFF99, v9  }
0x21e: {  	v21 =	vadd.s32 $0xFFFFFF8A, v9;
	v25 =	vadd.s32 $0xFFFFFF81, v9;
	v29 =	vadd.s32 $0xFFFFFF7A, v9  }
0x21f: {  	v33 =	vadd.s32 $0xFFFFFF6B, v9;
	v10 =	vsel vm0, v10, v32;
	v37 =	vsub.s32 $0x0, v35  }
0x220: {  	v38 =	vsub.s32 $0x0, v36;
	v40 =	vsub.s32 $0x0, v39;
	v44 =	vsub.s32 $0x0, v43  }
0x221: {  	v46 =	vsub.s32 $0x0, v45;
	v12 =	vmin.u32 v35, v37;
	v13 =	vmin.u32 v36, v38  }
0x222: {  	v51 =	vsub.s32 $0x0, v50;
	vm0 =	vlt.s32 v10, v11;
	vm12 =	vlt.s32 v12, v13  }
0x223: {  	v10 =	vsel vm0, v10, v11;
	v11 =	vmin.u32 v39, v40;
	v12 =	vsel vm12, v12, v13  }
0x224: {  	v53 =	vsub.s32 $0x0, v52;
	v58 =	vsub.s32 $0x0, v57;
	vm0 =	vlt.s32 v12, v11  }
0x225: {  	v60 =	vsub.s32 $0x0, v59;
	v11 =	vsel vm0, v12, v11;
	v12 =	vmin.u32 v43, v44  }
0x226: {  	v17 =	vsub.s32 $0x0, v16;
	v19 =	vsub.s32 $0x0, v18;
	vm14 =	vlt.s32 v11, v12  }
0x227: {  	v23 =	vsub.s32 $0x0, v21;
	v48 =	vmin.u32 v45, v46;
	v11 =	vsel vm14, v11, v12  }
0x228: {  	v27 =	vsub.s32 $0x0, v25;
	v30 =	vsub.s32 $0x0, v29;
	vm0 =	vlt.s32 v11, v48  }
0x229: {  	v32 =	vsub.s32 $0x0, v6;
	v12 =	vmin.u32 v50, v51;
	v11 =	vsel vm0, v11, v48  }
0x22a: {  	v34 =	vsub.s32 $0x0, v33;
	v55 =	vmin.u32 v52, v53;
	vm4 =	vlt.s32 v11, v12  }
0x22b: {  	v62 =	vmin.u32 v59, v60;
	v20 =	vmin.u32 v18, v19;
	v11 =	vsel vm4, v11, v12  }
0x22c: {  	v24 =	vmin.u32 v21, v23;
	v28 =	vmin.u32 v25, v27;
	vm0 =	vlt.s32 v11, v55  }
0x22d: {  	v31 =	vmin.u32 v29, v30;
	v12 =	vmin.u32 v57, v58;
	v11 =	vsel vm0, v11, v55  }
0x22e: {  	v6 =	vmin.u32 v6, v32;
	v13 =	vmin.u32 v41, v42;
	vm6 =	vlt.s32 v11, v12  }
0x22f: {  	v35 =	vadd.s32 $0xFFFFFF65, v9;
	vm13 =	vlt.s32 v10, v13;
	v11 =	vsel vm6, v11, v12  }
0x230: {  	v10 =	vsel vm13, v10, v13;
	v13 =	vmin.u32 v47, v49;
	vm0 =	vlt.s32 v11, v62  }
0x231: {  	vm15 =	vlt.s32 v10, v13;
	v12 =	vmin.u32 v16, v17;
	v11 =	vsel vm0, v11, v62  }
0x232: {  	v10 =	vsel vm15, v10, v13;
	v13 =	vmin.u32 v54, v56;
	vm8 =	vlt.s32 v11, v12  }
0x233: {  	v9 =	vadd.s32 $0xFFFFF446, v9;
	vm5 =	vlt.s32 v10, v13;
	v11 =	vsel vm8, v11, v12  }
0x234: {  	v47 =	vld [tilespmem:$0x3E0];
	v10 =	vsel vm5, v10, v13;
	v13 =	vmin.u32 v61, v63;
	vm0 =	vlt.s32 v11, v20  }
0x235: {  	v37 =	vsub.s32 $0x0, v35;
	vm7 =	vlt.s32 v10, v13;
	v11 =	vsel vm0, v11, v20  }
0x236: {  	v39 =	vmin.u32 v35, v37;
	v10 =	vsel vm7, v10, v13;
	vm0 =	vlt.s32 v11, v24  }
0x237: {  	v41 =	vsub.s32 $0x0, v9;
	vm9 =	vlt.s32 v10, v14;
	v11 =	vsel vm0, v11, v24  }
0x238: {  	v9 =	vmin.u32 v9, v41;
	v50 =	vld [tilespmem:$0x3F0];
	v10 =	vsel vm9, v10, v14;
	vm0 =	vlt.s32 v11, v28  }
0x239: {  	v36 =	vld [tilespmem:$0x2E0];
	v54 =	vsub.f32 $1.000000000e+00, v47;
	vm11 =	vlt.s32 v10, $0x1;
	v11 =	vsel vm0, v11, v28  }
0x23a: {  	v38 =	vld [tilespmem:$0x1E0];
	v6 =	vmul.u32 v6, v10;
	v10 =	vnsel vm11, $0x1, v10;
	vm10 =	vlt.s32 v11, v31  }
0x23b: {  	v10 =	vsub.s32 $0x1, v10;
	v12 =	vmin.u32 v33, v34;
	v11 =	vsel vm10, v11, v31  }
0x23c: {  	vm13 =	vlt.s32 v6, $0x1;
	v10 =	vcvt.s32.f32 v10;
	vm12 =	vlt.s32 v11, v12  }
0x23d: {  	v57 =	vsub.f32 $1.000000000e+00, v50;
	v6 =	vnsel vm13, $0x1, v6;
	v11 =	vsel vm12, v11, v12  }
0x23e: {  	v6 =	vcvt.s32.f32 v6;
	v42 =	vmul.f32 v10, v36;
	vm14 =	vlt.s32 v11, v39  }
0x23f: {  	v45 =	vmul.f32 v10, v38;
	v0 =	vadd.f32 v10, v0;
	v11 =	vsel vm14, v11, v39  }
0x240: {  	v40 =	vld [tilespmem:$0x2F0];
	v53 =	vmul.f32 v10, v47;
	vm0 =	vlt.s32 v11, $0x1;
	v9 =	vmul.u32 v9, v11  }
0x241: {  	v43 =	vld [tilespmem:$0x1F0];
	v10 =	vsub.f32 $1.000000000e+00, v10;
	v14 =	vmul.f32 v6, v36;
	v44 =	vnsel vm0, $0x1, v11  }
0x242: {  	v48 =	vmul.f32 v6, v38;
	v17 =	vsub.s32 $0x1, v44;
	vm15 =	vlt.s32 v9, $0x1  }
0x243: {  	v5 =	vadd.f32 v6, v5;
	v46 =	vcvt.s32.f32 v17;
	v9 =	vnsel vm15, $0x1, v9  }
0x244: {  	v2 =	vadd.f32 v42, v2;
	v1 =	vadd.f32 v45, v1;
	v9 =	vcvt.s32.f32 v9  }
0x245: {  	v56 =	vmul.f32 v10, v54;
	v49 =	vmul.f32 v46, v40;
	v0 =	vadd.f32 v46, v0  }
0x246: {  	v3 =	vadd.f32 v14, v3;
	v51 =	vmul.f32 v46, v43;
	v62 =	vadd.f32 v9, v5  }
0x247: {  	v4 =	vadd.f32 v48, v4;
	v52 =	vmul.f32 v9, v40;
	v2 =	vadd.f32 v49, v2;
	[tilespmem:$0x500] =	vst v0  }
0x248: {  	v58 =	vsub.f32 $1.000000000e+00, v46;
	v55 =	vmul.f32 v9, v43;
	v1 =	vadd.f32 v51, v1;
	[tilespmem:$0x680] =	vst v62  }
0x249: {  	v59 =	vadd.f32 v53, v8;
	v60 =	vmul.f32 v46, v50;
	v3 =	vadd.f32 v52, v3;
	[tilespmem:$0x400] =	vst v2  }
0x24a: {  	v61 =	vadd.f32 v56, v7;
	v63 =	vmul.f32 v58, v57;
	v4 =	vadd.f32 v55, v4;
	[tilespmem:$0x480] =	vst v1  }
0x24b: {  	v1 =	vadd.f32 v60, v59;
	[tilespmem:$0x580] =	vst v3  }
0x24c: {  	v0 =	vadd.f32 v63, v61;
	[tilespmem:$0x600] =	vst v4  }
0x24d: {  	p0 =	sne.s32 s8, $0x1;
	[tilespmem:$0x700] =	vst v1  }
.Ltmp0:
0x24e: {  	[tilespmem:$0x780] =	vst v0;
	(pc) =	sbr.rel @p0 .LBB2_1-.Ltmp0, $4  }
0x24f: {  	[hbm4b:s7+s2] =	stream.linear.scatter [tilespmem:s13], [sflag:$0x1], $0x400, $0x38;
	[tilespmem:$0x800] =	vst v63  }
0x250: {  	_ =	swait.ge [sflag:s9], $0x400  }
0x251: {  	[sflag:s9] =	ssyncset.done $0x0  }
0x252: {  	s8 =	sadd.s32 $0xFFFFFFFF, s8;
	[sflag:s9] =	ssyncadd.s32 $0xFFFFFC00  }
0x253: {  	_ =	sfence.sel $0x180000  }
0x254: {  	[bflag:$0x0] =	sbarrier.arrive $0xFFFF  }
0x255: {  	p0 =	sne.s32 s1, $0x0;
	_ =	strace $0x90000047  }
0x256: {  	s0 =	sadd.s32 @!p0 $0x100000, s0;
	[bflag:$0x2] =	sbarrier.arrive $0xFFFF  }
0x257: {  	[sflag:s0] =	ssyncadd.tile.s32 @!p0 $0x1;
	_ =	shalt  }
.Lfunc_end2:
_tile_overlayer_lowered:
.L_overlay_start_2:
0x258: {  	(tag) =	ssettag $0x2  }
0x259: {  	s0 =	rddreg [dreg:$0x0];
	s2 =	stileid.u32  }
0x25a: {  	s1 =	rddreg [dreg:$0x1];
	p0 =	sne.s32 s2, $0x0  }
0x25b: {  	s3 =	rddreg [dreg:$0x2];
	[bflag:$0x3] =	sbarrier.arrive $0xFFFF;
	s2 =	simm.s32 @!p0 $0x1C01  }
0x25c: {  	[timem:s3], [sflag:s2] =	dma.local @!p0 [hbm:s0], s1  }
0x25d: {  	s0 =	simm.s32 @!p0 $0x1  }
0x25e: {  	_ =	swait.ge @!p0 [sflag:s0], s1  }
0x25f: {  	s1 =	ssub.s32 @!p0 $0x0, s1;
	[sflag:s0] =	ssyncset.done @!p0 $0x0  }
0x260: {  	[sflag:s0] =	ssyncadd.s32 @!p0 s1  }
0x261: {  	[bflag:$0x3] =	sbarrier.arrive $0xFFFF  }
0x262: {  	_ =	shalt  }

</sc_bundles>
